<compile_context>
chip_gen: v7x
topology: tpu7x:2x2x1
jax: 0.10.2.dev20260603
libtpu: 0.0.44.dev20260713+nightly
codegen_flags: <defaults>
</compile_context>

<pallas_src>
import functools

import jax
import jax.numpy as jnp
from jax import lax
from jax.experimental import pallas as pl
from jax.experimental.pallas import tpu as pltpu
from jax.experimental.pallas import tpu_sc as plsc

_MOVE_COST = 0.01
_NUM_SIM = 4

H = W = 4096
T = 512
L = 16
NT = 16
TPT = T // NT
LITER = TPT // L
CLEN = TPT + L
NSETS_F = 9
NRED = 5


@functools.cache
def _build_kernel():
  mesh = plsc.VectorSubcoreMesh(
      core_axis_name="c", subcore_axis_name="s", num_cores=1)

  @functools.partial(
      pl.kernel,
      mesh=mesh,
      out_type=jax.ShapeDtypeStruct((L,), jnp.float32),
      scratch_types=[
          [pltpu.VMEM((CLEN,), jnp.int32) for _ in range(6)],
          pltpu.VMEM((NSETS_F * TPT,), jnp.int32),
          pltpu.VMEM((NSETS_F * TPT,), jnp.float32),
          pltpu.VMEM((4 * TPT,), jnp.int32),
          pltpu.VMEM((NRED, L), jnp.float32),
          pltpu.VMEM((NT * NRED, L), jnp.float32),
          pltpu.VMEM_SHARED((NT * NRED, L), jnp.float32),
          pltpu.VMEM((L,), jnp.float32),
          pltpu.SemaphoreType.DMA,
      ],
  )
  def loss_kernel(cm_hbm, pred_hbm, occ_hbm, ex_hbm, ey_hbm, bx_hbm, by_hbm,
                  gx_hbm, gy_hbm, out_hbm, coord_v, idx_v, fval_v, ival_v,
                  part_v, allp_v, shared_v, out_v, sem):
    cid = lax.axis_index("c")
    sid = lax.axis_index("s")

    @pl.when(cid == 0)
    def _():
      base = pl.multiple_of(sid * TPT, 8)
      srcs = (ex_hbm, ey_hbm, bx_hbm, by_hbm, gx_hbm, gy_hbm)
      ccopies = [
          pltpu.async_copy(src.at[pl.ds(base, CLEN)], coord_v[k], sem)
          for k, src in enumerate(srcs)
      ]
      for c in ccopies:
        c.wait()
      ex_v, ey_v, bx_v, by_v, gx_v, gy_v = coord_v

      zi = jnp.zeros((L,), jnp.int32)
      acc_steps_e = zi
      acc_steps_b = zi
      acc_steps_g = zi

      def paddr(x, y):
        return (((x >> 3) << 15) + ((y >> 7) << 10)
                + ((x & 7) << 7) + (y & 127))

      coords = []
      for i in range(LITER):
        t0 = i * L
        col = i * L
        exv = ex_v[pl.ds(t0, L)]
        eyv = ey_v[pl.ds(t0, L)]
        bxv = bx_v[pl.ds(t0, L)]
        byv = by_v[pl.ds(t0, L)]
        gxv = gx_v[pl.ds(t0, L)]
        gyv = gy_v[pl.ds(t0, L)]
        coords.append((exv, eyv, bxv, byv, gxv, gyv))
        idx_v[pl.ds(0 * TPT + col, L)] = paddr(exv, eyv)
        idx_v[pl.ds(1 * TPT + col, L)] = paddr(bxv, byv)
        idx_v[pl.ds(2 * TPT + col, L)] = paddr(gxv, gyv)

        exn = ex_v[pl.ds(t0 + 1, L)]
        eyn = ey_v[pl.ds(t0 + 1, L)]
        bxn = bx_v[pl.ds(t0 + 1, L)]
        byn = by_v[pl.ds(t0 + 1, L)]
        gxn = gx_v[pl.ds(t0 + 1, L)]
        gyn = gy_v[pl.ds(t0 + 1, L)]
        acc_steps_e = acc_steps_e + jnp.abs(exn - exv) + jnp.abs(eyn - eyv)
        acc_steps_b = acc_steps_b + jnp.abs(bxn - bxv) + jnp.abs(byn - byv)
        acc_steps_g = acc_steps_g + jnp.abs(gxn - gxv) + jnp.abs(gyn - gyv)

      copies = [
          pltpu.async_copy(cm_hbm.at[idx_v.at[pl.ds(0, 3 * TPT)]],
                           fval_v.at[pl.ds(0, 3 * TPT)], sem),
          pltpu.async_copy(pred_hbm.at[idx_v.at[pl.ds(TPT, 2 * TPT)]],
                           ival_v.at[pl.ds(0, 2 * TPT)], sem),
          pltpu.async_copy(occ_hbm.at[idx_v.at[pl.ds(TPT, 2 * TPT)]],
                           ival_v.at[pl.ds(2 * TPT, 2 * TPT)], sem),
      ]

      def isign(d):
        return (jnp.where(d > 0, zi + 1, zi)
                + jnp.where(d < 0, zi - 1, zi))

      for i in range(LITER):
        col = i * L
        exv, eyv, bxv, byv, gxv, gyv = coords[i]
        for base_set, ox, oy in ((3, bxv, byv), (6, gxv, gyv)):
          sgx = isign(ox - exv)
          sgy = isign(oy - eyv)
          for j in range(1, _NUM_SIM):
            cx = ox + j * sgx
            cy = oy + j * sgy
            cx = jnp.where(cx < 0, cx + H, cx)
            cy = jnp.where(cy < 0, cy + W, cy)
            idx_v[pl.ds((base_set + (j - 1)) * TPT + col, L)] = paddr(cx, cy)

      copies.append(pltpu.async_copy(
          cm_hbm.at[idx_v.at[pl.ds(3 * TPT, 4 * TPT)]],
          fval_v.at[pl.ds(3 * TPT, 4 * TPT)], sem))
      copies.append(pltpu.async_copy(
          cm_hbm.at[idx_v.at[pl.ds(7 * TPT, 2 * TPT)]],
          fval_v.at[pl.ds(7 * TPT, 2 * TPT)], sem))
      for c in copies:
        c.wait()

      zf = jnp.zeros((L,), jnp.float32)
      acc_lin = zf
      acc_s1 = zf
      acc_c1 = zf
      acc_s2 = zf
      acc_c2 = zf
      one = jnp.full((L,), 1.0, jnp.float32)
      for i in range(LITER):
        t0 = i * L
        col = i * L
        ev = fval_v[pl.ds(0 * TPT + col, L)]
        bv = fval_v[pl.ds(1 * TPT + col, L)]
        gv = fval_v[pl.ds(2 * TPT + col, L)]

        pb = ival_v[pl.ds(0 * TPT + col, L)]
        pg = ival_v[pl.ds(1 * TPT + col, L)]
        ob = ival_v[pl.ds(2 * TPT + col, L)]
        og = ival_v[pl.ds(3 * TPT + col, L)]
        mb = jnp.where(jnp.logical_and(pb == 1, ob == 1), one, zf)
        mg = jnp.where(jnp.logical_and(pg == 1, og == 1), one, zf)

        acc_lin = (acc_lin + (3.0 / T) * ev - (1.0 / T) * gv
                   - (1.0 / T) * (bv * mb + gv * mg))

        exv, _, bxv, _, gxv, _ = coords[i]
        cbf = jnp.where(jnp.abs(bxv - exv) > 1, one, zf)
        cgf = jnp.where(jnp.abs(gxv - exv) > 1, one, zf)
        sim_b = (2.0 * bv + fval_v[pl.ds(3 * TPT + col, L)]
                 + fval_v[pl.ds(4 * TPT + col, L)]
                 + fval_v[pl.ds(5 * TPT + col, L)])
        sim_g = (2.0 * gv + fval_v[pl.ds(6 * TPT + col, L)]
                 + fval_v[pl.ds(7 * TPT + col, L)]
                 + fval_v[pl.ds(8 * TPT + col, L)])
        acc_s1 = acc_s1 + cbf * sim_b
        acc_c1 = acc_c1 + cbf
        acc_s2 = acc_s2 + cgf * sim_g
        acc_c2 = acc_c2 + cgf

      acc_lin = (acc_lin
                 + (3.0 * _MOVE_COST) * acc_steps_e.astype(jnp.float32)
                 - _MOVE_COST * acc_steps_b.astype(jnp.float32)
                 - (2.0 * _MOVE_COST) * acc_steps_g.astype(jnp.float32))

      part_v[0, pl.ds(0, L)] = acc_lin
      part_v[1, pl.ds(0, L)] = acc_s1
      part_v[2, pl.ds(0, L)] = acc_c1
      part_v[3, pl.ds(0, L)] = acc_s2
      part_v[4, pl.ds(0, L)] = acc_c2
      pltpu.sync_copy(part_v, shared_v.at[pl.ds(sid * NRED, NRED)])

    plsc.subcore_barrier()

    @pl.when(jnp.logical_and(cid == 0, sid == 0))
    def _():
      pltpu.sync_copy(shared_v, allp_v)
      sums = []
      for r in range(NRED):
        acc = allp_v[r, pl.ds(0, L)]
        for w in range(1, NT):
          acc = acc + allp_v[w * NRED + r, pl.ds(0, L)]
        s = acc[0]
        for j in range(1, L):
          s = s + acc[j]
        sums.append(s)
      s_lin, s_s1, s_c1, s_s2, s_c2 = sums

      def bc(x):
        return jnp.broadcast_to(x, (L,))

      nsim1 = jnp.float32(_NUM_SIM + 1)
      out_v[...] = (bc(s_lin) - bc(s_s1) / (nsim1 * bc(s_c1))
                    - bc(s_s2) / (nsim1 * bc(s_c2)))
      pltpu.sync_copy(out_v, out_hbm)

  return loss_kernel


def _phys_flat(m):
  return m.reshape(512, 8, 32, 128).transpose(0, 2, 1, 3).reshape(-1)


@jax.jit
def kernel(cm, pred_map, occ, exp_traj, best_traj, gen):
  cmf = _phys_flat(cm)
  predf = _phys_flat(pred_map)
  occf = _phys_flat(occ)

  def pad(col):
    return jnp.pad(col, (0, L), mode="edge")

  out = _build_kernel()(
      cmf, predf, occf,
      pad(exp_traj[:, 0]), pad(exp_traj[:, 1]),
      pad(best_traj[:, 0]), pad(best_traj[:, 1]),
      pad(gen[:, 0]), pad(gen[:, 1]),
  )
  return out[0]

# --- scband reference (transcript-rebuilt; emitter-appended) ---
"""Pipeline reference for scband-loss-13898514170466 (READ-ONLY COPY).

The authoritative reference and input builder live on the scoring server;
editing this copy changes nothing except your own understanding.
"""

import jax, jax.numpy as jnp
import numpy as np

MOVE_COST = 0.01
NUM_SIM = 4


def setup_inputs(seed: int = 0) -> dict:
    key = jax.random.key(seed)
    ks = jax.random.split(key, 6)
    H = W = 4096
    T = 512
    cm = jax.random.normal(ks[0], (H, W), dtype=jnp.float32)
    pred_map = jax.random.randint(ks[1], (H, W), 0, 4, dtype=jnp.int32)
    occ = jax.random.randint(ks[2], (H, W), 0, 2, dtype=jnp.int32)
    exp_traj = jax.random.randint(ks[3], (T, 2), 0, 4090, dtype=jnp.int32)
    best_traj = jax.random.randint(ks[4], (T, 2), 0, 4090, dtype=jnp.int32)
    gen = jax.random.randint(ks[5], (T, 2), 0, 4090, dtype=jnp.int32)
    return {"cm": cm, "pred_map": pred_map, "occ": occ, "exp_traj": exp_traj, "best_traj": best_traj, "gen": gen}


def _compute_cost(cmap, traj, move_cost):
    # trajectories.compute_cost: gather cost-map values along the trajectory,
    # mean cell cost plus move_cost * total L1 path length.
    vals = cmap[traj[:, 0], traj[:, 1]]
    steps = jnp.abs(jnp.diff(traj, axis=0)).sum().astype(jnp.float32)
    return vals.mean() + move_cost * steps


def _similarity_loss(cmap, exp, best, num_sim):
    diff = best - exp
    cond = (jnp.sign(diff[:, 0]) != 0) & (jnp.abs(diff[:, 0]) > 1)
    sign = jnp.sign(diff)
    condf = cond.astype(jnp.float32)
    vals_list = []
    for j in [0] + list(range(num_sim)):
        coords = best + j * sign
        gathered = cmap[coords[:, 0], coords[:, 1]]
        vals_list.append(jnp.where(cond, gathered, jnp.float32(0.0)))
    total = jnp.concatenate(vals_list, axis=0).sum()
    count = condf.sum() * (num_sim + 1)
    return total / count


def reference(cm, pred_map, occ, exp_traj, best_traj, gen):
    exp_loss = _compute_cost(cm, exp_traj, MOVE_COST)
    best_loss = _compute_cost(cm, best_traj, MOVE_COST)
    gen_loss = _compute_cost(cm, gen, MOVE_COST)
    sim_loss = _similarity_loss(cm, exp_traj, best_traj, NUM_SIM) + _similarity_loss(cm, exp_traj, gen, NUM_SIM)
    car_rb_mask = (pred_map >= 2).astype(jnp.float32)
    scan_seg_mask = ((occ == 1) & (pred_map == 1)).astype(jnp.float32)
    scan_cm_mask = ((occ == 1) & (pred_map == 1)).astype(jnp.float32)
    obj_loss = _compute_cost(cm * car_rb_mask, best_traj, MOVE_COST)
    scan_loss = _compute_cost(cm * scan_seg_mask, gen, MOVE_COST) + _compute_cost(cm * scan_seg_mask, best_traj, MOVE_COST)
    scan_cm = _compute_cost(cm * scan_cm_mask, gen, MOVE_COST)
    # extra == '' -> 'sim' not in extra
    loss = 3.0 * exp_loss - scan_loss - gen_loss - sim_loss
    return loss

if __name__ == "__main__":
    import jax
    _d = setup_inputs()
    print(jax.jit(kernel)(*tuple(_d.values())))

</pallas_src>

<mosaic_0001>
#map = affine_map<(d0, d1) -> (0)>
module attributes {stable_mosaic.version = 14 : i64} {
  func.func @loss_kernel(%arg0: i32, %arg1: i32, %arg2: memref<16777216xf32, #tpu.memory_space<hbm>>, %arg3: memref<16777216xi32, #tpu.memory_space<hbm>>, %arg4: memref<16777216xi32, #tpu.memory_space<hbm>>, %arg5: memref<528xi32, #tpu.memory_space<hbm>>, %arg6: memref<528xi32, #tpu.memory_space<hbm>>, %arg7: memref<528xi32, #tpu.memory_space<hbm>>, %arg8: memref<528xi32, #tpu.memory_space<hbm>>, %arg9: memref<528xi32, #tpu.memory_space<hbm>>, %arg10: memref<528xi32, #tpu.memory_space<hbm>>, %arg11: memref<16xf32, #tpu.memory_space<hbm>>, %arg12: memref<48xi32, #tpu.memory_space<vmem>>, %arg13: memref<48xi32, #tpu.memory_space<vmem>>, %arg14: memref<48xi32, #tpu.memory_space<vmem>>, %arg15: memref<48xi32, #tpu.memory_space<vmem>>, %arg16: memref<48xi32, #tpu.memory_space<vmem>>, %arg17: memref<48xi32, #tpu.memory_space<vmem>>, %arg18: memref<288xi32, #tpu.memory_space<vmem>>, %arg19: memref<288xf32, #tpu.memory_space<vmem>>, %arg20: memref<128xi32, #tpu.memory_space<vmem>>, %arg21: memref<5x16xf32, #tpu.memory_space<vmem>>, %arg22: memref<80x16xf32, #tpu.memory_space<vmem>>, %arg23: memref<80x16xf32, #tpu.memory_space<vmem_shared>>, %arg24: memref<16xf32, #tpu.memory_space<vmem>>, %arg25: memref<!tpu.dma_semaphore, #tpu.memory_space<semaphore_mem>>) attributes {dimension_semantics = [#tpu.dimension_semantics<core_parallel>, #tpu.dimension_semantics<subcore_parallel>], iteration_bounds = array<i64: 1, 16>, scalar_prefetch = 0 : i64, scratch_operands = 14 : i64, tpu.core_type = #tpu.core_type<sc_vector_subcore>, window_params = [{transform_indices = #map}, {transform_indices = #map}, {transform_indices = #map}, {transform_indices = #map}, {transform_indices = #map}, {transform_indices = #map}, {transform_indices = #map}, {transform_indices = #map}, {transform_indices = #map}, {transform_indices = #map}]} {
    %eq3A = arith.constant 0 : i32
    %eq3A_0 = arith.cmpi eq, %arg0, %eq3A : i32
    %convert_element_type3A = arith.extui %eq3A_0 : i1 to i32
    %cond3A = arith.constant 0 : i32
    %cond3A_1 = arith.cmpi ne, %convert_element_type3A, %cond3A : i32
    scf.if %cond3A_1 {
      %mul3A = arith.constant 32 : i32
      %mul3A_9 = arith.muli %arg1, %mul3A : i32
      %multiple_of3A = tpu.assume_multiple %mul3A_9, 8 : i32
      %dma_start3A = tpu.memref_slice %arg5[%multiple_of3A] : memref<528xi32, #tpu.memory_space<hbm>> -> memref<48xi32, #tpu.memory_space<hbm>>
      %dma_start3A_10 = tpu.memref_slice %arg5[%multiple_of3A] : memref<528xi32, #tpu.memory_space<hbm>> -> memref<48xi32, #tpu.memory_space<hbm>>
      tpu.enqueue_dma source(%dma_start3A_10 : memref<48xi32, #tpu.memory_space<hbm>>) target(%arg12 : memref<48xi32, #tpu.memory_space<vmem>>) target_semaphore(%arg25 : memref<!tpu.dma_semaphore, #tpu.memory_space<semaphore_mem>>)
      %dma_start3A_11 = tpu.memref_slice %arg6[%multiple_of3A] : memref<528xi32, #tpu.memory_space<hbm>> -> memref<48xi32, #tpu.memory_space<hbm>>
      %dma_start3A_12 = tpu.memref_slice %arg6[%multiple_of3A] : memref<528xi32, #tpu.memory_space<hbm>> -> memref<48xi32, #tpu.memory_space<hbm>>
      tpu.enqueue_dma source(%dma_start3A_12 : memref<48xi32, #tpu.memory_space<hbm>>) target(%arg13 : memref<48xi32, #tpu.memory_space<vmem>>) target_semaphore(%arg25 : memref<!tpu.dma_semaphore, #tpu.memory_space<semaphore_mem>>)
      %dma_start3A_13 = tpu.memref_slice %arg7[%multiple_of3A] : memref<528xi32, #tpu.memory_space<hbm>> -> memref<48xi32, #tpu.memory_space<hbm>>
      %dma_start3A_14 = tpu.memref_slice %arg7[%multiple_of3A] : memref<528xi32, #tpu.memory_space<hbm>> -> memref<48xi32, #tpu.memory_space<hbm>>
      tpu.enqueue_dma source(%dma_start3A_14 : memref<48xi32, #tpu.memory_space<hbm>>) target(%arg14 : memref<48xi32, #tpu.memory_space<vmem>>) target_semaphore(%arg25 : memref<!tpu.dma_semaphore, #tpu.memory_space<semaphore_mem>>)
      %dma_start3A_15 = tpu.memref_slice %arg8[%multiple_of3A] : memref<528xi32, #tpu.memory_space<hbm>> -> memref<48xi32, #tpu.memory_space<hbm>>
      %dma_start3A_16 = tpu.memref_slice %arg8[%multiple_of3A] : memref<528xi32, #tpu.memory_space<hbm>> -> memref<48xi32, #tpu.memory_space<hbm>>
      tpu.enqueue_dma source(%dma_start3A_16 : memref<48xi32, #tpu.memory_space<hbm>>) target(%arg15 : memref<48xi32, #tpu.memory_space<vmem>>) target_semaphore(%arg25 : memref<!tpu.dma_semaphore, #tpu.memory_space<semaphore_mem>>)
      %dma_start3A_17 = tpu.memref_slice %arg9[%multiple_of3A] : memref<528xi32, #tpu.memory_space<hbm>> -> memref<48xi32, #tpu.memory_space<hbm>>
      %dma_start3A_18 = tpu.memref_slice %arg9[%multiple_of3A] : memref<528xi32, #tpu.memory_space<hbm>> -> memref<48xi32, #tpu.memory_space<hbm>>
      tpu.enqueue_dma source(%dma_start3A_18 : memref<48xi32, #tpu.memory_space<hbm>>) target(%arg16 : memref<48xi32, #tpu.memory_space<vmem>>) target_semaphore(%arg25 : memref<!tpu.dma_semaphore, #tpu.memory_space<semaphore_mem>>)
      %dma_start3A_19 = tpu.memref_slice %arg10[%multiple_of3A] : memref<528xi32, #tpu.memory_space<hbm>> -> memref<48xi32, #tpu.memory_space<hbm>>
      %dma_start3A_20 = tpu.memref_slice %arg10[%multiple_of3A] : memref<528xi32, #tpu.memory_space<hbm>> -> memref<48xi32, #tpu.memory_space<hbm>>
      tpu.enqueue_dma source(%dma_start3A_20 : memref<48xi32, #tpu.memory_space<hbm>>) target(%arg17 : memref<48xi32, #tpu.memory_space<vmem>>) target_semaphore(%arg25 : memref<!tpu.dma_semaphore, #tpu.memory_space<semaphore_mem>>)
      %dma_wait3A = tpu.memref_slice %arg5[%multiple_of3A] : memref<528xi32, #tpu.memory_space<hbm>> -> memref<48xi32, #tpu.memory_space<hbm>>
      %dma_wait3A_21 = tpu.memref_slice %arg5[%multiple_of3A] : memref<528xi32, #tpu.memory_space<hbm>> -> memref<48xi32, #tpu.memory_space<hbm>>
      tpu.wait_dma2 semaphore(%arg25 : memref<!tpu.dma_semaphore, #tpu.memory_space<semaphore_mem>>) src(%dma_wait3A_21 : memref<48xi32, #tpu.memory_space<hbm>>) dst(%arg12 : memref<48xi32, #tpu.memory_space<vmem>>)
      %dma_wait3A_22 = tpu.memref_slice %arg6[%multiple_of3A] : memref<528xi32, #tpu.memory_space<hbm>> -> memref<48xi32, #tpu.memory_space<hbm>>
      %dma_wait3A_23 = tpu.memref_slice %arg6[%multiple_of3A] : memref<528xi32, #tpu.memory_space<hbm>> -> memref<48xi32, #tpu.memory_space<hbm>>
      tpu.wait_dma2 semaphore(%arg25 : memref<!tpu.dma_semaphore, #tpu.memory_space<semaphore_mem>>) src(%dma_wait3A_23 : memref<48xi32, #tpu.memory_space<hbm>>) dst(%arg13 : memref<48xi32, #tpu.memory_space<vmem>>)
      %dma_wait3A_24 = tpu.memref_slice %arg7[%multiple_of3A] : memref<528xi32, #tpu.memory_space<hbm>> -> memref<48xi32, #tpu.memory_space<hbm>>
      %dma_wait3A_25 = tpu.memref_slice %arg7[%multiple_of3A] : memref<528xi32, #tpu.memory_space<hbm>> -> memref<48xi32, #tpu.memory_space<hbm>>
      tpu.wait_dma2 semaphore(%arg25 : memref<!tpu.dma_semaphore, #tpu.memory_space<semaphore_mem>>) src(%dma_wait3A_25 : memref<48xi32, #tpu.memory_space<hbm>>) dst(%arg14 : memref<48xi32, #tpu.memory_space<vmem>>)
      %dma_wait3A_26 = tpu.memref_slice %arg8[%multiple_of3A] : memref<528xi32, #tpu.memory_space<hbm>> -> memref<48xi32, #tpu.memory_space<hbm>>
      %dma_wait3A_27 = tpu.memref_slice %arg8[%multiple_of3A] : memref<528xi32, #tpu.memory_space<hbm>> -> memref<48xi32, #tpu.memory_space<hbm>>
      tpu.wait_dma2 semaphore(%arg25 : memref<!tpu.dma_semaphore, #tpu.memory_space<semaphore_mem>>) src(%dma_wait3A_27 : memref<48xi32, #tpu.memory_space<hbm>>) dst(%arg15 : memref<48xi32, #tpu.memory_space<vmem>>)
      %dma_wait3A_28 = tpu.memref_slice %arg9[%multiple_of3A] : memref<528xi32, #tpu.memory_space<hbm>> -> memref<48xi32, #tpu.memory_space<hbm>>
      %dma_wait3A_29 = tpu.memref_slice %arg9[%multiple_of3A] : memref<528xi32, #tpu.memory_space<hbm>> -> memref<48xi32, #tpu.memory_space<hbm>>
      tpu.wait_dma2 semaphore(%arg25 : memref<!tpu.dma_semaphore, #tpu.memory_space<semaphore_mem>>) src(%dma_wait3A_29 : memref<48xi32, #tpu.memory_space<hbm>>) dst(%arg16 : memref<48xi32, #tpu.memory_space<vmem>>)
      %dma_wait3A_30 = tpu.memref_slice %arg10[%multiple_of3A] : memref<528xi32, #tpu.memory_space<hbm>> -> memref<48xi32, #tpu.memory_space<hbm>>
      %dma_wait3A_31 = tpu.memref_slice %arg10[%multiple_of3A] : memref<528xi32, #tpu.memory_space<hbm>> -> memref<48xi32, #tpu.memory_space<hbm>>
      tpu.wait_dma2 semaphore(%arg25 : memref<!tpu.dma_semaphore, #tpu.memory_space<semaphore_mem>>) src(%dma_wait3A_31 : memref<48xi32, #tpu.memory_space<hbm>>) dst(%arg17 : memref<48xi32, #tpu.memory_space<vmem>>)
      %broadcast_in_dim3A = arith.constant 0 : i32
      %broadcast_in_dim3A_32 = vector.broadcast %broadcast_in_dim3A : i32 to vector<16xi32>
      %get3A = arith.constant 0 : index
      %get3A_33 = tpu.vector_load %arg12[%get3A] {strides = array<i32>} : memref<48xi32, #tpu.memory_space<vmem>>, vector<16xi32>,
      %get3A_34 = vector.shape_cast %get3A_33 : vector<16xi32> to vector<16xi32>
      %get3A_35 = arith.constant 0 : index
      %get3A_36 = tpu.vector_load %arg13[%get3A_35] {strides = array<i32>} : memref<48xi32, #tpu.memory_space<vmem>>, vector<16xi32>,
      %get3A_37 = vector.shape_cast %get3A_36 : vector<16xi32> to vector<16xi32>
      %get3A_38 = arith.constant 0 : index
      %get3A_39 = tpu.vector_load %arg14[%get3A_38] {strides = array<i32>} : memref<48xi32, #tpu.memory_space<vmem>>, vector<16xi32>,
      %get3A_40 = vector.shape_cast %get3A_39 : vector<16xi32> to vector<16xi32>
      %get3A_41 = arith.constant 0 : index
      %get3A_42 = tpu.vector_load %arg15[%get3A_41] {strides = array<i32>} : memref<48xi32, #tpu.memory_space<vmem>>, vector<16xi32>,
      %get3A_43 = vector.shape_cast %get3A_42 : vector<16xi32> to vector<16xi32>
      %get3A_44 = arith.constant 0 : index
      %get3A_45 = tpu.vector_load %arg16[%get3A_44] {strides = array<i32>} : memref<48xi32, #tpu.memory_space<vmem>>, vector<16xi32>,
      %get3A_46 = vector.shape_cast %get3A_45 : vector<16xi32> to vector<16xi32>
      %get3A_47 = arith.constant 0 : index
      %get3A_48 = tpu.vector_load %arg17[%get3A_47] {strides = array<i32>} : memref<48xi32, #tpu.memory_space<vmem>>, vector<16xi32>,
      %get3A_49 = vector.shape_cast %get3A_48 : vector<16xi32> to vector<16xi32>
      %shift_right_arithmetic3A = arith.constant 3 : i32
      %shift_right_arithmetic3A_50 = vector.broadcast %shift_right_arithmetic3A : i32 to vector<16xi32>
      %shift_right_arithmetic3A_51 = arith.shrsi %get3A_34, %shift_right_arithmetic3A_50 : vector<16xi32>
      %shift_left3A = arith.constant 15 : i32
      %shift_left3A_52 = vector.broadcast %shift_left3A : i32 to vector<16xi32>
      %shift_left3A_53 = arith.shli %shift_right_arithmetic3A_51, %shift_left3A_52 : vector<16xi32>
      %shift_right_arithmetic3A_54 = arith.constant 7 : i32
      %shift_right_arithmetic3A_55 = vector.broadcast %shift_right_arithmetic3A_54 : i32 to vector<16xi32>
      %shift_right_arithmetic3A_56 = arith.shrsi %get3A_37, %shift_right_arithmetic3A_55 : vector<16xi32>
      %shift_left3A_57 = arith.constant 10 : i32
      %shift_left3A_58 = vector.broadcast %shift_left3A_57 : i32 to vector<16xi32>
      %shift_left3A_59 = arith.shli %shift_right_arithmetic3A_56, %shift_left3A_58 : vector<16xi32>
      %add3A = arith.addi %shift_left3A_53, %shift_left3A_59 : vector<16xi32>
      %and3A_60 = arith.constant 7 : i32
      %and3A_61 = vector.broadcast %and3A_60 : i32 to vector<16xi32>
      %and3A_62 = arith.andi %get3A_34, %and3A_61 : vector<16xi32>
      %shift_left3A_63 = arith.constant 7 : i32
      %shift_left3A_64 = vector.broadcast %shift_left3A_63 : i32 to vector<16xi32>
      %shift_left3A_65 = arith.shli %and3A_62, %shift_left3A_64 : vector<16xi32>
      %add3A_66 = arith.addi %add3A, %shift_left3A_65 : vector<16xi32>
      %and3A_67 = arith.constant 127 : i32
      %and3A_68 = vector.broadcast %and3A_67 : i32 to vector<16xi32>
      %and3A_69 = arith.andi %get3A_37, %and3A_68 : vector<16xi32>
      %add3A_70 = arith.addi %add3A_66, %and3A_69 : vector<16xi32>
      %swap3A = arith.constant 0 : index
      %swap3A_71 = tpu.vector_load %arg18[%swap3A] {strides = array<i32>} : memref<288xi32, #tpu.memory_space<vmem>>, vector<16xi32>,
      %swap3A_72 = vector.shape_cast %swap3A_71 : vector<16xi32> to vector<16xi32>
      %swap3A_73 = vector.shape_cast %add3A_70 : vector<16xi32> to vector<16xi32>
      tpu.vector_store %arg18[%swap3A], %swap3A_73 {strides = array<i32>} : memref<288xi32, #tpu.memory_space<vmem>>, vector<16xi32>,
      %shift_right_arithmetic3A_74 = arith.constant 3 : i32
      %shift_right_arithmetic3A_75 = vector.broadcast %shift_right_arithmetic3A_74 : i32 to vector<16xi32>
      %shift_right_arithmetic3A_76 = arith.shrsi %get3A_40, %shift_right_arithmetic3A_75 : vector<16xi32>
      %shift_left3A_77 = arith.constant 15 : i32
      %shift_left3A_78 = vector.broadcast %shift_left3A_77 : i32 to vector<16xi32>
      %shift_left3A_79 = arith.shli %shift_right_arithmetic3A_76, %shift_left3A_78 : vector<16xi32>
      %shift_right_arithmetic3A_80 = arith.constant 7 : i32
      %shift_right_arithmetic3A_81 = vector.broadcast %shift_right_arithmetic3A_80 : i32 to vector<16xi32>
      %shift_right_arithmetic3A_82 = arith.shrsi %get3A_43, %shift_right_arithmetic3A_81 : vector<16xi32>
      %shift_left3A_83 = arith.constant 10 : i32
      %shift_left3A_84 = vector.broadcast %shift_left3A_83 : i32 to vector<16xi32>
      %shift_left3A_85 = arith.shli %shift_right_arithmetic3A_82, %shift_left3A_84 : vector<16xi32>
      %add3A_86 = arith.addi %shift_left3A_79, %shift_left3A_85 : vector<16xi32>
      %and3A_87 = arith.constant 7 : i32
      %and3A_88 = vector.broadcast %and3A_87 : i32 to vector<16xi32>
      %and3A_89 = arith.andi %get3A_40, %and3A_88 : vector<16xi32>
      %shift_left3A_90 = arith.constant 7 : i32
      %shift_left3A_91 = vector.broadcast %shift_left3A_90 : i32 to vector<16xi32>
      %shift_left3A_92 = arith.shli %and3A_89, %shift_left3A_91 : vector<16xi32>
      %add3A_93 = arith.addi %add3A_86, %shift_left3A_92 : vector<16xi32>
      %and3A_94 = arith.constant 127 : i32
      %and3A_95 = vector.broadcast %and3A_94 : i32 to vector<16xi32>
      %and3A_96 = arith.andi %get3A_43, %and3A_95 : vector<16xi32>
      %add3A_97 = arith.addi %add3A_93, %and3A_96 : vector<16xi32>
      %swap3A_98 = arith.constant 32 : index
      %swap3A_99 = tpu.vector_load %arg18[%swap3A_98] {strides = array<i32>} : memref<288xi32, #tpu.memory_space<vmem>>, vector<16xi32>,
      %swap3A_100 = vector.shape_cast %swap3A_99 : vector<16xi32> to vector<16xi32>
      %swap3A_101 = vector.shape_cast %add3A_97 : vector<16xi32> to vector<16xi32>
      tpu.vector_store %arg18[%swap3A_98], %swap3A_101 {strides = array<i32>} : memref<288xi32, #tpu.memory_space<vmem>>, vector<16xi32>,
      %shift_right_arithmetic3A_102 = arith.constant 3 : i32
      %shift_right_arithmetic3A_103 = vector.broadcast %shift_right_arithmetic3A_102 : i32 to vector<16xi32>
      %shift_right_arithmetic3A_104 = arith.shrsi %get3A_46, %shift_right_arithmetic3A_103 : vector<16xi32>
      %shift_left3A_105 = arith.constant 15 : i32
      %shift_left3A_106 = vector.broadcast %shift_left3A_105 : i32 to vector<16xi32>
      %shift_left3A_107 = arith.shli %shift_right_arithmetic3A_104, %shift_left3A_106 : vector<16xi32>
      %shift_right_arithmetic3A_108 = arith.constant 7 : i32
      %shift_right_arithmetic3A_109 = vector.broadcast %shift_right_arithmetic3A_108 : i32 to vector<16xi32>
      %shift_right_arithmetic3A_110 = arith.shrsi %get3A_49, %shift_right_arithmetic3A_109 : vector<16xi32>
      %shift_left3A_111 = arith.constant 10 : i32
      %shift_left3A_112 = vector.broadcast %shift_left3A_111 : i32 to vector<16xi32>
      %shift_left3A_113 = arith.shli %shift_right_arithmetic3A_110, %shift_left3A_112 : vector<16xi32>
      %add3A_114 = arith.addi %shift_left3A_107, %shift_left3A_113 : vector<16xi32>
      %and3A_115 = arith.constant 7 : i32
      %and3A_116 = vector.broadcast %and3A_115 : i32 to vector<16xi32>
      %and3A_117 = arith.andi %get3A_46, %and3A_116 : vector<16xi32>
      %shift_left3A_118 = arith.constant 7 : i32
      %shift_left3A_119 = vector.broadcast %shift_left3A_118 : i32 to vector<16xi32>
      %shift_left3A_120 = arith.shli %and3A_117, %shift_left3A_119 : vector<16xi32>
      %add3A_121 = arith.addi %add3A_114, %shift_left3A_120 : vector<16xi32>
      %and3A_122 = arith.constant 127 : i32
      %and3A_123 = vector.broadcast %and3A_122 : i32 to vector<16xi32>
      %and3A_124 = arith.andi %get3A_49, %and3A_123 : vector<16xi32>
      %add3A_125 = arith.addi %add3A_121, %and3A_124 : vector<16xi32>
      %swap3A_126 = arith.constant 64 : index
      %swap3A_127 = tpu.vector_load %arg18[%swap3A_126] {strides = array<i32>} : memref<288xi32, #tpu.memory_space<vmem>>, vector<16xi32>,
      %swap3A_128 = vector.shape_cast %swap3A_127 : vector<16xi32> to vector<16xi32>
      %swap3A_129 = vector.shape_cast %add3A_125 : vector<16xi32> to vector<16xi32>
      tpu.vector_store %arg18[%swap3A_126], %swap3A_129 {strides = array<i32>} : memref<288xi32, #tpu.memory_space<vmem>>, vector<16xi32>,
      %get3A_130 = arith.constant 1 : index
      %get3A_131 = tpu.vector_load %arg12[%get3A_130] {strides = array<i32>} : memref<48xi32, #tpu.memory_space<vmem>>, vector<16xi32>,
      %get3A_132 = vector.shape_cast %get3A_131 : vector<16xi32> to vector<16xi32>
      %get3A_133 = arith.constant 1 : index
      %get3A_134 = tpu.vector_load %arg13[%get3A_133] {strides = array<i32>} : memref<48xi32, #tpu.memory_space<vmem>>, vector<16xi32>,
      %get3A_135 = vector.shape_cast %get3A_134 : vector<16xi32> to vector<16xi32>
      %get3A_136 = arith.constant 1 : index
      %get3A_137 = tpu.vector_load %arg14[%get3A_136] {strides = array<i32>} : memref<48xi32, #tpu.memory_space<vmem>>, vector<16xi32>,
      %get3A_138 = vector.shape_cast %get3A_137 : vector<16xi32> to vector<16xi32>
      %get3A_139 = arith.constant 1 : index
      %get3A_140 = tpu.vector_load %arg15[%get3A_139] {strides = array<i32>} : memref<48xi32, #tpu.memory_space<vmem>>, vector<16xi32>,
      %get3A_141 = vector.shape_cast %get3A_140 : vector<16xi32> to vector<16xi32>
      %get3A_142 = arith.constant 1 : index
      %get3A_143 = tpu.vector_load %arg16[%get3A_142] {strides = array<i32>} : memref<48xi32, #tpu.memory_space<vmem>>, vector<16xi32>,
      %get3A_144 = vector.shape_cast %get3A_143 : vector<16xi32> to vector<16xi32>
      %get3A_145 = arith.constant 1 : index
      %get3A_146 = tpu.vector_load %arg17[%get3A_145] {strides = array<i32>} : memref<48xi32, #tpu.memory_space<vmem>>, vector<16xi32>,
      %get3A_147 = vector.shape_cast %get3A_146 : vector<16xi32> to vector<16xi32>
      %sub3A = arith.subi %get3A_132, %get3A_34 : vector<16xi32>
      %abs3A = math.absi %sub3A : vector<16xi32>
      %add3A_148 = arith.addi %broadcast_in_dim3A_32, %abs3A : vector<16xi32>
      %sub3A_149 = arith.subi %get3A_135, %get3A_37 : vector<16xi32>
      %abs3A_150 = math.absi %sub3A_149 : vector<16xi32>
      %add3A_151 = arith.addi %add3A_148, %abs3A_150 : vector<16xi32>
      %sub3A_152 = arith.subi %get3A_138, %get3A_40 : vector<16xi32>
      %abs3A_153 = math.absi %sub3A_152 : vector<16xi32>
      %add3A_154 = arith.addi %broadcast_in_dim3A_32, %abs3A_153 : vector<16xi32>
      %sub3A_155 = arith.subi %get3A_141, %get3A_43 : vector<16xi32>
      %abs3A_156 = math.absi %sub3A_155 : vector<16xi32>
      %add3A_157 = arith.addi %add3A_154, %abs3A_156 : vector<16xi32>
      %sub3A_158 = arith.subi %get3A_144, %get3A_46 : vector<16xi32>
      %abs3A_159 = math.absi %sub3A_158 : vector<16xi32>
      %add3A_160 = arith.addi %broadcast_in_dim3A_32, %abs3A_159 : vector<16xi32>
      %sub3A_161 = arith.subi %get3A_147, %get3A_49 : vector<16xi32>
      %abs3A_162 = math.absi %sub3A_161 : vector<16xi32>
      %add3A_163 = arith.addi %add3A_160, %abs3A_162 : vector<16xi32>
      %get3A_164 = arith.constant 16 : index
      %get3A_165 = tpu.vector_load %arg12[%get3A_164] {strides = array<i32>} : memref<48xi32, #tpu.memory_space<vmem>>, vector<16xi32>,
      %get3A_166 = vector.shape_cast %get3A_165 : vector<16xi32> to vector<16xi32>
      %get3A_167 = arith.constant 16 : index
      %get3A_168 = tpu.vector_load %arg13[%get3A_167] {strides = array<i32>} : memref<48xi32, #tpu.memory_space<vmem>>, vector<16xi32>,
      %get3A_169 = vector.shape_cast %get3A_168 : vector<16xi32> to vector<16xi32>
      %get3A_170 = arith.constant 16 : index
      %get3A_171 = tpu.vector_load %arg14[%get3A_170] {strides = array<i32>} : memref<48xi32, #tpu.memory_space<vmem>>, vector<16xi32>,
      %get3A_172 = vector.shape_cast %get3A_171 : vector<16xi32> to vector<16xi32>
      %get3A_173 = arith.constant 16 : index
      %get3A_174 = tpu.vector_load %arg15[%get3A_173] {strides = array<i32>} : memref<48xi32, #tpu.memory_space<vmem>>, vector<16xi32>,
      %get3A_175 = vector.shape_cast %get3A_174 : vector<16xi32> to vector<16xi32>
      %get3A_176 = arith.constant 16 : index
      %get3A_177 = tpu.vector_load %arg16[%get3A_176] {strides = array<i32>} : memref<48xi32, #tpu.memory_space<vmem>>, vector<16xi32>,
      %get3A_178 = vector.shape_cast %get3A_177 : vector<16xi32> to vector<16xi32>
      %get3A_179 = arith.constant 16 : index
      %get3A_180 = tpu.vector_load %arg17[%get3A_179] {strides = array<i32>} : memref<48xi32, #tpu.memory_space<vmem>>, vector<16xi32>,
      %get3A_181 = vector.shape_cast %get3A_180 : vector<16xi32> to vector<16xi32>
      %shift_right_arithmetic3A_182 = arith.constant 3 : i32
      %shift_right_arithmetic3A_183 = vector.broadcast %shift_right_arithmetic3A_182 : i32 to vector<16xi32>
      %shift_right_arithmetic3A_184 = arith.shrsi %get3A_166, %shift_right_arithmetic3A_183 : vector<16xi32>
      %shift_left3A_185 = arith.constant 15 : i32
      %shift_left3A_186 = vector.broadcast %shift_left3A_185 : i32 to vector<16xi32>
      %shift_left3A_187 = arith.shli %shift_right_arithmetic3A_184, %shift_left3A_186 : vector<16xi32>
      %shift_right_arithmetic3A_188 = arith.constant 7 : i32
      %shift_right_arithmetic3A_189 = vector.broadcast %shift_right_arithmetic3A_188 : i32 to vector<16xi32>
      %shift_right_arithmetic3A_190 = arith.shrsi %get3A_169, %shift_right_arithmetic3A_189 : vector<16xi32>
      %shift_left3A_191 = arith.constant 10 : i32
      %shift_left3A_192 = vector.broadcast %shift_left3A_191 : i32 to vector<16xi32>
      %shift_left3A_193 = arith.shli %shift_right_arithmetic3A_190, %shift_left3A_192 : vector<16xi32>
      %add3A_194 = arith.addi %shift_left3A_187, %shift_left3A_193 : vector<16xi32>
      %and3A_195 = arith.constant 7 : i32
      %and3A_196 = vector.broadcast %and3A_195 : i32 to vector<16xi32>
      %and3A_197 = arith.andi %get3A_166, %and3A_196 : vector<16xi32>
      %shift_left3A_198 = arith.constant 7 : i32
      %shift_left3A_199 = vector.broadcast %shift_left3A_198 : i32 to vector<16xi32>
      %shift_left3A_200 = arith.shli %and3A_197, %shift_left3A_199 : vector<16xi32>
      %add3A_201 = arith.addi %add3A_194, %shift_left3A_200 : vector<16xi32>
      %and3A_202 = arith.constant 127 : i32
      %and3A_203 = vector.broadcast %and3A_202 : i32 to vector<16xi32>
      %and3A_204 = arith.andi %get3A_169, %and3A_203 : vector<16xi32>
      %add3A_205 = arith.addi %add3A_201, %and3A_204 : vector<16xi32>
      %swap3A_206 = arith.constant 16 : index
      %swap3A_207 = tpu.vector_load %arg18[%swap3A_206] {strides = array<i32>} : memref<288xi32, #tpu.memory_space<vmem>>, vector<16xi32>,
      %swap3A_208 = vector.shape_cast %swap3A_207 : vector<16xi32> to vector<16xi32>
      %swap3A_209 = vector.shape_cast %add3A_205 : vector<16xi32> to vector<16xi32>
      tpu.vector_store %arg18[%swap3A_206], %swap3A_209 {strides = array<i32>} : memref<288xi32, #tpu.memory_space<vmem>>, vector<16xi32>,
      %shift_right_arithmetic3A_210 = arith.constant 3 : i32
      %shift_right_arithmetic3A_211 = vector.broadcast %shift_right_arithmetic3A_210 : i32 to vector<16xi32>
      %shift_right_arithmetic3A_212 = arith.shrsi %get3A_172, %shift_right_arithmetic3A_211 : vector<16xi32>
      %shift_left3A_213 = arith.constant 15 : i32
      %shift_left3A_214 = vector.broadcast %shift_left3A_213 : i32 to vector<16xi32>
      %shift_left3A_215 = arith.shli %shift_right_arithmetic3A_212, %shift_left3A_214 : vector<16xi32>
      %shift_right_arithmetic3A_216 = arith.constant 7 : i32
      %shift_right_arithmetic3A_217 = vector.broadcast %shift_right_arithmetic3A_216 : i32 to vector<16xi32>
      %shift_right_arithmetic3A_218 = arith.shrsi %get3A_175, %shift_right_arithmetic3A_217 : vector<16xi32>
      %shift_left3A_219 = arith.constant 10 : i32
      %shift_left3A_220 = vector.broadcast %shift_left3A_219 : i32 to vector<16xi32>
      %shift_left3A_221 = arith.shli %shift_right_arithmetic3A_218, %shift_left3A_220 : vector<16xi32>
      %add3A_222 = arith.addi %shift_left3A_215, %shift_left3A_221 : vector<16xi32>
      %and3A_223 = arith.constant 7 : i32
      %and3A_224 = vector.broadcast %and3A_223 : i32 to vector<16xi32>
      %and3A_225 = arith.andi %get3A_172, %and3A_224 : vector<16xi32>
      %shift_left3A_226 = arith.constant 7 : i32
      %shift_left3A_227 = vector.broadcast %shift_left3A_226 : i32 to vector<16xi32>
      %shift_left3A_228 = arith.shli %and3A_225, %shift_left3A_227 : vector<16xi32>
      %add3A_229 = arith.addi %add3A_222, %shift_left3A_228 : vector<16xi32>
      %and3A_230 = arith.constant 127 : i32
      %and3A_231 = vector.broadcast %and3A_230 : i32 to vector<16xi32>
      %and3A_232 = arith.andi %get3A_175, %and3A_231 : vector<16xi32>
      %add3A_233 = arith.addi %add3A_229, %and3A_232 : vector<16xi32>
      %swap3A_234 = arith.constant 48 : index
      %swap3A_235 = tpu.vector_load %arg18[%swap3A_234] {strides = array<i32>} : memref<288xi32, #tpu.memory_space<vmem>>, vector<16xi32>,
      %swap3A_236 = vector.shape_cast %swap3A_235 : vector<16xi32> to vector<16xi32>
      %swap3A_237 = vector.shape_cast %add3A_233 : vector<16xi32> to vector<16xi32>
      tpu.vector_store %arg18[%swap3A_234], %swap3A_237 {strides = array<i32>} : memref<288xi32, #tpu.memory_space<vmem>>, vector<16xi32>,
      %shift_right_arithmetic3A_238 = arith.constant 3 : i32
      %shift_right_arithmetic3A_239 = vector.broadcast %shift_right_arithmetic3A_238 : i32 to vector<16xi32>
      %shift_right_arithmetic3A_240 = arith.shrsi %get3A_178, %shift_right_arithmetic3A_239 : vector<16xi32>
      %shift_left3A_241 = arith.constant 15 : i32
      %shift_left3A_242 = vector.broadcast %shift_left3A_241 : i32 to vector<16xi32>
      %shift_left3A_243 = arith.shli %shift_right_arithmetic3A_240, %shift_left3A_242 : vector<16xi32>
      %shift_right_arithmetic3A_244 = arith.constant 7 : i32
      %shift_right_arithmetic3A_245 = vector.broadcast %shift_right_arithmetic3A_244 : i32 to vector<16xi32>
      %shift_right_arithmetic3A_246 = arith.shrsi %get3A_181, %shift_right_arithmetic3A_245 : vector<16xi32>
      %shift_left3A_247 = arith.constant 10 : i32
      %shift_left3A_248 = vector.broadcast %shift_left3A_247 : i32 to vector<16xi32>
      %shift_left3A_249 = arith.shli %shift_right_arithmetic3A_246, %shift_left3A_248 : vector<16xi32>
      %add3A_250 = arith.addi %shift_left3A_243, %shift_left3A_249 : vector<16xi32>
      %and3A_251 = arith.constant 7 : i32
      %and3A_252 = vector.broadcast %and3A_251 : i32 to vector<16xi32>
      %and3A_253 = arith.andi %get3A_178, %and3A_252 : vector<16xi32>
      %shift_left3A_254 = arith.constant 7 : i32
      %shift_left3A_255 = vector.broadcast %shift_left3A_254 : i32 to vector<16xi32>
      %shift_left3A_256 = arith.shli %and3A_253, %shift_left3A_255 : vector<16xi32>
      %add3A_257 = arith.addi %add3A_250, %shift_left3A_256 : vector<16xi32>
      %and3A_258 = arith.constant 127 : i32
      %and3A_259 = vector.broadcast %and3A_258 : i32 to vector<16xi32>
      %and3A_260 = arith.andi %get3A_181, %and3A_259 : vector<16xi32>
      %add3A_261 = arith.addi %add3A_257, %and3A_260 : vector<16xi32>
      %swap3A_262 = arith.constant 80 : index
      %swap3A_263 = tpu.vector_load %arg18[%swap3A_262] {strides = array<i32>} : memref<288xi32, #tpu.memory_space<vmem>>, vector<16xi32>,
      %swap3A_264 = vector.shape_cast %swap3A_263 : vector<16xi32> to vector<16xi32>
      %swap3A_265 = vector.shape_cast %add3A_261 : vector<16xi32> to vector<16xi32>
      tpu.vector_store %arg18[%swap3A_262], %swap3A_265 {strides = array<i32>} : memref<288xi32, #tpu.memory_space<vmem>>, vector<16xi32>,
      %get3A_266 = arith.constant 17 : index
      %get3A_267 = tpu.vector_load %arg12[%get3A_266] {strides = array<i32>} : memref<48xi32, #tpu.memory_space<vmem>>, vector<16xi32>,
      %get3A_268 = vector.shape_cast %get3A_267 : vector<16xi32> to vector<16xi32>
      %get3A_269 = arith.constant 17 : index
      %get3A_270 = tpu.vector_load %arg13[%get3A_269] {strides = array<i32>} : memref<48xi32, #tpu.memory_space<vmem>>, vector<16xi32>,
      %get3A_271 = vector.shape_cast %get3A_270 : vector<16xi32> to vector<16xi32>
      %get3A_272 = arith.constant 17 : index
      %get3A_273 = tpu.vector_load %arg14[%get3A_272] {strides = array<i32>} : memref<48xi32, #tpu.memory_space<vmem>>, vector<16xi32>,
      %get3A_274 = vector.shape_cast %get3A_273 : vector<16xi32> to vector<16xi32>
      %get3A_275 = arith.constant 17 : index
      %get3A_276 = tpu.vector_load %arg15[%get3A_275] {strides = array<i32>} : memref<48xi32, #tpu.memory_space<vmem>>, vector<16xi32>,
      %get3A_277 = vector.shape_cast %get3A_276 : vector<16xi32> to vector<16xi32>
      %get3A_278 = arith.constant 17 : index
      %get3A_279 = tpu.vector_load %arg16[%get3A_278] {strides = array<i32>} : memref<48xi32, #tpu.memory_space<vmem>>, vector<16xi32>,
      %get3A_280 = vector.shape_cast %get3A_279 : vector<16xi32> to vector<16xi32>
      %get3A_281 = arith.constant 17 : index
      %get3A_282 = tpu.vector_load %arg17[%get3A_281] {strides = array<i32>} : memref<48xi32, #tpu.memory_space<vmem>>, vector<16xi32>,
      %get3A_283 = vector.shape_cast %get3A_282 : vector<16xi32> to vector<16xi32>
      %sub3A_284 = arith.subi %get3A_268, %get3A_166 : vector<16xi32>
      %abs3A_285 = math.absi %sub3A_284 : vector<16xi32>
      %add3A_286 = arith.addi %add3A_151, %abs3A_285 : vector<16xi32>
      %sub3A_287 = arith.subi %get3A_271, %get3A_169 : vector<16xi32>
      %abs3A_288 = math.absi %sub3A_287 : vector<16xi32>
      %add3A_289 = arith.addi %add3A_286, %abs3A_288 : vector<16xi32>
      %sub3A_290 = arith.subi %get3A_274, %get3A_172 : vector<16xi32>
      %abs3A_291 = math.absi %sub3A_290 : vector<16xi32>
      %add3A_292 = arith.addi %add3A_157, %abs3A_291 : vector<16xi32>
      %sub3A_293 = arith.subi %get3A_277, %get3A_175 : vector<16xi32>
      %abs3A_294 = math.absi %sub3A_293 : vector<16xi32>
      %add3A_295 = arith.addi %add3A_292, %abs3A_294 : vector<16xi32>
      %sub3A_296 = arith.subi %get3A_280, %get3A_178 : vector<16xi32>
      %abs3A_297 = math.absi %sub3A_296 : vector<16xi32>
      %add3A_298 = arith.addi %add3A_163, %abs3A_297 : vector<16xi32>
      %sub3A_299 = arith.subi %get3A_283, %get3A_181 : vector<16xi32>
      %abs3A_300 = math.absi %sub3A_299 : vector<16xi32>
      %add3A_301 = arith.addi %add3A_298, %abs3A_300 : vector<16xi32>
      %dma_start3A_302 = arith.constant 0 : i32
      %dma_start3A_303 = tpu.memref_slice %arg19[%dma_start3A_302] : memref<288xf32, #tpu.memory_space<vmem>> -> memref<96xf32, #tpu.memory_space<vmem>>
      %dma_start3A_304 = arith.constant 0 : i32
      %dma_start3A_305 = tpu.memref_slice %arg18[%dma_start3A_304] : memref<288xi32, #tpu.memory_space<vmem>> -> memref<96xi32, #tpu.memory_space<vmem>>
      %dma_start3A_306 = arith.constant 0 : i32
      %dma_start3A_307 = tpu.memref_slice %arg2[%dma_start3A_306] : memref<16777216xf32, #tpu.memory_space<hbm>> -> memref<16777216xf32, #tpu.memory_space<hbm>>
      tpu.enqueue_indirect_dma source(%dma_start3A_307 : memref<16777216xf32, #tpu.memory_space<hbm>>) target(%dma_start3A_303 : memref<96xf32, #tpu.memory_space<vmem>>) offsets(%dma_start3A_305 : memref<96xi32, #tpu.memory_space<vmem>>) semaphore(%arg25 : memref<!tpu.dma_semaphore, #tpu.memory_space<semaphore_mem>>)
      %dma_start3A_308 = arith.constant 0 : i32
      %dma_start3A_309 = tpu.memref_slice %arg20[%dma_start3A_308] : memref<128xi32, #tpu.memory_space<vmem>> -> memref<64xi32, #tpu.memory_space<vmem>>
      %dma_start3A_310 = arith.constant 32 : i32
      %dma_start3A_311 = tpu.memref_slice %arg18[%dma_start3A_310] : memref<288xi32, #tpu.memory_space<vmem>> -> memref<64xi32, #tpu.memory_space<vmem>>
      %dma_start3A_312 = arith.constant 0 : i32
      %dma_start3A_313 = tpu.memref_slice %arg3[%dma_start3A_312] : memref<16777216xi32, #tpu.memory_space<hbm>> -> memref<16777216xi32, #tpu.memory_space<hbm>>
      tpu.enqueue_indirect_dma source(%dma_start3A_313 : memref<16777216xi32, #tpu.memory_space<hbm>>) target(%dma_start3A_309 : memref<64xi32, #tpu.memory_space<vmem>>) offsets(%dma_start3A_311 : memref<64xi32, #tpu.memory_space<vmem>>) semaphore(%arg25 : memref<!tpu.dma_semaphore, #tpu.memory_space<semaphore_mem>>)
      %dma_start3A_314 = arith.constant 64 : i32
      %dma_start3A_315 = tpu.memref_slice %arg20[%dma_start3A_314] : memref<128xi32, #tpu.memory_space<vmem>> -> memref<64xi32, #tpu.memory_space<vmem>>
      %dma_start3A_316 = arith.constant 32 : i32
      %dma_start3A_317 = tpu.memref_slice %arg18[%dma_start3A_316] : memref<288xi32, #tpu.memory_space<vmem>> -> memref<64xi32, #tpu.memory_space<vmem>>
      %dma_start3A_318 = arith.constant 0 : i32
      %dma_start3A_319 = tpu.memref_slice %arg4[%dma_start3A_318] : memref<16777216xi32, #tpu.memory_space<hbm>> -> memref<16777216xi32, #tpu.memory_space<hbm>>
      tpu.enqueue_indirect_dma source(%dma_start3A_319 : memref<16777216xi32, #tpu.memory_space<hbm>>) target(%dma_start3A_315 : memref<64xi32, #tpu.memory_space<vmem>>) offsets(%dma_start3A_317 : memref<64xi32, #tpu.memory_space<vmem>>) semaphore(%arg25 : memref<!tpu.dma_semaphore, #tpu.memory_space<semaphore_mem>>)
      %sub3A_320 = arith.subi %get3A_40, %get3A_34 : vector<16xi32>
      %gt3A = arith.constant 0 : i32
      %gt3A_321 = vector.broadcast %gt3A : i32 to vector<16xi32>
      %gt3A_322 = arith.cmpi sgt, %sub3A_320, %gt3A_321 : vector<16xi32>
      %add3A_323 = arith.constant 1 : i32
      %add3A_324 = vector.broadcast %add3A_323 : i32 to vector<16xi32>
      %add3A_325 = arith.addi %broadcast_in_dim3A_32, %add3A_324 : vector<16xi32>
      %select_n3A = arith.select %gt3A_322, %add3A_325, %broadcast_in_dim3A_32 : vector<16xi1>, vector<16xi32>
      %lt3A = arith.constant 0 : i32
      %lt3A_326 = vector.broadcast %lt3A : i32 to vector<16xi32>
      %lt3A_327 = arith.cmpi slt, %sub3A_320, %lt3A_326 : vector<16xi32>
      %sub3A_328 = arith.constant 1 : i32
      %sub3A_329 = vector.broadcast %sub3A_328 : i32 to vector<16xi32>
      %sub3A_330 = arith.subi %broadcast_in_dim3A_32, %sub3A_329 : vector<16xi32>
      %select_n3A_331 = arith.select %lt3A_327, %sub3A_330, %broadcast_in_dim3A_32 : vector<16xi1>, vector<16xi32>
      %add3A_332 = arith.addi %select_n3A, %select_n3A_331 : vector<16xi32>
      %sub3A_333 = arith.subi %get3A_43, %get3A_37 : vector<16xi32>
      %gt3A_334 = arith.constant 0 : i32
      %gt3A_335 = vector.broadcast %gt3A_334 : i32 to vector<16xi32>
      %gt3A_336 = arith.cmpi sgt, %sub3A_333, %gt3A_335 : vector<16xi32>
      %add3A_337 = arith.constant 1 : i32
      %add3A_338 = vector.broadcast %add3A_337 : i32 to vector<16xi32>
      %add3A_339 = arith.addi %broadcast_in_dim3A_32, %add3A_338 : vector<16xi32>
      %select_n3A_340 = arith.select %gt3A_336, %add3A_339, %broadcast_in_dim3A_32 : vector<16xi1>, vector<16xi32>
      %lt3A_341 = arith.constant 0 : i32
      %lt3A_342 = vector.broadcast %lt3A_341 : i32 to vector<16xi32>
      %lt3A_343 = arith.cmpi slt, %sub3A_333, %lt3A_342 : vector<16xi32>
      %sub3A_344 = arith.constant 1 : i32
      %sub3A_345 = vector.broadcast %sub3A_344 : i32 to vector<16xi32>
      %sub3A_346 = arith.subi %broadcast_in_dim3A_32, %sub3A_345 : vector<16xi32>
      %select_n3A_347 = arith.select %lt3A_343, %sub3A_346, %broadcast_in_dim3A_32 : vector<16xi1>, vector<16xi32>
      %add3A_348 = arith.addi %select_n3A_340, %select_n3A_347 : vector<16xi32>
      %mul3A_349 = arith.constant 1 : i32
      %mul3A_350 = vector.broadcast %mul3A_349 : i32 to vector<16xi32>
      %mul3A_351 = arith.muli %mul3A_350, %add3A_332 : vector<16xi32>
      %add3A_352 = arith.addi %get3A_40, %mul3A_351 : vector<16xi32>
      %mul3A_353 = arith.constant 1 : i32
      %mul3A_354 = vector.broadcast %mul3A_353 : i32 to vector<16xi32>
      %mul3A_355 = arith.muli %mul3A_354, %add3A_348 : vector<16xi32>
      %add3A_356 = arith.addi %get3A_43, %mul3A_355 : vector<16xi32>
      %lt3A_357 = arith.constant 0 : i32
      %lt3A_358 = vector.broadcast %lt3A_357 : i32 to vector<16xi32>
      %lt3A_359 = arith.cmpi slt, %add3A_352, %lt3A_358 : vector<16xi32>
      %add3A_360 = arith.constant 4096 : i32
      %add3A_361 = vector.broadcast %add3A_360 : i32 to vector<16xi32>
      %add3A_362 = arith.addi %add3A_352, %add3A_361 : vector<16xi32>
      %select_n3A_363 = arith.select %lt3A_359, %add3A_362, %add3A_352 : vector<16xi1>, vector<16xi32>
      %lt3A_364 = arith.constant 0 : i32
      %lt3A_365 = vector.broadcast %lt3A_364 : i32 to vector<16xi32>
      %lt3A_366 = arith.cmpi slt, %add3A_356, %lt3A_365 : vector<16xi32>
      %add3A_367 = arith.constant 4096 : i32
      %add3A_368 = vector.broadcast %add3A_367 : i32 to vector<16xi32>
      %add3A_369 = arith.addi %add3A_356, %add3A_368 : vector<16xi32>
      %select_n3A_370 = arith.select %lt3A_366, %add3A_369, %add3A_356 : vector<16xi1>, vector<16xi32>
      %shift_right_arithmetic3A_371 = arith.constant 3 : i32
      %shift_right_arithmetic3A_372 = vector.broadcast %shift_right_arithmetic3A_371 : i32 to vector<16xi32>
      %shift_right_arithmetic3A_373 = arith.shrsi %select_n3A_363, %shift_right_arithmetic3A_372 : vector<16xi32>
      %shift_left3A_374 = arith.constant 15 : i32
      %shift_left3A_375 = vector.broadcast %shift_left3A_374 : i32 to vector<16xi32>
      %shift_left3A_376 = arith.shli %shift_right_arithmetic3A_373, %shift_left3A_375 : vector<16xi32>
      %shift_right_arithmetic3A_377 = arith.constant 7 : i32
      %shift_right_arithmetic3A_378 = vector.broadcast %shift_right_arithmetic3A_377 : i32 to vector<16xi32>
      %shift_right_arithmetic3A_379 = arith.shrsi %select_n3A_370, %shift_right_arithmetic3A_378 : vector<16xi32>
      %shift_left3A_380 = arith.constant 10 : i32
      %shift_left3A_381 = vector.broadcast %shift_left3A_380 : i32 to vector<16xi32>
      %shift_left3A_382 = arith.shli %shift_right_arithmetic3A_379, %shift_left3A_381 : vector<16xi32>
      %add3A_383 = arith.addi %shift_left3A_376, %shift_left3A_382 : vector<16xi32>
      %and3A_384 = arith.constant 7 : i32
      %and3A_385 = vector.broadcast %and3A_384 : i32 to vector<16xi32>
      %and3A_386 = arith.andi %select_n3A_363, %and3A_385 : vector<16xi32>
      %shift_left3A_387 = arith.constant 7 : i32
      %shift_left3A_388 = vector.broadcast %shift_left3A_387 : i32 to vector<16xi32>
      %shift_left3A_389 = arith.shli %and3A_386, %shift_left3A_388 : vector<16xi32>
      %add3A_390 = arith.addi %add3A_383, %shift_left3A_389 : vector<16xi32>
      %and3A_391 = arith.constant 127 : i32
      %and3A_392 = vector.broadcast %and3A_391 : i32 to vector<16xi32>
      %and3A_393 = arith.andi %select_n3A_370, %and3A_392 : vector<16xi32>
      %add3A_394 = arith.addi %add3A_390, %and3A_393 : vector<16xi32>
      %swap3A_395 = arith.constant 96 : index
      %swap3A_396 = tpu.vector_load %arg18[%swap3A_395] {strides = array<i32>} : memref<288xi32, #tpu.memory_space<vmem>>, vector<16xi32>,
      %swap3A_397 = vector.shape_cast %swap3A_396 : vector<16xi32> to vector<16xi32>
      %swap3A_398 = vector.shape_cast %add3A_394 : vector<16xi32> to vector<16xi32>
      tpu.vector_store %arg18[%swap3A_395], %swap3A_398 {strides = array<i32>} : memref<288xi32, #tpu.memory_space<vmem>>, vector<16xi32>,
      %mul3A_399 = arith.constant 2 : i32
      %mul3A_400 = vector.broadcast %mul3A_399 : i32 to vector<16xi32>
      %mul3A_401 = arith.muli %mul3A_400, %add3A_332 : vector<16xi32>
      %add3A_402 = arith.addi %get3A_40, %mul3A_401 : vector<16xi32>
      %mul3A_403 = arith.constant 2 : i32
      %mul3A_404 = vector.broadcast %mul3A_403 : i32 to vector<16xi32>
      %mul3A_405 = arith.muli %mul3A_404, %add3A_348 : vector<16xi32>
      %add3A_406 = arith.addi %get3A_43, %mul3A_405 : vector<16xi32>
      %lt3A_407 = arith.constant 0 : i32
      %lt3A_408 = vector.broadcast %lt3A_407 : i32 to vector<16xi32>
      %lt3A_409 = arith.cmpi slt, %add3A_402, %lt3A_408 : vector<16xi32>
      %add3A_410 = arith.constant 4096 : i32
      %add3A_411 = vector.broadcast %add3A_410 : i32 to vector<16xi32>
      %add3A_412 = arith.addi %add3A_402, %add3A_411 : vector<16xi32>
      %select_n3A_413 = arith.select %lt3A_409, %add3A_412, %add3A_402 : vector<16xi1>, vector<16xi32>
      %lt3A_414 = arith.constant 0 : i32
      %lt3A_415 = vector.broadcast %lt3A_414 : i32 to vector<16xi32>
      %lt3A_416 = arith.cmpi slt, %add3A_406, %lt3A_415 : vector<16xi32>
      %add3A_417 = arith.constant 4096 : i32
      %add3A_418 = vector.broadcast %add3A_417 : i32 to vector<16xi32>
      %add3A_419 = arith.addi %add3A_406, %add3A_418 : vector<16xi32>
      %select_n3A_420 = arith.select %lt3A_416, %add3A_419, %add3A_406 : vector<16xi1>, vector<16xi32>
      %shift_right_arithmetic3A_421 = arith.constant 3 : i32
      %shift_right_arithmetic3A_422 = vector.broadcast %shift_right_arithmetic3A_421 : i32 to vector<16xi32>
      %shift_right_arithmetic3A_423 = arith.shrsi %select_n3A_413, %shift_right_arithmetic3A_422 : vector<16xi32>
      %shift_left3A_424 = arith.constant 15 : i32
      %shift_left3A_425 = vector.broadcast %shift_left3A_424 : i32 to vector<16xi32>
      %shift_left3A_426 = arith.shli %shift_right_arithmetic3A_423, %shift_left3A_425 : vector<16xi32>
      %shift_right_arithmetic3A_427 = arith.constant 7 : i32
      %shift_right_arithmetic3A_428 = vector.broadcast %shift_right_arithmetic3A_427 : i32 to vector<16xi32>
      %shift_right_arithmetic3A_429 = arith.shrsi %select_n3A_420, %shift_right_arithmetic3A_428 : vector<16xi32>
      %shift_left3A_430 = arith.constant 10 : i32
      %shift_left3A_431 = vector.broadcast %shift_left3A_430 : i32 to vector<16xi32>
      %shift_left3A_432 = arith.shli %shift_right_arithmetic3A_429, %shift_left3A_431 : vector<16xi32>
      %add3A_433 = arith.addi %shift_left3A_426, %shift_left3A_432 : vector<16xi32>
      %and3A_434 = arith.constant 7 : i32
      %and3A_435 = vector.broadcast %and3A_434 : i32 to vector<16xi32>
      %and3A_436 = arith.andi %select_n3A_413, %and3A_435 : vector<16xi32>
      %shift_left3A_437 = arith.constant 7 : i32
      %shift_left3A_438 = vector.broadcast %shift_left3A_437 : i32 to vector<16xi32>
      %shift_left3A_439 = arith.shli %and3A_436, %shift_left3A_438 : vector<16xi32>
      %add3A_440 = arith.addi %add3A_433, %shift_left3A_439 : vector<16xi32>
      %and3A_441 = arith.constant 127 : i32
      %and3A_442 = vector.broadcast %and3A_441 : i32 to vector<16xi32>
      %and3A_443 = arith.andi %select_n3A_420, %and3A_442 : vector<16xi32>
      %add3A_444 = arith.addi %add3A_440, %and3A_443 : vector<16xi32>
      %swap3A_445 = arith.constant 128 : index
      %swap3A_446 = tpu.vector_load %arg18[%swap3A_445] {strides = array<i32>} : memref<288xi32, #tpu.memory_space<vmem>>, vector<16xi32>,
      %swap3A_447 = vector.shape_cast %swap3A_446 : vector<16xi32> to vector<16xi32>
      %swap3A_448 = vector.shape_cast %add3A_444 : vector<16xi32> to vector<16xi32>
      tpu.vector_store %arg18[%swap3A_445], %swap3A_448 {strides = array<i32>} : memref<288xi32, #tpu.memory_space<vmem>>, vector<16xi32>,
      %mul3A_449 = arith.constant 3 : i32
      %mul3A_450 = vector.broadcast %mul3A_449 : i32 to vector<16xi32>
      %mul3A_451 = arith.muli %mul3A_450, %add3A_332 : vector<16xi32>
      %add3A_452 = arith.addi %get3A_40, %mul3A_451 : vector<16xi32>
      %mul3A_453 = arith.constant 3 : i32
      %mul3A_454 = vector.broadcast %mul3A_453 : i32 to vector<16xi32>
      %mul3A_455 = arith.muli %mul3A_454, %add3A_348 : vector<16xi32>
      %add3A_456 = arith.addi %get3A_43, %mul3A_455 : vector<16xi32>
      %lt3A_457 = arith.constant 0 : i32
      %lt3A_458 = vector.broadcast %lt3A_457 : i32 to vector<16xi32>
      %lt3A_459 = arith.cmpi slt, %add3A_452, %lt3A_458 : vector<16xi32>
      %add3A_460 = arith.constant 4096 : i32
      %add3A_461 = vector.broadcast %add3A_460 : i32 to vector<16xi32>
      %add3A_462 = arith.addi %add3A_452, %add3A_461 : vector<16xi32>
      %select_n3A_463 = arith.select %lt3A_459, %add3A_462, %add3A_452 : vector<16xi1>, vector<16xi32>
      %lt3A_464 = arith.constant 0 : i32
      %lt3A_465 = vector.broadcast %lt3A_464 : i32 to vector<16xi32>
      %lt3A_466 = arith.cmpi slt, %add3A_456, %lt3A_465 : vector<16xi32>
      %add3A_467 = arith.constant 4096 : i32
      %add3A_468 = vector.broadcast %add3A_467 : i32 to vector<16xi32>
      %add3A_469 = arith.addi %add3A_456, %add3A_468 : vector<16xi32>
      %select_n3A_470 = arith.select %lt3A_466, %add3A_469, %add3A_456 : vector<16xi1>, vector<16xi32>
      %shift_right_arithmetic3A_471 = arith.constant 3 : i32
      %shift_right_arithmetic3A_472 = vector.broadcast %shift_right_arithmetic3A_471 : i32 to vector<16xi32>
      %shift_right_arithmetic3A_473 = arith.shrsi %select_n3A_463, %shift_right_arithmetic3A_472 : vector<16xi32>
      %shift_left3A_474 = arith.constant 15 : i32
      %shift_left3A_475 = vector.broadcast %shift_left3A_474 : i32 to vector<16xi32>
      %shift_left3A_476 = arith.shli %shift_right_arithmetic3A_473, %shift_left3A_475 : vector<16xi32>
      %shift_right_arithmetic3A_477 = arith.constant 7 : i32
      %shift_right_arithmetic3A_478 = vector.broadcast %shift_right_arithmetic3A_477 : i32 to vector<16xi32>
      %shift_right_arithmetic3A_479 = arith.shrsi %select_n3A_470, %shift_right_arithmetic3A_478 : vector<16xi32>
      %shift_left3A_480 = arith.constant 10 : i32
      %shift_left3A_481 = vector.broadcast %shift_left3A_480 : i32 to vector<16xi32>
      %shift_left3A_482 = arith.shli %shift_right_arithmetic3A_479, %shift_left3A_481 : vector<16xi32>
      %add3A_483 = arith.addi %shift_left3A_476, %shift_left3A_482 : vector<16xi32>
      %and3A_484 = arith.constant 7 : i32
      %and3A_485 = vector.broadcast %and3A_484 : i32 to vector<16xi32>
      %and3A_486 = arith.andi %select_n3A_463, %and3A_485 : vector<16xi32>
      %shift_left3A_487 = arith.constant 7 : i32
      %shift_left3A_488 = vector.broadcast %shift_left3A_487 : i32 to vector<16xi32>
      %shift_left3A_489 = arith.shli %and3A_486, %shift_left3A_488 : vector<16xi32>
      %add3A_490 = arith.addi %add3A_483, %shift_left3A_489 : vector<16xi32>
      %and3A_491 = arith.constant 127 : i32
      %and3A_492 = vector.broadcast %and3A_491 : i32 to vector<16xi32>
      %and3A_493 = arith.andi %select_n3A_470, %and3A_492 : vector<16xi32>
      %add3A_494 = arith.addi %add3A_490, %and3A_493 : vector<16xi32>
      %swap3A_495 = arith.constant 160 : index
      %swap3A_496 = tpu.vector_load %arg18[%swap3A_495] {strides = array<i32>} : memref<288xi32, #tpu.memory_space<vmem>>, vector<16xi32>,
      %swap3A_497 = vector.shape_cast %swap3A_496 : vector<16xi32> to vector<16xi32>
      %swap3A_498 = vector.shape_cast %add3A_494 : vector<16xi32> to vector<16xi32>
      tpu.vector_store %arg18[%swap3A_495], %swap3A_498 {strides = array<i32>} : memref<288xi32, #tpu.memory_space<vmem>>, vector<16xi32>,
      %sub3A_499 = arith.subi %get3A_46, %get3A_34 : vector<16xi32>
      %gt3A_500 = arith.constant 0 : i32
      %gt3A_501 = vector.broadcast %gt3A_500 : i32 to vector<16xi32>
      %gt3A_502 = arith.cmpi sgt, %sub3A_499, %gt3A_501 : vector<16xi32>
      %add3A_503 = arith.constant 1 : i32
      %add3A_504 = vector.broadcast %add3A_503 : i32 to vector<16xi32>
      %add3A_505 = arith.addi %broadcast_in_dim3A_32, %add3A_504 : vector<16xi32>
      %select_n3A_506 = arith.select %gt3A_502, %add3A_505, %broadcast_in_dim3A_32 : vector<16xi1>, vector<16xi32>
      %lt3A_507 = arith.constant 0 : i32
      %lt3A_508 = vector.broadcast %lt3A_507 : i32 to vector<16xi32>
      %lt3A_509 = arith.cmpi slt, %sub3A_499, %lt3A_508 : vector<16xi32>
      %sub3A_510 = arith.constant 1 : i32
      %sub3A_511 = vector.broadcast %sub3A_510 : i32 to vector<16xi32>
      %sub3A_512 = arith.subi %broadcast_in_dim3A_32, %sub3A_511 : vector<16xi32>
      %select_n3A_513 = arith.select %lt3A_509, %sub3A_512, %broadcast_in_dim3A_32 : vector<16xi1>, vector<16xi32>
      %add3A_514 = arith.addi %select_n3A_506, %select_n3A_513 : vector<16xi32>
      %sub3A_515 = arith.subi %get3A_49, %get3A_37 : vector<16xi32>
      %gt3A_516 = arith.constant 0 : i32
      %gt3A_517 = vector.broadcast %gt3A_516 : i32 to vector<16xi32>
      %gt3A_518 = arith.cmpi sgt, %sub3A_515, %gt3A_517 : vector<16xi32>
      %add3A_519 = arith.constant 1 : i32
      %add3A_520 = vector.broadcast %add3A_519 : i32 to vector<16xi32>
      %add3A_521 = arith.addi %broadcast_in_dim3A_32, %add3A_520 : vector<16xi32>
      %select_n3A_522 = arith.select %gt3A_518, %add3A_521, %broadcast_in_dim3A_32 : vector<16xi1>, vector<16xi32>
      %lt3A_523 = arith.constant 0 : i32
      %lt3A_524 = vector.broadcast %lt3A_523 : i32 to vector<16xi32>
      %lt3A_525 = arith.cmpi slt, %sub3A_515, %lt3A_524 : vector<16xi32>
      %sub3A_526 = arith.constant 1 : i32
      %sub3A_527 = vector.broadcast %sub3A_526 : i32 to vector<16xi32>
      %sub3A_528 = arith.subi %broadcast_in_dim3A_32, %sub3A_527 : vector<16xi32>
      %select_n3A_529 = arith.select %lt3A_525, %sub3A_528, %broadcast_in_dim3A_32 : vector<16xi1>, vector<16xi32>
      %add3A_530 = arith.addi %select_n3A_522, %select_n3A_529 : vector<16xi32>
      %mul3A_531 = arith.constant 1 : i32
      %mul3A_532 = vector.broadcast %mul3A_531 : i32 to vector<16xi32>
      %mul3A_533 = arith.muli %mul3A_532, %add3A_514 : vector<16xi32>
      %add3A_534 = arith.addi %get3A_46, %mul3A_533 : vector<16xi32>
      %mul3A_535 = arith.constant 1 : i32
      %mul3A_536 = vector.broadcast %mul3A_535 : i32 to vector<16xi32>
      %mul3A_537 = arith.muli %mul3A_536, %add3A_530 : vector<16xi32>
      %add3A_538 = arith.addi %get3A_49, %mul3A_537 : vector<16xi32>
      %lt3A_539 = arith.constant 0 : i32
      %lt3A_540 = vector.broadcast %lt3A_539 : i32 to vector<16xi32>
      %lt3A_541 = arith.cmpi slt, %add3A_534, %lt3A_540 : vector<16xi32>
      %add3A_542 = arith.constant 4096 : i32
      %add3A_543 = vector.broadcast %add3A_542 : i32 to vector<16xi32>
      %add3A_544 = arith.addi %add3A_534, %add3A_543 : vector<16xi32>
      %select_n3A_545 = arith.select %lt3A_541, %add3A_544, %add3A_534 : vector<16xi1>, vector<16xi32>
      %lt3A_546 = arith.constant 0 : i32
      %lt3A_547 = vector.broadcast %lt3A_546 : i32 to vector<16xi32>
      %lt3A_548 = arith.cmpi slt, %add3A_538, %lt3A_547 : vector<16xi32>
      %add3A_549 = arith.constant 4096 : i32
      %add3A_550 = vector.broadcast %add3A_549 : i32 to vector<16xi32>
      %add3A_551 = arith.addi %add3A_538, %add3A_550 : vector<16xi32>
      %select_n3A_552 = arith.select %lt3A_548, %add3A_551, %add3A_538 : vector<16xi1>, vector<16xi32>
      %shift_right_arithmetic3A_553 = arith.constant 3 : i32
      %shift_right_arithmetic3A_554 = vector.broadcast %shift_right_arithmetic3A_553 : i32 to vector<16xi32>
      %shift_right_arithmetic3A_555 = arith.shrsi %select_n3A_545, %shift_right_arithmetic3A_554 : vector<16xi32>
      %shift_left3A_556 = arith.constant 15 : i32
      %shift_left3A_557 = vector.broadcast %shift_left3A_556 : i32 to vector<16xi32>
      %shift_left3A_558 = arith.shli %shift_right_arithmetic3A_555, %shift_left3A_557 : vector<16xi32>
      %shift_right_arithmetic3A_559 = arith.constant 7 : i32
      %shift_right_arithmetic3A_560 = vector.broadcast %shift_right_arithmetic3A_559 : i32 to vector<16xi32>
      %shift_right_arithmetic3A_561 = arith.shrsi %select_n3A_552, %shift_right_arithmetic3A_560 : vector<16xi32>
      %shift_left3A_562 = arith.constant 10 : i32
      %shift_left3A_563 = vector.broadcast %shift_left3A_562 : i32 to vector<16xi32>
      %shift_left3A_564 = arith.shli %shift_right_arithmetic3A_561, %shift_left3A_563 : vector<16xi32>
      %add3A_565 = arith.addi %shift_left3A_558, %shift_left3A_564 : vector<16xi32>
      %and3A_566 = arith.constant 7 : i32
      %and3A_567 = vector.broadcast %and3A_566 : i32 to vector<16xi32>
      %and3A_568 = arith.andi %select_n3A_545, %and3A_567 : vector<16xi32>
      %shift_left3A_569 = arith.constant 7 : i32
      %shift_left3A_570 = vector.broadcast %shift_left3A_569 : i32 to vector<16xi32>
      %shift_left3A_571 = arith.shli %and3A_568, %shift_left3A_570 : vector<16xi32>
      %add3A_572 = arith.addi %add3A_565, %shift_left3A_571 : vector<16xi32>
      %and3A_573 = arith.constant 127 : i32
      %and3A_574 = vector.broadcast %and3A_573 : i32 to vector<16xi32>
      %and3A_575 = arith.andi %select_n3A_552, %and3A_574 : vector<16xi32>
      %add3A_576 = arith.addi %add3A_572, %and3A_575 : vector<16xi32>
      %swap3A_577 = arith.constant 192 : index
      %swap3A_578 = tpu.vector_load %arg18[%swap3A_577] {strides = array<i32>} : memref<288xi32, #tpu.memory_space<vmem>>, vector<16xi32>,
      %swap3A_579 = vector.shape_cast %swap3A_578 : vector<16xi32> to vector<16xi32>
      %swap3A_580 = vector.shape_cast %add3A_576 : vector<16xi32> to vector<16xi32>
      tpu.vector_store %arg18[%swap3A_577], %swap3A_580 {strides = array<i32>} : memref<288xi32, #tpu.memory_space<vmem>>, vector<16xi32>,
      %mul3A_581 = arith.constant 2 : i32
      %mul3A_582 = vector.broadcast %mul3A_581 : i32 to vector<16xi32>
      %mul3A_583 = arith.muli %mul3A_582, %add3A_514 : vector<16xi32>
      %add3A_584 = arith.addi %get3A_46, %mul3A_583 : vector<16xi32>
      %mul3A_585 = arith.constant 2 : i32
      %mul3A_586 = vector.broadcast %mul3A_585 : i32 to vector<16xi32>
      %mul3A_587 = arith.muli %mul3A_586, %add3A_530 : vector<16xi32>
      %add3A_588 = arith.addi %get3A_49, %mul3A_587 : vector<16xi32>
      %lt3A_589 = arith.constant 0 : i32
      %lt3A_590 = vector.broadcast %lt3A_589 : i32 to vector<16xi32>
      %lt3A_591 = arith.cmpi slt, %add3A_584, %lt3A_590 : vector<16xi32>
      %add3A_592 = arith.constant 4096 : i32
      %add3A_593 = vector.broadcast %add3A_592 : i32 to vector<16xi32>
      %add3A_594 = arith.addi %add3A_584, %add3A_593 : vector<16xi32>
      %select_n3A_595 = arith.select %lt3A_591, %add3A_594, %add3A_584 : vector<16xi1>, vector<16xi32>
      %lt3A_596 = arith.constant 0 : i32
      %lt3A_597 = vector.broadcast %lt3A_596 : i32 to vector<16xi32>
      %lt3A_598 = arith.cmpi slt, %add3A_588, %lt3A_597 : vector<16xi32>
      %add3A_599 = arith.constant 4096 : i32
      %add3A_600 = vector.broadcast %add3A_599 : i32 to vector<16xi32>
      %add3A_601 = arith.addi %add3A_588, %add3A_600 : vector<16xi32>
      %select_n3A_602 = arith.select %lt3A_598, %add3A_601, %add3A_588 : vector<16xi1>, vector<16xi32>
      %shift_right_arithmetic3A_603 = arith.constant 3 : i32
      %shift_right_arithmetic3A_604 = vector.broadcast %shift_right_arithmetic3A_603 : i32 to vector<16xi32>
      %shift_right_arithmetic3A_605 = arith.shrsi %select_n3A_595, %shift_right_arithmetic3A_604 : vector<16xi32>
      %shift_left3A_606 = arith.constant 15 : i32
      %shift_left3A_607 = vector.broadcast %shift_left3A_606 : i32 to vector<16xi32>
      %shift_left3A_608 = arith.shli %shift_right_arithmetic3A_605, %shift_left3A_607 : vector<16xi32>
      %shift_right_arithmetic3A_609 = arith.constant 7 : i32
      %shift_right_arithmetic3A_610 = vector.broadcast %shift_right_arithmetic3A_609 : i32 to vector<16xi32>
      %shift_right_arithmetic3A_611 = arith.shrsi %select_n3A_602, %shift_right_arithmetic3A_610 : vector<16xi32>
      %shift_left3A_612 = arith.constant 10 : i32
      %shift_left3A_613 = vector.broadcast %shift_left3A_612 : i32 to vector<16xi32>
      %shift_left3A_614 = arith.shli %shift_right_arithmetic3A_611, %shift_left3A_613 : vector<16xi32>
      %add3A_615 = arith.addi %shift_left3A_608, %shift_left3A_614 : vector<16xi32>
      %and3A_616 = arith.constant 7 : i32
      %and3A_617 = vector.broadcast %and3A_616 : i32 to vector<16xi32>
      %and3A_618 = arith.andi %select_n3A_595, %and3A_617 : vector<16xi32>
      %shift_left3A_619 = arith.constant 7 : i32
      %shift_left3A_620 = vector.broadcast %shift_left3A_619 : i32 to vector<16xi32>
      %shift_left3A_621 = arith.shli %and3A_618, %shift_left3A_620 : vector<16xi32>
      %add3A_622 = arith.addi %add3A_615, %shift_left3A_621 : vector<16xi32>
      %and3A_623 = arith.constant 127 : i32
      %and3A_624 = vector.broadcast %and3A_623 : i32 to vector<16xi32>
      %and3A_625 = arith.andi %select_n3A_602, %and3A_624 : vector<16xi32>
      %add3A_626 = arith.addi %add3A_622, %and3A_625 : vector<16xi32>
      %swap3A_627 = arith.constant 224 : index
      %swap3A_628 = tpu.vector_load %arg18[%swap3A_627] {strides = array<i32>} : memref<288xi32, #tpu.memory_space<vmem>>, vector<16xi32>,
      %swap3A_629 = vector.shape_cast %swap3A_628 : vector<16xi32> to vector<16xi32>
      %swap3A_630 = vector.shape_cast %add3A_626 : vector<16xi32> to vector<16xi32>
      tpu.vector_store %arg18[%swap3A_627], %swap3A_630 {strides = array<i32>} : memref<288xi32, #tpu.memory_space<vmem>>, vector<16xi32>,
      %mul3A_631 = arith.constant 3 : i32
      %mul3A_632 = vector.broadcast %mul3A_631 : i32 to vector<16xi32>
      %mul3A_633 = arith.muli %mul3A_632, %add3A_514 : vector<16xi32>
      %add3A_634 = arith.addi %get3A_46, %mul3A_633 : vector<16xi32>
      %mul3A_635 = arith.constant 3 : i32
      %mul3A_636 = vector.broadcast %mul3A_635 : i32 to vector<16xi32>
      %mul3A_637 = arith.muli %mul3A_636, %add3A_530 : vector<16xi32>
      %add3A_638 = arith.addi %get3A_49, %mul3A_637 : vector<16xi32>
      %lt3A_639 = arith.constant 0 : i32
      %lt3A_640 = vector.broadcast %lt3A_639 : i32 to vector<16xi32>
      %lt3A_641 = arith.cmpi slt, %add3A_634, %lt3A_640 : vector<16xi32>
      %add3A_642 = arith.constant 4096 : i32
      %add3A_643 = vector.broadcast %add3A_642 : i32 to vector<16xi32>
      %add3A_644 = arith.addi %add3A_634, %add3A_643 : vector<16xi32>
      %select_n3A_645 = arith.select %lt3A_641, %add3A_644, %add3A_634 : vector<16xi1>, vector<16xi32>
      %lt3A_646 = arith.constant 0 : i32
      %lt3A_647 = vector.broadcast %lt3A_646 : i32 to vector<16xi32>
      %lt3A_648 = arith.cmpi slt, %add3A_638, %lt3A_647 : vector<16xi32>
      %add3A_649 = arith.constant 4096 : i32
      %add3A_650 = vector.broadcast %add3A_649 : i32 to vector<16xi32>
      %add3A_651 = arith.addi %add3A_638, %add3A_650 : vector<16xi32>
      %select_n3A_652 = arith.select %lt3A_648, %add3A_651, %add3A_638 : vector<16xi1>, vector<16xi32>
      %shift_right_arithmetic3A_653 = arith.constant 3 : i32
      %shift_right_arithmetic3A_654 = vector.broadcast %shift_right_arithmetic3A_653 : i32 to vector<16xi32>
      %shift_right_arithmetic3A_655 = arith.shrsi %select_n3A_645, %shift_right_arithmetic3A_654 : vector<16xi32>
      %shift_left3A_656 = arith.constant 15 : i32
      %shift_left3A_657 = vector.broadcast %shift_left3A_656 : i32 to vector<16xi32>
      %shift_left3A_658 = arith.shli %shift_right_arithmetic3A_655, %shift_left3A_657 : vector<16xi32>
      %shift_right_arithmetic3A_659 = arith.constant 7 : i32
      %shift_right_arithmetic3A_660 = vector.broadcast %shift_right_arithmetic3A_659 : i32 to vector<16xi32>
      %shift_right_arithmetic3A_661 = arith.shrsi %select_n3A_652, %shift_right_arithmetic3A_660 : vector<16xi32>
      %shift_left3A_662 = arith.constant 10 : i32
      %shift_left3A_663 = vector.broadcast %shift_left3A_662 : i32 to vector<16xi32>
      %shift_left3A_664 = arith.shli %shift_right_arithmetic3A_661, %shift_left3A_663 : vector<16xi32>
      %add3A_665 = arith.addi %shift_left3A_658, %shift_left3A_664 : vector<16xi32>
      %and3A_666 = arith.constant 7 : i32
      %and3A_667 = vector.broadcast %and3A_666 : i32 to vector<16xi32>
      %and3A_668 = arith.andi %select_n3A_645, %and3A_667 : vector<16xi32>
      %shift_left3A_669 = arith.constant 7 : i32
      %shift_left3A_670 = vector.broadcast %shift_left3A_669 : i32 to vector<16xi32>
      %shift_left3A_671 = arith.shli %and3A_668, %shift_left3A_670 : vector<16xi32>
      %add3A_672 = arith.addi %add3A_665, %shift_left3A_671 : vector<16xi32>
      %and3A_673 = arith.constant 127 : i32
      %and3A_674 = vector.broadcast %and3A_673 : i32 to vector<16xi32>
      %and3A_675 = arith.andi %select_n3A_652, %and3A_674 : vector<16xi32>
      %add3A_676 = arith.addi %add3A_672, %and3A_675 : vector<16xi32>
      %swap3A_677 = arith.constant 256 : index
      %swap3A_678 = tpu.vector_load %arg18[%swap3A_677] {strides = array<i32>} : memref<288xi32, #tpu.memory_space<vmem>>, vector<16xi32>,
      %swap3A_679 = vector.shape_cast %swap3A_678 : vector<16xi32> to vector<16xi32>
      %swap3A_680 = vector.shape_cast %add3A_676 : vector<16xi32> to vector<16xi32>
      tpu.vector_store %arg18[%swap3A_677], %swap3A_680 {strides = array<i32>} : memref<288xi32, #tpu.memory_space<vmem>>, vector<16xi32>,
      %sub3A_681 = arith.subi %get3A_172, %get3A_166 : vector<16xi32>
      %gt3A_682 = arith.constant 0 : i32
      %gt3A_683 = vector.broadcast %gt3A_682 : i32 to vector<16xi32>
      %gt3A_684 = arith.cmpi sgt, %sub3A_681, %gt3A_683 : vector<16xi32>
      %add3A_685 = arith.constant 1 : i32
      %add3A_686 = vector.broadcast %add3A_685 : i32 to vector<16xi32>
      %add3A_687 = arith.addi %broadcast_in_dim3A_32, %add3A_686 : vector<16xi32>
      %select_n3A_688 = arith.select %gt3A_684, %add3A_687, %broadcast_in_dim3A_32 : vector<16xi1>, vector<16xi32>
      %lt3A_689 = arith.constant 0 : i32
      %lt3A_690 = vector.broadcast %lt3A_689 : i32 to vector<16xi32>
      %lt3A_691 = arith.cmpi slt, %sub3A_681, %lt3A_690 : vector<16xi32>
      %sub3A_692 = arith.constant 1 : i32
      %sub3A_693 = vector.broadcast %sub3A_692 : i32 to vector<16xi32>
      %sub3A_694 = arith.subi %broadcast_in_dim3A_32, %sub3A_693 : vector<16xi32>
      %select_n3A_695 = arith.select %lt3A_691, %sub3A_694, %broadcast_in_dim3A_32 : vector<16xi1>, vector<16xi32>
      %add3A_696 = arith.addi %select_n3A_688, %select_n3A_695 : vector<16xi32>
      %sub3A_697 = arith.subi %get3A_175, %get3A_169 : vector<16xi32>
      %gt3A_698 = arith.constant 0 : i32
      %gt3A_699 = vector.broadcast %gt3A_698 : i32 to vector<16xi32>
      %gt3A_700 = arith.cmpi sgt, %sub3A_697, %gt3A_699 : vector<16xi32>
      %add3A_701 = arith.constant 1 : i32
      %add3A_702 = vector.broadcast %add3A_701 : i32 to vector<16xi32>
      %add3A_703 = arith.addi %broadcast_in_dim3A_32, %add3A_702 : vector<16xi32>
      %select_n3A_704 = arith.select %gt3A_700, %add3A_703, %broadcast_in_dim3A_32 : vector<16xi1>, vector<16xi32>
      %lt3A_705 = arith.constant 0 : i32
      %lt3A_706 = vector.broadcast %lt3A_705 : i32 to vector<16xi32>
      %lt3A_707 = arith.cmpi slt, %sub3A_697, %lt3A_706 : vector<16xi32>
      %sub3A_708 = arith.constant 1 : i32
      %sub3A_709 = vector.broadcast %sub3A_708 : i32 to vector<16xi32>
      %sub3A_710 = arith.subi %broadcast_in_dim3A_32, %sub3A_709 : vector<16xi32>
      %select_n3A_711 = arith.select %lt3A_707, %sub3A_710, %broadcast_in_dim3A_32 : vector<16xi1>, vector<16xi32>
      %add3A_712 = arith.addi %select_n3A_704, %select_n3A_711 : vector<16xi32>
      %mul3A_713 = arith.constant 1 : i32
      %mul3A_714 = vector.broadcast %mul3A_713 : i32 to vector<16xi32>
      %mul3A_715 = arith.muli %mul3A_714, %add3A_696 : vector<16xi32>
      %add3A_716 = arith.addi %get3A_172, %mul3A_715 : vector<16xi32>
      %mul3A_717 = arith.constant 1 : i32
      %mul3A_718 = vector.broadcast %mul3A_717 : i32 to vector<16xi32>
      %mul3A_719 = arith.muli %mul3A_718, %add3A_712 : vector<16xi32>
      %add3A_720 = arith.addi %get3A_175, %mul3A_719 : vector<16xi32>
      %lt3A_721 = arith.constant 0 : i32
      %lt3A_722 = vector.broadcast %lt3A_721 : i32 to vector<16xi32>
      %lt3A_723 = arith.cmpi slt, %add3A_716, %lt3A_722 : vector<16xi32>
      %add3A_724 = arith.constant 4096 : i32
      %add3A_725 = vector.broadcast %add3A_724 : i32 to vector<16xi32>
      %add3A_726 = arith.addi %add3A_716, %add3A_725 : vector<16xi32>
      %select_n3A_727 = arith.select %lt3A_723, %add3A_726, %add3A_716 : vector<16xi1>, vector<16xi32>
      %lt3A_728 = arith.constant 0 : i32
      %lt3A_729 = vector.broadcast %lt3A_728 : i32 to vector<16xi32>
      %lt3A_730 = arith.cmpi slt, %add3A_720, %lt3A_729 : vector<16xi32>
      %add3A_731 = arith.constant 4096 : i32
      %add3A_732 = vector.broadcast %add3A_731 : i32 to vector<16xi32>
      %add3A_733 = arith.addi %add3A_720, %add3A_732 : vector<16xi32>
      %select_n3A_734 = arith.select %lt3A_730, %add3A_733, %add3A_720 : vector<16xi1>, vector<16xi32>
      %shift_right_arithmetic3A_735 = arith.constant 3 : i32
      %shift_right_arithmetic3A_736 = vector.broadcast %shift_right_arithmetic3A_735 : i32 to vector<16xi32>
      %shift_right_arithmetic3A_737 = arith.shrsi %select_n3A_727, %shift_right_arithmetic3A_736 : vector<16xi32>
      %shift_left3A_738 = arith.constant 15 : i32
      %shift_left3A_739 = vector.broadcast %shift_left3A_738 : i32 to vector<16xi32>
      %shift_left3A_740 = arith.shli %shift_right_arithmetic3A_737, %shift_left3A_739 : vector<16xi32>
      %shift_right_arithmetic3A_741 = arith.constant 7 : i32
      %shift_right_arithmetic3A_742 = vector.broadcast %shift_right_arithmetic3A_741 : i32 to vector<16xi32>
      %shift_right_arithmetic3A_743 = arith.shrsi %select_n3A_734, %shift_right_arithmetic3A_742 : vector<16xi32>
      %shift_left3A_744 = arith.constant 10 : i32
      %shift_left3A_745 = vector.broadcast %shift_left3A_744 : i32 to vector<16xi32>
      %shift_left3A_746 = arith.shli %shift_right_arithmetic3A_743, %shift_left3A_745 : vector<16xi32>
      %add3A_747 = arith.addi %shift_left3A_740, %shift_left3A_746 : vector<16xi32>
      %and3A_748 = arith.constant 7 : i32
      %and3A_749 = vector.broadcast %and3A_748 : i32 to vector<16xi32>
      %and3A_750 = arith.andi %select_n3A_727, %and3A_749 : vector<16xi32>
      %shift_left3A_751 = arith.constant 7 : i32
      %shift_left3A_752 = vector.broadcast %shift_left3A_751 : i32 to vector<16xi32>
      %shift_left3A_753 = arith.shli %and3A_750, %shift_left3A_752 : vector<16xi32>
      %add3A_754 = arith.addi %add3A_747, %shift_left3A_753 : vector<16xi32>
      %and3A_755 = arith.constant 127 : i32
      %and3A_756 = vector.broadcast %and3A_755 : i32 to vector<16xi32>
      %and3A_757 = arith.andi %select_n3A_734, %and3A_756 : vector<16xi32>
      %add3A_758 = arith.addi %add3A_754, %and3A_757 : vector<16xi32>
      %swap3A_759 = arith.constant 112 : index
      %swap3A_760 = tpu.vector_load %arg18[%swap3A_759] {strides = array<i32>} : memref<288xi32, #tpu.memory_space<vmem>>, vector<16xi32>,
      %swap3A_761 = vector.shape_cast %swap3A_760 : vector<16xi32> to vector<16xi32>
      %swap3A_762 = vector.shape_cast %add3A_758 : vector<16xi32> to vector<16xi32>
      tpu.vector_store %arg18[%swap3A_759], %swap3A_762 {strides = array<i32>} : memref<288xi32, #tpu.memory_space<vmem>>, vector<16xi32>,
      %mul3A_763 = arith.constant 2 : i32
      %mul3A_764 = vector.broadcast %mul3A_763 : i32 to vector<16xi32>
      %mul3A_765 = arith.muli %mul3A_764, %add3A_696 : vector<16xi32>
      %add3A_766 = arith.addi %get3A_172, %mul3A_765 : vector<16xi32>
      %mul3A_767 = arith.constant 2 : i32
      %mul3A_768 = vector.broadcast %mul3A_767 : i32 to vector<16xi32>
      %mul3A_769 = arith.muli %mul3A_768, %add3A_712 : vector<16xi32>
      %add3A_770 = arith.addi %get3A_175, %mul3A_769 : vector<16xi32>
      %lt3A_771 = arith.constant 0 : i32
      %lt3A_772 = vector.broadcast %lt3A_771 : i32 to vector<16xi32>
      %lt3A_773 = arith.cmpi slt, %add3A_766, %lt3A_772 : vector<16xi32>
      %add3A_774 = arith.constant 4096 : i32
      %add3A_775 = vector.broadcast %add3A_774 : i32 to vector<16xi32>
      %add3A_776 = arith.addi %add3A_766, %add3A_775 : vector<16xi32>
      %select_n3A_777 = arith.select %lt3A_773, %add3A_776, %add3A_766 : vector<16xi1>, vector<16xi32>
      %lt3A_778 = arith.constant 0 : i32
      %lt3A_779 = vector.broadcast %lt3A_778 : i32 to vector<16xi32>
      %lt3A_780 = arith.cmpi slt, %add3A_770, %lt3A_779 : vector<16xi32>
      %add3A_781 = arith.constant 4096 : i32
      %add3A_782 = vector.broadcast %add3A_781 : i32 to vector<16xi32>
      %add3A_783 = arith.addi %add3A_770, %add3A_782 : vector<16xi32>
      %select_n3A_784 = arith.select %lt3A_780, %add3A_783, %add3A_770 : vector<16xi1>, vector<16xi32>
      %shift_right_arithmetic3A_785 = arith.constant 3 : i32
      %shift_right_arithmetic3A_786 = vector.broadcast %shift_right_arithmetic3A_785 : i32 to vector<16xi32>
      %shift_right_arithmetic3A_787 = arith.shrsi %select_n3A_777, %shift_right_arithmetic3A_786 : vector<16xi32>
      %shift_left3A_788 = arith.constant 15 : i32
      %shift_left3A_789 = vector.broadcast %shift_left3A_788 : i32 to vector<16xi32>
      %shift_left3A_790 = arith.shli %shift_right_arithmetic3A_787, %shift_left3A_789 : vector<16xi32>
      %shift_right_arithmetic3A_791 = arith.constant 7 : i32
      %shift_right_arithmetic3A_792 = vector.broadcast %shift_right_arithmetic3A_791 : i32 to vector<16xi32>
      %shift_right_arithmetic3A_793 = arith.shrsi %select_n3A_784, %shift_right_arithmetic3A_792 : vector<16xi32>
      %shift_left3A_794 = arith.constant 10 : i32
      %shift_left3A_795 = vector.broadcast %shift_left3A_794 : i32 to vector<16xi32>
      %shift_left3A_796 = arith.shli %shift_right_arithmetic3A_793, %shift_left3A_795 : vector<16xi32>
      %add3A_797 = arith.addi %shift_left3A_790, %shift_left3A_796 : vector<16xi32>
      %and3A_798 = arith.constant 7 : i32
      %and3A_799 = vector.broadcast %and3A_798 : i32 to vector<16xi32>
      %and3A_800 = arith.andi %select_n3A_777, %and3A_799 : vector<16xi32>
      %shift_left3A_801 = arith.constant 7 : i32
      %shift_left3A_802 = vector.broadcast %shift_left3A_801 : i32 to vector<16xi32>
      %shift_left3A_803 = arith.shli %and3A_800, %shift_left3A_802 : vector<16xi32>
      %add3A_804 = arith.addi %add3A_797, %shift_left3A_803 : vector<16xi32>
      %and3A_805 = arith.constant 127 : i32
      %and3A_806 = vector.broadcast %and3A_805 : i32 to vector<16xi32>
      %and3A_807 = arith.andi %select_n3A_784, %and3A_806 : vector<16xi32>
      %add3A_808 = arith.addi %add3A_804, %and3A_807 : vector<16xi32>
      %swap3A_809 = arith.constant 144 : index
      %swap3A_810 = tpu.vector_load %arg18[%swap3A_809] {strides = array<i32>} : memref<288xi32, #tpu.memory_space<vmem>>, vector<16xi32>,
      %swap3A_811 = vector.shape_cast %swap3A_810 : vector<16xi32> to vector<16xi32>
      %swap3A_812 = vector.shape_cast %add3A_808 : vector<16xi32> to vector<16xi32>
      tpu.vector_store %arg18[%swap3A_809], %swap3A_812 {strides = array<i32>} : memref<288xi32, #tpu.memory_space<vmem>>, vector<16xi32>,
      %mul3A_813 = arith.constant 3 : i32
      %mul3A_814 = vector.broadcast %mul3A_813 : i32 to vector<16xi32>
      %mul3A_815 = arith.muli %mul3A_814, %add3A_696 : vector<16xi32>
      %add3A_816 = arith.addi %get3A_172, %mul3A_815 : vector<16xi32>
      %mul3A_817 = arith.constant 3 : i32
      %mul3A_818 = vector.broadcast %mul3A_817 : i32 to vector<16xi32>
      %mul3A_819 = arith.muli %mul3A_818, %add3A_712 : vector<16xi32>
      %add3A_820 = arith.addi %get3A_175, %mul3A_819 : vector<16xi32>
      %lt3A_821 = arith.constant 0 : i32
      %lt3A_822 = vector.broadcast %lt3A_821 : i32 to vector<16xi32>
      %lt3A_823 = arith.cmpi slt, %add3A_816, %lt3A_822 : vector<16xi32>
      %add3A_824 = arith.constant 4096 : i32
      %add3A_825 = vector.broadcast %add3A_824 : i32 to vector<16xi32>
      %add3A_826 = arith.addi %add3A_816, %add3A_825 : vector<16xi32>
      %select_n3A_827 = arith.select %lt3A_823, %add3A_826, %add3A_816 : vector<16xi1>, vector<16xi32>
      %lt3A_828 = arith.constant 0 : i32
      %lt3A_829 = vector.broadcast %lt3A_828 : i32 to vector<16xi32>
      %lt3A_830 = arith.cmpi slt, %add3A_820, %lt3A_829 : vector<16xi32>
      %add3A_831 = arith.constant 4096 : i32
      %add3A_832 = vector.broadcast %add3A_831 : i32 to vector<16xi32>
      %add3A_833 = arith.addi %add3A_820, %add3A_832 : vector<16xi32>
      %select_n3A_834 = arith.select %lt3A_830, %add3A_833, %add3A_820 : vector<16xi1>, vector<16xi32>
      %shift_right_arithmetic3A_835 = arith.constant 3 : i32
      %shift_right_arithmetic3A_836 = vector.broadcast %shift_right_arithmetic3A_835 : i32 to vector<16xi32>
      %shift_right_arithmetic3A_837 = arith.shrsi %select_n3A_827, %shift_right_arithmetic3A_836 : vector<16xi32>
      %shift_left3A_838 = arith.constant 15 : i32
      %shift_left3A_839 = vector.broadcast %shift_left3A_838 : i32 to vector<16xi32>
      %shift_left3A_840 = arith.shli %shift_right_arithmetic3A_837, %shift_left3A_839 : vector<16xi32>
      %shift_right_arithmetic3A_841 = arith.constant 7 : i32
      %shift_right_arithmetic3A_842 = vector.broadcast %shift_right_arithmetic3A_841 : i32 to vector<16xi32>
      %shift_right_arithmetic3A_843 = arith.shrsi %select_n3A_834, %shift_right_arithmetic3A_842 : vector<16xi32>
      %shift_left3A_844 = arith.constant 10 : i32
      %shift_left3A_845 = vector.broadcast %shift_left3A_844 : i32 to vector<16xi32>
      %shift_left3A_846 = arith.shli %shift_right_arithmetic3A_843, %shift_left3A_845 : vector<16xi32>
      %add3A_847 = arith.addi %shift_left3A_840, %shift_left3A_846 : vector<16xi32>
      %and3A_848 = arith.constant 7 : i32
      %and3A_849 = vector.broadcast %and3A_848 : i32 to vector<16xi32>
      %and3A_850 = arith.andi %select_n3A_827, %and3A_849 : vector<16xi32>
      %shift_left3A_851 = arith.constant 7 : i32
      %shift_left3A_852 = vector.broadcast %shift_left3A_851 : i32 to vector<16xi32>
      %shift_left3A_853 = arith.shli %and3A_850, %shift_left3A_852 : vector<16xi32>
      %add3A_854 = arith.addi %add3A_847, %shift_left3A_853 : vector<16xi32>
      %and3A_855 = arith.constant 127 : i32
      %and3A_856 = vector.broadcast %and3A_855 : i32 to vector<16xi32>
      %and3A_857 = arith.andi %select_n3A_834, %and3A_856 : vector<16xi32>
      %add3A_858 = arith.addi %add3A_854, %and3A_857 : vector<16xi32>
      %swap3A_859 = arith.constant 176 : index
      %swap3A_860 = tpu.vector_load %arg18[%swap3A_859] {strides = array<i32>} : memref<288xi32, #tpu.memory_space<vmem>>, vector<16xi32>,
      %swap3A_861 = vector.shape_cast %swap3A_860 : vector<16xi32> to vector<16xi32>
      %swap3A_862 = vector.shape_cast %add3A_858 : vector<16xi32> to vector<16xi32>
      tpu.vector_store %arg18[%swap3A_859], %swap3A_862 {strides = array<i32>} : memref<288xi32, #tpu.memory_space<vmem>>, vector<16xi32>,
      %sub3A_863 = arith.subi %get3A_178, %get3A_166 : vector<16xi32>
      %gt3A_864 = arith.constant 0 : i32
      %gt3A_865 = vector.broadcast %gt3A_864 : i32 to vector<16xi32>
      %gt3A_866 = arith.cmpi sgt, %sub3A_863, %gt3A_865 : vector<16xi32>
      %add3A_867 = arith.constant 1 : i32
      %add3A_868 = vector.broadcast %add3A_867 : i32 to vector<16xi32>
      %add3A_869 = arith.addi %broadcast_in_dim3A_32, %add3A_868 : vector<16xi32>
      %select_n3A_870 = arith.select %gt3A_866, %add3A_869, %broadcast_in_dim3A_32 : vector<16xi1>, vector<16xi32>
      %lt3A_871 = arith.constant 0 : i32
      %lt3A_872 = vector.broadcast %lt3A_871 : i32 to vector<16xi32>
      %lt3A_873 = arith.cmpi slt, %sub3A_863, %lt3A_872 : vector<16xi32>
      %sub3A_874 = arith.constant 1 : i32
      %sub3A_875 = vector.broadcast %sub3A_874 : i32 to vector<16xi32>
      %sub3A_876 = arith.subi %broadcast_in_dim3A_32, %sub3A_875 : vector<16xi32>
      %select_n3A_877 = arith.select %lt3A_873, %sub3A_876, %broadcast_in_dim3A_32 : vector<16xi1>, vector<16xi32>
      %add3A_878 = arith.addi %select_n3A_870, %select_n3A_877 : vector<16xi32>
      %sub3A_879 = arith.subi %get3A_181, %get3A_169 : vector<16xi32>
      %gt3A_880 = arith.constant 0 : i32
      %gt3A_881 = vector.broadcast %gt3A_880 : i32 to vector<16xi32>
      %gt3A_882 = arith.cmpi sgt, %sub3A_879, %gt3A_881 : vector<16xi32>
      %add3A_883 = arith.constant 1 : i32
      %add3A_884 = vector.broadcast %add3A_883 : i32 to vector<16xi32>
      %add3A_885 = arith.addi %broadcast_in_dim3A_32, %add3A_884 : vector<16xi32>
      %select_n3A_886 = arith.select %gt3A_882, %add3A_885, %broadcast_in_dim3A_32 : vector<16xi1>, vector<16xi32>
      %lt3A_887 = arith.constant 0 : i32
      %lt3A_888 = vector.broadcast %lt3A_887 : i32 to vector<16xi32>
      %lt3A_889 = arith.cmpi slt, %sub3A_879, %lt3A_888 : vector<16xi32>
      %sub3A_890 = arith.constant 1 : i32
      %sub3A_891 = vector.broadcast %sub3A_890 : i32 to vector<16xi32>
      %sub3A_892 = arith.subi %broadcast_in_dim3A_32, %sub3A_891 : vector<16xi32>
      %select_n3A_893 = arith.select %lt3A_889, %sub3A_892, %broadcast_in_dim3A_32 : vector<16xi1>, vector<16xi32>
      %add3A_894 = arith.addi %select_n3A_886, %select_n3A_893 : vector<16xi32>
      %mul3A_895 = arith.constant 1 : i32
      %mul3A_896 = vector.broadcast %mul3A_895 : i32 to vector<16xi32>
      %mul3A_897 = arith.muli %mul3A_896, %add3A_878 : vector<16xi32>
      %add3A_898 = arith.addi %get3A_178, %mul3A_897 : vector<16xi32>
      %mul3A_899 = arith.constant 1 : i32
      %mul3A_900 = vector.broadcast %mul3A_899 : i32 to vector<16xi32>
      %mul3A_901 = arith.muli %mul3A_900, %add3A_894 : vector<16xi32>
      %add3A_902 = arith.addi %get3A_181, %mul3A_901 : vector<16xi32>
      %lt3A_903 = arith.constant 0 : i32
      %lt3A_904 = vector.broadcast %lt3A_903 : i32 to vector<16xi32>
      %lt3A_905 = arith.cmpi slt, %add3A_898, %lt3A_904 : vector<16xi32>
      %add3A_906 = arith.constant 4096 : i32
      %add3A_907 = vector.broadcast %add3A_906 : i32 to vector<16xi32>
      %add3A_908 = arith.addi %add3A_898, %add3A_907 : vector<16xi32>
      %select_n3A_909 = arith.select %lt3A_905, %add3A_908, %add3A_898 : vector<16xi1>, vector<16xi32>
      %lt3A_910 = arith.constant 0 : i32
      %lt3A_911 = vector.broadcast %lt3A_910 : i32 to vector<16xi32>
      %lt3A_912 = arith.cmpi slt, %add3A_902, %lt3A_911 : vector<16xi32>
      %add3A_913 = arith.constant 4096 : i32
      %add3A_914 = vector.broadcast %add3A_913 : i32 to vector<16xi32>
      %add3A_915 = arith.addi %add3A_902, %add3A_914 : vector<16xi32>
      %select_n3A_916 = arith.select %lt3A_912, %add3A_915, %add3A_902 : vector<16xi1>, vector<16xi32>
      %shift_right_arithmetic3A_917 = arith.constant 3 : i32
      %shift_right_arithmetic3A_918 = vector.broadcast %shift_right_arithmetic3A_917 : i32 to vector<16xi32>
      %shift_right_arithmetic3A_919 = arith.shrsi %select_n3A_909, %shift_right_arithmetic3A_918 : vector<16xi32>
      %shift_left3A_920 = arith.constant 15 : i32
      %shift_left3A_921 = vector.broadcast %shift_left3A_920 : i32 to vector<16xi32>
      %shift_left3A_922 = arith.shli %shift_right_arithmetic3A_919, %shift_left3A_921 : vector<16xi32>
      %shift_right_arithmetic3A_923 = arith.constant 7 : i32
      %shift_right_arithmetic3A_924 = vector.broadcast %shift_right_arithmetic3A_923 : i32 to vector<16xi32>
      %shift_right_arithmetic3A_925 = arith.shrsi %select_n3A_916, %shift_right_arithmetic3A_924 : vector<16xi32>
      %shift_left3A_926 = arith.constant 10 : i32
      %shift_left3A_927 = vector.broadcast %shift_left3A_926 : i32 to vector<16xi32>
      %shift_left3A_928 = arith.shli %shift_right_arithmetic3A_925, %shift_left3A_927 : vector<16xi32>
      %add3A_929 = arith.addi %shift_left3A_922, %shift_left3A_928 : vector<16xi32>
      %and3A_930 = arith.constant 7 : i32
      %and3A_931 = vector.broadcast %and3A_930 : i32 to vector<16xi32>
      %and3A_932 = arith.andi %select_n3A_909, %and3A_931 : vector<16xi32>
      %shift_left3A_933 = arith.constant 7 : i32
      %shift_left3A_934 = vector.broadcast %shift_left3A_933 : i32 to vector<16xi32>
      %shift_left3A_935 = arith.shli %and3A_932, %shift_left3A_934 : vector<16xi32>
      %add3A_936 = arith.addi %add3A_929, %shift_left3A_935 : vector<16xi32>
      %and3A_937 = arith.constant 127 : i32
      %and3A_938 = vector.broadcast %and3A_937 : i32 to vector<16xi32>
      %and3A_939 = arith.andi %select_n3A_916, %and3A_938 : vector<16xi32>
      %add3A_940 = arith.addi %add3A_936, %and3A_939 : vector<16xi32>
      %swap3A_941 = arith.constant 208 : index
      %swap3A_942 = tpu.vector_load %arg18[%swap3A_941] {strides = array<i32>} : memref<288xi32, #tpu.memory_space<vmem>>, vector<16xi32>,
      %swap3A_943 = vector.shape_cast %swap3A_942 : vector<16xi32> to vector<16xi32>
      %swap3A_944 = vector.shape_cast %add3A_940 : vector<16xi32> to vector<16xi32>
      tpu.vector_store %arg18[%swap3A_941], %swap3A_944 {strides = array<i32>} : memref<288xi32, #tpu.memory_space<vmem>>, vector<16xi32>,
      %mul3A_945 = arith.constant 2 : i32
      %mul3A_946 = vector.broadcast %mul3A_945 : i32 to vector<16xi32>
      %mul3A_947 = arith.muli %mul3A_946, %add3A_878 : vector<16xi32>
      %add3A_948 = arith.addi %get3A_178, %mul3A_947 : vector<16xi32>
      %mul3A_949 = arith.constant 2 : i32
      %mul3A_950 = vector.broadcast %mul3A_949 : i32 to vector<16xi32>
      %mul3A_951 = arith.muli %mul3A_950, %add3A_894 : vector<16xi32>
      %add3A_952 = arith.addi %get3A_181, %mul3A_951 : vector<16xi32>
      %lt3A_953 = arith.constant 0 : i32
      %lt3A_954 = vector.broadcast %lt3A_953 : i32 to vector<16xi32>
      %lt3A_955 = arith.cmpi slt, %add3A_948, %lt3A_954 : vector<16xi32>
      %add3A_956 = arith.constant 4096 : i32
      %add3A_957 = vector.broadcast %add3A_956 : i32 to vector<16xi32>
      %add3A_958 = arith.addi %add3A_948, %add3A_957 : vector<16xi32>
      %select_n3A_959 = arith.select %lt3A_955, %add3A_958, %add3A_948 : vector<16xi1>, vector<16xi32>
      %lt3A_960 = arith.constant 0 : i32
      %lt3A_961 = vector.broadcast %lt3A_960 : i32 to vector<16xi32>
      %lt3A_962 = arith.cmpi slt, %add3A_952, %lt3A_961 : vector<16xi32>
      %add3A_963 = arith.constant 4096 : i32
      %add3A_964 = vector.broadcast %add3A_963 : i32 to vector<16xi32>
      %add3A_965 = arith.addi %add3A_952, %add3A_964 : vector<16xi32>
      %select_n3A_966 = arith.select %lt3A_962, %add3A_965, %add3A_952 : vector<16xi1>, vector<16xi32>
      %shift_right_arithmetic3A_967 = arith.constant 3 : i32
      %shift_right_arithmetic3A_968 = vector.broadcast %shift_right_arithmetic3A_967 : i32 to vector<16xi32>
      %shift_right_arithmetic3A_969 = arith.shrsi %select_n3A_959, %shift_right_arithmetic3A_968 : vector<16xi32>
      %shift_left3A_970 = arith.constant 15 : i32
      %shift_left3A_971 = vector.broadcast %shift_left3A_970 : i32 to vector<16xi32>
      %shift_left3A_972 = arith.shli %shift_right_arithmetic3A_969, %shift_left3A_971 : vector<16xi32>
      %shift_right_arithmetic3A_973 = arith.constant 7 : i32
      %shift_right_arithmetic3A_974 = vector.broadcast %shift_right_arithmetic3A_973 : i32 to vector<16xi32>
      %shift_right_arithmetic3A_975 = arith.shrsi %select_n3A_966, %shift_right_arithmetic3A_974 : vector<16xi32>
      %shift_left3A_976 = arith.constant 10 : i32
      %shift_left3A_977 = vector.broadcast %shift_left3A_976 : i32 to vector<16xi32>
      %shift_left3A_978 = arith.shli %shift_right_arithmetic3A_975, %shift_left3A_977 : vector<16xi32>
      %add3A_979 = arith.addi %shift_left3A_972, %shift_left3A_978 : vector<16xi32>
      %and3A_980 = arith.constant 7 : i32
      %and3A_981 = vector.broadcast %and3A_980 : i32 to vector<16xi32>
      %and3A_982 = arith.andi %select_n3A_959, %and3A_981 : vector<16xi32>
      %shift_left3A_983 = arith.constant 7 : i32
      %shift_left3A_984 = vector.broadcast %shift_left3A_983 : i32 to vector<16xi32>
      %shift_left3A_985 = arith.shli %and3A_982, %shift_left3A_984 : vector<16xi32>
      %add3A_986 = arith.addi %add3A_979, %shift_left3A_985 : vector<16xi32>
      %and3A_987 = arith.constant 127 : i32
      %and3A_988 = vector.broadcast %and3A_987 : i32 to vector<16xi32>
      %and3A_989 = arith.andi %select_n3A_966, %and3A_988 : vector<16xi32>
      %add3A_990 = arith.addi %add3A_986, %and3A_989 : vector<16xi32>
      %swap3A_991 = arith.constant 240 : index
      %swap3A_992 = tpu.vector_load %arg18[%swap3A_991] {strides = array<i32>} : memref<288xi32, #tpu.memory_space<vmem>>, vector<16xi32>,
      %swap3A_993 = vector.shape_cast %swap3A_992 : vector<16xi32> to vector<16xi32>
      %swap3A_994 = vector.shape_cast %add3A_990 : vector<16xi32> to vector<16xi32>
      tpu.vector_store %arg18[%swap3A_991], %swap3A_994 {strides = array<i32>} : memref<288xi32, #tpu.memory_space<vmem>>, vector<16xi32>,
      %mul3A_995 = arith.constant 3 : i32
      %mul3A_996 = vector.broadcast %mul3A_995 : i32 to vector<16xi32>
      %mul3A_997 = arith.muli %mul3A_996, %add3A_878 : vector<16xi32>
      %add3A_998 = arith.addi %get3A_178, %mul3A_997 : vector<16xi32>
      %mul3A_999 = arith.constant 3 : i32
      %mul3A_1000 = vector.broadcast %mul3A_999 : i32 to vector<16xi32>
      %mul3A_1001 = arith.muli %mul3A_1000, %add3A_894 : vector<16xi32>
      %add3A_1002 = arith.addi %get3A_181, %mul3A_1001 : vector<16xi32>
      %lt3A_1003 = arith.constant 0 : i32
      %lt3A_1004 = vector.broadcast %lt3A_1003 : i32 to vector<16xi32>
      %lt3A_1005 = arith.cmpi slt, %add3A_998, %lt3A_1004 : vector<16xi32>
      %add3A_1006 = arith.constant 4096 : i32
      %add3A_1007 = vector.broadcast %add3A_1006 : i32 to vector<16xi32>
      %add3A_1008 = arith.addi %add3A_998, %add3A_1007 : vector<16xi32>
      %select_n3A_1009 = arith.select %lt3A_1005, %add3A_1008, %add3A_998 : vector<16xi1>, vector<16xi32>
      %lt3A_1010 = arith.constant 0 : i32
      %lt3A_1011 = vector.broadcast %lt3A_1010 : i32 to vector<16xi32>
      %lt3A_1012 = arith.cmpi slt, %add3A_1002, %lt3A_1011 : vector<16xi32>
      %add3A_1013 = arith.constant 4096 : i32
      %add3A_1014 = vector.broadcast %add3A_1013 : i32 to vector<16xi32>
      %add3A_1015 = arith.addi %add3A_1002, %add3A_1014 : vector<16xi32>
      %select_n3A_1016 = arith.select %lt3A_1012, %add3A_1015, %add3A_1002 : vector<16xi1>, vector<16xi32>
      %shift_right_arithmetic3A_1017 = arith.constant 3 : i32
      %shift_right_arithmetic3A_1018 = vector.broadcast %shift_right_arithmetic3A_1017 : i32 to vector<16xi32>
      %shift_right_arithmetic3A_1019 = arith.shrsi %select_n3A_1009, %shift_right_arithmetic3A_1018 : vector<16xi32>
      %shift_left3A_1020 = arith.constant 15 : i32
      %shift_left3A_1021 = vector.broadcast %shift_left3A_1020 : i32 to vector<16xi32>
      %shift_left3A_1022 = arith.shli %shift_right_arithmetic3A_1019, %shift_left3A_1021 : vector<16xi32>
      %shift_right_arithmetic3A_1023 = arith.constant 7 : i32
      %shift_right_arithmetic3A_1024 = vector.broadcast %shift_right_arithmetic3A_1023 : i32 to vector<16xi32>
      %shift_right_arithmetic3A_1025 = arith.shrsi %select_n3A_1016, %shift_right_arithmetic3A_1024 : vector<16xi32>
      %shift_left3A_1026 = arith.constant 10 : i32
      %shift_left3A_1027 = vector.broadcast %shift_left3A_1026 : i32 to vector<16xi32>
      %shift_left3A_1028 = arith.shli %shift_right_arithmetic3A_1025, %shift_left3A_1027 : vector<16xi32>
      %add3A_1029 = arith.addi %shift_left3A_1022, %shift_left3A_1028 : vector<16xi32>
      %and3A_1030 = arith.constant 7 : i32
      %and3A_1031 = vector.broadcast %and3A_1030 : i32 to vector<16xi32>
      %and3A_1032 = arith.andi %select_n3A_1009, %and3A_1031 : vector<16xi32>
      %shift_left3A_1033 = arith.constant 7 : i32
      %shift_left3A_1034 = vector.broadcast %shift_left3A_1033 : i32 to vector<16xi32>
      %shift_left3A_1035 = arith.shli %and3A_1032, %shift_left3A_1034 : vector<16xi32>
      %add3A_1036 = arith.addi %add3A_1029, %shift_left3A_1035 : vector<16xi32>
      %and3A_1037 = arith.constant 127 : i32
      %and3A_1038 = vector.broadcast %and3A_1037 : i32 to vector<16xi32>
      %and3A_1039 = arith.andi %select_n3A_1016, %and3A_1038 : vector<16xi32>
      %add3A_1040 = arith.addi %add3A_1036, %and3A_1039 : vector<16xi32>
      %swap3A_1041 = arith.constant 272 : index
      %swap3A_1042 = tpu.vector_load %arg18[%swap3A_1041] {strides = array<i32>} : memref<288xi32, #tpu.memory_space<vmem>>, vector<16xi32>,
      %swap3A_1043 = vector.shape_cast %swap3A_1042 : vector<16xi32> to vector<16xi32>
      %swap3A_1044 = vector.shape_cast %add3A_1040 : vector<16xi32> to vector<16xi32>
      tpu.vector_store %arg18[%swap3A_1041], %swap3A_1044 {strides = array<i32>} : memref<288xi32, #tpu.memory_space<vmem>>, vector<16xi32>,
      %dma_start3A_1045 = arith.constant 96 : i32
      %dma_start3A_1046 = tpu.memref_slice %arg19[%dma_start3A_1045] : memref<288xf32, #tpu.memory_space<vmem>> -> memref<128xf32, #tpu.memory_space<vmem>>
      %dma_start3A_1047 = arith.constant 96 : i32
      %dma_start3A_1048 = tpu.memref_slice %arg18[%dma_start3A_1047] : memref<288xi32, #tpu.memory_space<vmem>> -> memref<128xi32, #tpu.memory_space<vmem>>
      %dma_start3A_1049 = arith.constant 0 : i32
      %dma_start3A_1050 = tpu.memref_slice %arg2[%dma_start3A_1049] : memref<16777216xf32, #tpu.memory_space<hbm>> -> memref<16777216xf32, #tpu.memory_space<hbm>>
      tpu.enqueue_indirect_dma source(%dma_start3A_1050 : memref<16777216xf32, #tpu.memory_space<hbm>>) target(%dma_start3A_1046 : memref<128xf32, #tpu.memory_space<vmem>>) offsets(%dma_start3A_1048 : memref<128xi32, #tpu.memory_space<vmem>>) semaphore(%arg25 : memref<!tpu.dma_semaphore, #tpu.memory_space<semaphore_mem>>)
      %dma_start3A_1051 = arith.constant 224 : i32
      %dma_start3A_1052 = tpu.memref_slice %arg19[%dma_start3A_1051] : memref<288xf32, #tpu.memory_space<vmem>> -> memref<64xf32, #tpu.memory_space<vmem>>
      %dma_start3A_1053 = arith.constant 224 : i32
      %dma_start3A_1054 = tpu.memref_slice %arg18[%dma_start3A_1053] : memref<288xi32, #tpu.memory_space<vmem>> -> memref<64xi32, #tpu.memory_space<vmem>>
      %dma_start3A_1055 = arith.constant 0 : i32
      %dma_start3A_1056 = tpu.memref_slice %arg2[%dma_start3A_1055] : memref<16777216xf32, #tpu.memory_space<hbm>> -> memref<16777216xf32, #tpu.memory_space<hbm>>
      tpu.enqueue_indirect_dma source(%dma_start3A_1056 : memref<16777216xf32, #tpu.memory_space<hbm>>) target(%dma_start3A_1052 : memref<64xf32, #tpu.memory_space<vmem>>) offsets(%dma_start3A_1054 : memref<64xi32, #tpu.memory_space<vmem>>) semaphore(%arg25 : memref<!tpu.dma_semaphore, #tpu.memory_space<semaphore_mem>>)
      %dma_wait3A_1057 = arith.constant 0 : i32
      %dma_wait3A_1058 = tpu.memref_slice %arg19[%dma_wait3A_1057] : memref<288xf32, #tpu.memory_space<vmem>> -> memref<96xf32, #tpu.memory_space<vmem>>
      %dma_wait3A_1059 = arith.constant 0 : i32
      %dma_wait3A_1060 = tpu.memref_slice %arg18[%dma_wait3A_1059] : memref<288xi32, #tpu.memory_space<vmem>> -> memref<96xi32, #tpu.memory_space<vmem>>
      %dma_wait3A_1061 = arith.constant 0 : i32
      %dma_wait3A_1062 = tpu.memref_slice %arg2[%dma_wait3A_1061] : memref<16777216xf32, #tpu.memory_space<hbm>> -> memref<16777216xf32, #tpu.memory_space<hbm>>
      tpu.wait_indirect_dma semaphore(%arg25 : memref<!tpu.dma_semaphore, #tpu.memory_space<semaphore_mem>>) src(%dma_wait3A_1062 : memref<16777216xf32, #tpu.memory_space<hbm>>) dst(%dma_wait3A_1058 : memref<96xf32, #tpu.memory_space<vmem>>)
      %dma_wait3A_1063 = arith.constant 0 : i32
      %dma_wait3A_1064 = tpu.memref_slice %arg20[%dma_wait3A_1063] : memref<128xi32, #tpu.memory_space<vmem>> -> memref<64xi32, #tpu.memory_space<vmem>>
      %dma_wait3A_1065 = arith.constant 32 : i32
      %dma_wait3A_1066 = tpu.memref_slice %arg18[%dma_wait3A_1065] : memref<288xi32, #tpu.memory_space<vmem>> -> memref<64xi32, #tpu.memory_space<vmem>>
      %dma_wait3A_1067 = arith.constant 0 : i32
      %dma_wait3A_1068 = tpu.memref_slice %arg3[%dma_wait3A_1067] : memref<16777216xi32, #tpu.memory_space<hbm>> -> memref<16777216xi32, #tpu.memory_space<hbm>>
      tpu.wait_indirect_dma semaphore(%arg25 : memref<!tpu.dma_semaphore, #tpu.memory_space<semaphore_mem>>) src(%dma_wait3A_1068 : memref<16777216xi32, #tpu.memory_space<hbm>>) dst(%dma_wait3A_1064 : memref<64xi32, #tpu.memory_space<vmem>>)
      %dma_wait3A_1069 = arith.constant 64 : i32
      %dma_wait3A_1070 = tpu.memref_slice %arg20[%dma_wait3A_1069] : memref<128xi32, #tpu.memory_space<vmem>> -> memref<64xi32, #tpu.memory_space<vmem>>
      %dma_wait3A_1071 = arith.constant 32 : i32
      %dma_wait3A_1072 = tpu.memref_slice %arg18[%dma_wait3A_1071] : memref<288xi32, #tpu.memory_space<vmem>> -> memref<64xi32, #tpu.memory_space<vmem>>
      %dma_wait3A_1073 = arith.constant 0 : i32
      %dma_wait3A_1074 = tpu.memref_slice %arg4[%dma_wait3A_1073] : memref<16777216xi32, #tpu.memory_space<hbm>> -> memref<16777216xi32, #tpu.memory_space<hbm>>
      tpu.wait_indirect_dma semaphore(%arg25 : memref<!tpu.dma_semaphore, #tpu.memory_space<semaphore_mem>>) src(%dma_wait3A_1074 : memref<16777216xi32, #tpu.memory_space<hbm>>) dst(%dma_wait3A_1070 : memref<64xi32, #tpu.memory_space<vmem>>)
      %dma_wait3A_1075 = arith.constant 96 : i32
      %dma_wait3A_1076 = tpu.memref_slice %arg19[%dma_wait3A_1075] : memref<288xf32, #tpu.memory_space<vmem>> -> memref<128xf32, #tpu.memory_space<vmem>>
      %dma_wait3A_1077 = arith.constant 96 : i32
      %dma_wait3A_1078 = tpu.memref_slice %arg18[%dma_wait3A_1077] : memref<288xi32, #tpu.memory_space<vmem>> -> memref<128xi32, #tpu.memory_space<vmem>>
      %dma_wait3A_1079 = arith.constant 0 : i32
      %dma_wait3A_1080 = tpu.memref_slice %arg2[%dma_wait3A_1079] : memref<16777216xf32, #tpu.memory_space<hbm>> -> memref<16777216xf32, #tpu.memory_space<hbm>>
      tpu.wait_indirect_dma semaphore(%arg25 : memref<!tpu.dma_semaphore, #tpu.memory_space<semaphore_mem>>) src(%dma_wait3A_1080 : memref<16777216xf32, #tpu.memory_space<hbm>>) dst(%dma_wait3A_1076 : memref<128xf32, #tpu.memory_space<vmem>>)
      %dma_wait3A_1081 = arith.constant 224 : i32
      %dma_wait3A_1082 = tpu.memref_slice %arg19[%dma_wait3A_1081] : memref<288xf32, #tpu.memory_space<vmem>> -> memref<64xf32, #tpu.memory_space<vmem>>
      %dma_wait3A_1083 = arith.constant 224 : i32
      %dma_wait3A_1084 = tpu.memref_slice %arg18[%dma_wait3A_1083] : memref<288xi32, #tpu.memory_space<vmem>> -> memref<64xi32, #tpu.memory_space<vmem>>
      %dma_wait3A_1085 = arith.constant 0 : i32
      %dma_wait3A_1086 = tpu.memref_slice %arg2[%dma_wait3A_1085] : memref<16777216xf32, #tpu.memory_space<hbm>> -> memref<16777216xf32, #tpu.memory_space<hbm>>
      tpu.wait_indirect_dma semaphore(%arg25 : memref<!tpu.dma_semaphore, #tpu.memory_space<semaphore_mem>>) src(%dma_wait3A_1086 : memref<16777216xf32, #tpu.memory_space<hbm>>) dst(%dma_wait3A_1082 : memref<64xf32, #tpu.memory_space<vmem>>)
      %broadcast_in_dim3A_1087 = arith.constant 0.000000e+00 : f32
      %broadcast_in_dim3A_1088 = vector.broadcast %broadcast_in_dim3A_1087 : f32 to vector<16xf32>
      %broadcast_in_dim3A_1089 = arith.constant 1.000000e+00 : f32
      %broadcast_in_dim3A_1090 = vector.broadcast %broadcast_in_dim3A_1089 : f32 to vector<16xf32>
      %get3A_1091 = arith.constant 0 : index
      %get3A_1092 = tpu.vector_load %arg19[%get3A_1091] {strides = array<i32>} : memref<288xf32, #tpu.memory_space<vmem>>, vector<16xf32>,
      %get3A_1093 = vector.shape_cast %get3A_1092 : vector<16xf32> to vector<16xf32>
      %get3A_1094 = arith.constant 32 : index
      %get3A_1095 = tpu.vector_load %arg19[%get3A_1094] {strides = array<i32>} : memref<288xf32, #tpu.memory_space<vmem>>, vector<16xf32>,
      %get3A_1096 = vector.shape_cast %get3A_1095 : vector<16xf32> to vector<16xf32>
      %get3A_1097 = arith.constant 64 : index
      %get3A_1098 = tpu.vector_load %arg19[%get3A_1097] {strides = array<i32>} : memref<288xf32, #tpu.memory_space<vmem>>, vector<16xf32>,
      %get3A_1099 = vector.shape_cast %get3A_1098 : vector<16xf32> to vector<16xf32>
      %get3A_1100 = arith.constant 0 : index
      %get3A_1101 = tpu.vector_load %arg20[%get3A_1100] {strides = array<i32>} : memref<128xi32, #tpu.memory_space<vmem>>, vector<16xi32>,
      %get3A_1102 = vector.shape_cast %get3A_1101 : vector<16xi32> to vector<16xi32>
      %get3A_1103 = arith.constant 32 : index
      %get3A_1104 = tpu.vector_load %arg20[%get3A_1103] {strides = array<i32>} : memref<128xi32, #tpu.memory_space<vmem>>, vector<16xi32>,
      %get3A_1105 = vector.shape_cast %get3A_1104 : vector<16xi32> to vector<16xi32>
      %get3A_1106 = arith.constant 64 : index
      %get3A_1107 = tpu.vector_load %arg20[%get3A_1106] {strides = array<i32>} : memref<128xi32, #tpu.memory_space<vmem>>, vector<16xi32>,
      %get3A_1108 = vector.shape_cast %get3A_1107 : vector<16xi32> to vector<16xi32>
      %get3A_1109 = arith.constant 96 : index
      %get3A_1110 = tpu.vector_load %arg20[%get3A_1109] {strides = array<i32>} : memref<128xi32, #tpu.memory_space<vmem>>, vector<16xi32>,
      %get3A_1111 = vector.shape_cast %get3A_1110 : vector<16xi32> to vector<16xi32>
      %eq3A_1112 = arith.constant 1 : i32
      %eq3A_1113 = vector.broadcast %eq3A_1112 : i32 to vector<16xi32>
      %eq3A_1114 = arith.cmpi eq, %get3A_1102, %eq3A_1113 : vector<16xi32>
      %eq3A_1115 = arith.constant 1 : i32
      %eq3A_1116 = vector.broadcast %eq3A_1115 : i32 to vector<16xi32>
      %eq3A_1117 = arith.cmpi eq, %get3A_1108, %eq3A_1116 : vector<16xi32>
      %and3A_1118 = arith.andi %eq3A_1114, %eq3A_1117 : vector<16xi1>
      %select_n3A_1119 = arith.select %and3A_1118, %broadcast_in_dim3A_1090, %broadcast_in_dim3A_1088 : vector<16xi1>, vector<16xf32>
      %eq3A_1120 = arith.constant 1 : i32
      %eq3A_1121 = vector.broadcast %eq3A_1120 : i32 to vector<16xi32>
      %eq3A_1122 = arith.cmpi eq, %get3A_1105, %eq3A_1121 : vector<16xi32>
      %eq3A_1123 = arith.constant 1 : i32
      %eq3A_1124 = vector.broadcast %eq3A_1123 : i32 to vector<16xi32>
      %eq3A_1125 = arith.cmpi eq, %get3A_1111, %eq3A_1124 : vector<16xi32>
      %and3A_1126 = arith.andi %eq3A_1122, %eq3A_1125 : vector<16xi1>
      %select_n3A_1127 = arith.select %and3A_1126, %broadcast_in_dim3A_1090, %broadcast_in_dim3A_1088 : vector<16xi1>, vector<16xf32>
      %mul3A_1128 = arith.constant 0.005859375 : f32
      %mul3A_1129 = vector.broadcast %mul3A_1128 : f32 to vector<16xf32>
      %mul3A_1130 = arith.mulf %mul3A_1129, %get3A_1093 : vector<16xf32>
      %add3A_1131 = arith.addf %broadcast_in_dim3A_1088, %mul3A_1130 : vector<16xf32>
      %mul3A_1132 = arith.constant 0.001953125 : f32
      %mul3A_1133 = vector.broadcast %mul3A_1132 : f32 to vector<16xf32>
      %mul3A_1134 = arith.mulf %mul3A_1133, %get3A_1099 : vector<16xf32>
      %sub3A_1135 = arith.subf %add3A_1131, %mul3A_1134 : vector<16xf32>
      %mul3A_1136 = arith.mulf %get3A_1096, %select_n3A_1119 : vector<16xf32>
      %mul3A_1137 = arith.mulf %get3A_1099, %select_n3A_1127 : vector<16xf32>
      %add3A_1138 = arith.addf %mul3A_1136, %mul3A_1137 : vector<16xf32>
      %mul3A_1139 = arith.constant 0.001953125 : f32
      %mul3A_1140 = vector.broadcast %mul3A_1139 : f32 to vector<16xf32>
      %mul3A_1141 = arith.mulf %mul3A_1140, %add3A_1138 : vector<16xf32>
      %sub3A_1142 = arith.subf %sub3A_1135, %mul3A_1141 : vector<16xf32>
      %sub3A_1143 = arith.subi %get3A_40, %get3A_34 : vector<16xi32>
      %abs3A_1144 = math.absi %sub3A_1143 : vector<16xi32>
      %gt3A_1145 = arith.constant 1 : i32
      %gt3A_1146 = vector.broadcast %gt3A_1145 : i32 to vector<16xi32>
      %gt3A_1147 = arith.cmpi sgt, %abs3A_1144, %gt3A_1146 : vector<16xi32>
      %select_n3A_1148 = arith.select %gt3A_1147, %broadcast_in_dim3A_1090, %broadcast_in_dim3A_1088 : vector<16xi1>, vector<16xf32>
      %sub3A_1149 = arith.subi %get3A_46, %get3A_34 : vector<16xi32>
      %abs3A_1150 = math.absi %sub3A_1149 : vector<16xi32>
      %gt3A_1151 = arith.constant 1 : i32
      %gt3A_1152 = vector.broadcast %gt3A_1151 : i32 to vector<16xi32>
      %gt3A_1153 = arith.cmpi sgt, %abs3A_1150, %gt3A_1152 : vector<16xi32>
      %select_n3A_1154 = arith.select %gt3A_1153, %broadcast_in_dim3A_1090, %broadcast_in_dim3A_1088 : vector<16xi1>, vector<16xf32>
      %mul3A_1155 = arith.constant 2.000000e+00 : f32
      %mul3A_1156 = vector.broadcast %mul3A_1155 : f32 to vector<16xf32>
      %mul3A_1157 = arith.mulf %mul3A_1156, %get3A_1096 : vector<16xf32>
      %get3A_1158 = arith.constant 96 : index
      %get3A_1159 = tpu.vector_load %arg19[%get3A_1158] {strides = array<i32>} : memref<288xf32, #tpu.memory_space<vmem>>, vector<16xf32>,
      %get3A_1160 = vector.shape_cast %get3A_1159 : vector<16xf32> to vector<16xf32>
      %add3A_1161 = arith.addf %mul3A_1157, %get3A_1160 : vector<16xf32>
      %get3A_1162 = arith.constant 128 : index
      %get3A_1163 = tpu.vector_load %arg19[%get3A_1162] {strides = array<i32>} : memref<288xf32, #tpu.memory_space<vmem>>, vector<16xf32>,
      %get3A_1164 = vector.shape_cast %get3A_1163 : vector<16xf32> to vector<16xf32>
      %add3A_1165 = arith.addf %add3A_1161, %get3A_1164 : vector<16xf32>
      %get3A_1166 = arith.constant 160 : index
      %get3A_1167 = tpu.vector_load %arg19[%get3A_1166] {strides = array<i32>} : memref<288xf32, #tpu.memory_space<vmem>>, vector<16xf32>,
      %get3A_1168 = vector.shape_cast %get3A_1167 : vector<16xf32> to vector<16xf32>
      %add3A_1169 = arith.addf %add3A_1165, %get3A_1168 : vector<16xf32>
      %mul3A_1170 = arith.constant 2.000000e+00 : f32
      %mul3A_1171 = vector.broadcast %mul3A_1170 : f32 to vector<16xf32>
      %mul3A_1172 = arith.mulf %mul3A_1171, %get3A_1099 : vector<16xf32>
      %get3A_1173 = arith.constant 192 : index
      %get3A_1174 = tpu.vector_load %arg19[%get3A_1173] {strides = array<i32>} : memref<288xf32, #tpu.memory_space<vmem>>, vector<16xf32>,
      %get3A_1175 = vector.shape_cast %get3A_1174 : vector<16xf32> to vector<16xf32>
      %add3A_1176 = arith.addf %mul3A_1172, %get3A_1175 : vector<16xf32>
      %get3A_1177 = arith.constant 224 : index
      %get3A_1178 = tpu.vector_load %arg19[%get3A_1177] {strides = array<i32>} : memref<288xf32, #tpu.memory_space<vmem>>, vector<16xf32>,
      %get3A_1179 = vector.shape_cast %get3A_1178 : vector<16xf32> to vector<16xf32>
      %add3A_1180 = arith.addf %add3A_1176, %get3A_1179 : vector<16xf32>
      %get3A_1181 = arith.constant 256 : index
      %get3A_1182 = tpu.vector_load %arg19[%get3A_1181] {strides = array<i32>} : memref<288xf32, #tpu.memory_space<vmem>>, vector<16xf32>,
      %get3A_1183 = vector.shape_cast %get3A_1182 : vector<16xf32> to vector<16xf32>
      %add3A_1184 = arith.addf %add3A_1180, %get3A_1183 : vector<16xf32>
      %mul3A_1185 = arith.mulf %select_n3A_1148, %add3A_1169 : vector<16xf32>
      %add3A_1186 = arith.addf %broadcast_in_dim3A_1088, %mul3A_1185 : vector<16xf32>
      %add3A_1187 = arith.addf %broadcast_in_dim3A_1088, %select_n3A_1148 : vector<16xf32>
      %mul3A_1188 = arith.mulf %select_n3A_1154, %add3A_1184 : vector<16xf32>
      %add3A_1189 = arith.addf %broadcast_in_dim3A_1088, %mul3A_1188 : vector<16xf32>
      %add3A_1190 = arith.addf %broadcast_in_dim3A_1088, %select_n3A_1154 : vector<16xf32>
      %get3A_1191 = arith.constant 16 : index
      %get3A_1192 = tpu.vector_load %arg19[%get3A_1191] {strides = array<i32>} : memref<288xf32, #tpu.memory_space<vmem>>, vector<16xf32>,
      %get3A_1193 = vector.shape_cast %get3A_1192 : vector<16xf32> to vector<16xf32>
      %get3A_1194 = arith.constant 48 : index
      %get3A_1195 = tpu.vector_load %arg19[%get3A_1194] {strides = array<i32>} : memref<288xf32, #tpu.memory_space<vmem>>, vector<16xf32>,
      %get3A_1196 = vector.shape_cast %get3A_1195 : vector<16xf32> to vector<16xf32>
      %get3A_1197 = arith.constant 80 : index
      %get3A_1198 = tpu.vector_load %arg19[%get3A_1197] {strides = array<i32>} : memref<288xf32, #tpu.memory_space<vmem>>, vector<16xf32>,
      %get3A_1199 = vector.shape_cast %get3A_1198 : vector<16xf32> to vector<16xf32>
      %get3A_1200 = arith.constant 16 : index
      %get3A_1201 = tpu.vector_load %arg20[%get3A_1200] {strides = array<i32>} : memref<128xi32, #tpu.memory_space<vmem>>, vector<16xi32>,
      %get3A_1202 = vector.shape_cast %get3A_1201 : vector<16xi32> to vector<16xi32>
      %get3A_1203 = arith.constant 48 : index
      %get3A_1204 = tpu.vector_load %arg20[%get3A_1203] {strides = array<i32>} : memref<128xi32, #tpu.memory_space<vmem>>, vector<16xi32>,
      %get3A_1205 = vector.shape_cast %get3A_1204 : vector<16xi32> to vector<16xi32>
      %get3A_1206 = arith.constant 80 : index
      %get3A_1207 = tpu.vector_load %arg20[%get3A_1206] {strides = array<i32>} : memref<128xi32, #tpu.memory_space<vmem>>, vector<16xi32>,
      %get3A_1208 = vector.shape_cast %get3A_1207 : vector<16xi32> to vector<16xi32>
      %get3A_1209 = arith.constant 112 : index
      %get3A_1210 = tpu.vector_load %arg20[%get3A_1209] {strides = array<i32>} : memref<128xi32, #tpu.memory_space<vmem>>, vector<16xi32>,
      %get3A_1211 = vector.shape_cast %get3A_1210 : vector<16xi32> to vector<16xi32>
      %eq3A_1212 = arith.constant 1 : i32
      %eq3A_1213 = vector.broadcast %eq3A_1212 : i32 to vector<16xi32>
      %eq3A_1214 = arith.cmpi eq, %get3A_1202, %eq3A_1213 : vector<16xi32>
      %eq3A_1215 = arith.constant 1 : i32
      %eq3A_1216 = vector.broadcast %eq3A_1215 : i32 to vector<16xi32>
      %eq3A_1217 = arith.cmpi eq, %get3A_1208, %eq3A_1216 : vector<16xi32>
      %and3A_1218 = arith.andi %eq3A_1214, %eq3A_1217 : vector<16xi1>
      %select_n3A_1219 = arith.select %and3A_1218, %broadcast_in_dim3A_1090, %broadcast_in_dim3A_1088 : vector<16xi1>, vector<16xf32>
      %eq3A_1220 = arith.constant 1 : i32
      %eq3A_1221 = vector.broadcast %eq3A_1220 : i32 to vector<16xi32>
      %eq3A_1222 = arith.cmpi eq, %get3A_1205, %eq3A_1221 : vector<16xi32>
      %eq3A_1223 = arith.constant 1 : i32
      %eq3A_1224 = vector.broadcast %eq3A_1223 : i32 to vector<16xi32>
      %eq3A_1225 = arith.cmpi eq, %get3A_1211, %eq3A_1224 : vector<16xi32>
      %and3A_1226 = arith.andi %eq3A_1222, %eq3A_1225 : vector<16xi1>
      %select_n3A_1227 = arith.select %and3A_1226, %broadcast_in_dim3A_1090, %broadcast_in_dim3A_1088 : vector<16xi1>, vector<16xf32>
      %mul3A_1228 = arith.constant 0.005859375 : f32
      %mul3A_1229 = vector.broadcast %mul3A_1228 : f32 to vector<16xf32>
      %mul3A_1230 = arith.mulf %mul3A_1229, %get3A_1193 : vector<16xf32>
      %add3A_1231 = arith.addf %sub3A_1142, %mul3A_1230 : vector<16xf32>
      %mul3A_1232 = arith.constant 0.001953125 : f32
      %mul3A_1233 = vector.broadcast %mul3A_1232 : f32 to vector<16xf32>
      %mul3A_1234 = arith.mulf %mul3A_1233, %get3A_1199 : vector<16xf32>
      %sub3A_1235 = arith.subf %add3A_1231, %mul3A_1234 : vector<16xf32>
      %mul3A_1236 = arith.mulf %get3A_1196, %select_n3A_1219 : vector<16xf32>
      %mul3A_1237 = arith.mulf %get3A_1199, %select_n3A_1227 : vector<16xf32>
      %add3A_1238 = arith.addf %mul3A_1236, %mul3A_1237 : vector<16xf32>
      %mul3A_1239 = arith.constant 0.001953125 : f32
      %mul3A_1240 = vector.broadcast %mul3A_1239 : f32 to vector<16xf32>
      %mul3A_1241 = arith.mulf %mul3A_1240, %add3A_1238 : vector<16xf32>
      %sub3A_1242 = arith.subf %sub3A_1235, %mul3A_1241 : vector<16xf32>
      %sub3A_1243 = arith.subi %get3A_172, %get3A_166 : vector<16xi32>
      %abs3A_1244 = math.absi %sub3A_1243 : vector<16xi32>
      %gt3A_1245 = arith.constant 1 : i32
      %gt3A_1246 = vector.broadcast %gt3A_1245 : i32 to vector<16xi32>
      %gt3A_1247 = arith.cmpi sgt, %abs3A_1244, %gt3A_1246 : vector<16xi32>
      %select_n3A_1248 = arith.select %gt3A_1247, %broadcast_in_dim3A_1090, %broadcast_in_dim3A_1088 : vector<16xi1>, vector<16xf32>
      %sub3A_1249 = arith.subi %get3A_178, %get3A_166 : vector<16xi32>
      %abs3A_1250 = math.absi %sub3A_1249 : vector<16xi32>
      %gt3A_1251 = arith.constant 1 : i32
      %gt3A_1252 = vector.broadcast %gt3A_1251 : i32 to vector<16xi32>
      %gt3A_1253 = arith.cmpi sgt, %abs3A_1250, %gt3A_1252 : vector<16xi32>
      %select_n3A_1254 = arith.select %gt3A_1253, %broadcast_in_dim3A_1090, %broadcast_in_dim3A_1088 : vector<16xi1>, vector<16xf32>
      %mul3A_1255 = arith.constant 2.000000e+00 : f32
      %mul3A_1256 = vector.broadcast %mul3A_1255 : f32 to vector<16xf32>
      %mul3A_1257 = arith.mulf %mul3A_1256, %get3A_1196 : vector<16xf32>
      %get3A_1258 = arith.constant 112 : index
      %get3A_1259 = tpu.vector_load %arg19[%get3A_1258] {strides = array<i32>} : memref<288xf32, #tpu.memory_space<vmem>>, vector<16xf32>,
      %get3A_1260 = vector.shape_cast %get3A_1259 : vector<16xf32> to vector<16xf32>
      %add3A_1261 = arith.addf %mul3A_1257, %get3A_1260 : vector<16xf32>
      %get3A_1262 = arith.constant 144 : index
      %get3A_1263 = tpu.vector_load %arg19[%get3A_1262] {strides = array<i32>} : memref<288xf32, #tpu.memory_space<vmem>>, vector<16xf32>,
      %get3A_1264 = vector.shape_cast %get3A_1263 : vector<16xf32> to vector<16xf32>
      %add3A_1265 = arith.addf %add3A_1261, %get3A_1264 : vector<16xf32>
      %get3A_1266 = arith.constant 176 : index
      %get3A_1267 = tpu.vector_load %arg19[%get3A_1266] {strides = array<i32>} : memref<288xf32, #tpu.memory_space<vmem>>, vector<16xf32>,
      %get3A_1268 = vector.shape_cast %get3A_1267 : vector<16xf32> to vector<16xf32>
      %add3A_1269 = arith.addf %add3A_1265, %get3A_1268 : vector<16xf32>
      %mul3A_1270 = arith.constant 2.000000e+00 : f32
      %mul3A_1271 = vector.broadcast %mul3A_1270 : f32 to vector<16xf32>
      %mul3A_1272 = arith.mulf %mul3A_1271, %get3A_1199 : vector<16xf32>
      %get3A_1273 = arith.constant 208 : index
      %get3A_1274 = tpu.vector_load %arg19[%get3A_1273] {strides = array<i32>} : memref<288xf32, #tpu.memory_space<vmem>>, vector<16xf32>,
      %get3A_1275 = vector.shape_cast %get3A_1274 : vector<16xf32> to vector<16xf32>
      %add3A_1276 = arith.addf %mul3A_1272, %get3A_1275 : vector<16xf32>
      %get3A_1277 = arith.constant 240 : index
      %get3A_1278 = tpu.vector_load %arg19[%get3A_1277] {strides = array<i32>} : memref<288xf32, #tpu.memory_space<vmem>>, vector<16xf32>,
      %get3A_1279 = vector.shape_cast %get3A_1278 : vector<16xf32> to vector<16xf32>
      %add3A_1280 = arith.addf %add3A_1276, %get3A_1279 : vector<16xf32>
      %get3A_1281 = arith.constant 272 : index
      %get3A_1282 = tpu.vector_load %arg19[%get3A_1281] {strides = array<i32>} : memref<288xf32, #tpu.memory_space<vmem>>, vector<16xf32>,
      %get3A_1283 = vector.shape_cast %get3A_1282 : vector<16xf32> to vector<16xf32>
      %add3A_1284 = arith.addf %add3A_1280, %get3A_1283 : vector<16xf32>
      %mul3A_1285 = arith.mulf %select_n3A_1248, %add3A_1269 : vector<16xf32>
      %add3A_1286 = arith.addf %add3A_1186, %mul3A_1285 : vector<16xf32>
      %add3A_1287 = arith.addf %add3A_1187, %select_n3A_1248 : vector<16xf32>
      %mul3A_1288 = arith.mulf %select_n3A_1254, %add3A_1284 : vector<16xf32>
      %add3A_1289 = arith.addf %add3A_1189, %mul3A_1288 : vector<16xf32>
      %add3A_1290 = arith.addf %add3A_1190, %select_n3A_1254 : vector<16xf32>
      %convert_element_type3A_1291 = arith.sitofp %add3A_289 : vector<16xi32> to vector<16xf32>
      %mul3A_1292 = arith.constant 3.000000e-02 : f32
      %mul3A_1293 = vector.broadcast %mul3A_1292 : f32 to vector<16xf32>
      %mul3A_1294 = arith.mulf %mul3A_1293, %convert_element_type3A_1291 : vector<16xf32>
      %add3A_1295 = arith.addf %sub3A_1242, %mul3A_1294 : vector<16xf32>
      %convert_element_type3A_1296 = arith.sitofp %add3A_295 : vector<16xi32> to vector<16xf32>
      %mul3A_1297 = arith.constant 0.00999999977 : f32
      %mul3A_1298 = vector.broadcast %mul3A_1297 : f32 to vector<16xf32>
      %mul3A_1299 = arith.mulf %mul3A_1298, %convert_element_type3A_1296 : vector<16xf32>
      %sub3A_1300 = arith.subf %add3A_1295, %mul3A_1299 : vector<16xf32>
      %convert_element_type3A_1301 = arith.sitofp %add3A_301 : vector<16xi32> to vector<16xf32>
      %mul3A_1302 = arith.constant 2.000000e-02 : f32
      %mul3A_1303 = vector.broadcast %mul3A_1302 : f32 to vector<16xf32>
      %mul3A_1304 = arith.mulf %mul3A_1303, %convert_element_type3A_1301 : vector<16xf32>
      %sub3A_1305 = arith.subf %sub3A_1300, %mul3A_1304 : vector<16xf32>
      %swap3A_1306 = arith.constant 0 : i32
      %swap3A_1307 = arith.index_cast %swap3A_1306 : i32 to index
      %swap3A_1308 = arith.constant 0 : index
      %swap3A_1309 = tpu.vector_load %arg21[%swap3A_1307, %swap3A_1308] {strides = array<i32>} : memref<5x16xf32, #tpu.memory_space<vmem>>, vector<1x16xf32>,
      %swap3A_1310 = vector.shape_cast %swap3A_1309 : vector<1x16xf32> to vector<16xf32>
      %swap3A_1311 = vector.shape_cast %sub3A_1305 : vector<16xf32> to vector<1x16xf32>
      tpu.vector_store %arg21[%swap3A_1307, %swap3A_1308], %swap3A_1311 {strides = array<i32>} : memref<5x16xf32, #tpu.memory_space<vmem>>, vector<1x16xf32>,
      %swap3A_1312 = arith.constant 1 : i32
      %swap3A_1313 = arith.index_cast %swap3A_1312 : i32 to index
      %swap3A_1314 = arith.constant 0 : index
      %swap3A_1315 = tpu.vector_load %arg21[%swap3A_1313, %swap3A_1314] {strides = array<i32>} : memref<5x16xf32, #tpu.memory_space<vmem>>, vector<1x16xf32>,
      %swap3A_1316 = vector.shape_cast %swap3A_1315 : vector<1x16xf32> to vector<16xf32>
      %swap3A_1317 = vector.shape_cast %add3A_1286 : vector<16xf32> to vector<1x16xf32>
      tpu.vector_store %arg21[%swap3A_1313, %swap3A_1314], %swap3A_1317 {strides = array<i32>} : memref<5x16xf32, #tpu.memory_space<vmem>>, vector<1x16xf32>,
      %swap3A_1318 = arith.constant 2 : i32
      %swap3A_1319 = arith.index_cast %swap3A_1318 : i32 to index
      %swap3A_1320 = arith.constant 0 : index
      %swap3A_1321 = tpu.vector_load %arg21[%swap3A_1319, %swap3A_1320] {strides = array<i32>} : memref<5x16xf32, #tpu.memory_space<vmem>>, vector<1x16xf32>,
      %swap3A_1322 = vector.shape_cast %swap3A_1321 : vector<1x16xf32> to vector<16xf32>
      %swap3A_1323 = vector.shape_cast %add3A_1287 : vector<16xf32> to vector<1x16xf32>
      tpu.vector_store %arg21[%swap3A_1319, %swap3A_1320], %swap3A_1323 {strides = array<i32>} : memref<5x16xf32, #tpu.memory_space<vmem>>, vector<1x16xf32>,
      %swap3A_1324 = arith.constant 3 : i32
      %swap3A_1325 = arith.index_cast %swap3A_1324 : i32 to index
      %swap3A_1326 = arith.constant 0 : index
      %swap3A_1327 = tpu.vector_load %arg21[%swap3A_1325, %swap3A_1326] {strides = array<i32>} : memref<5x16xf32, #tpu.memory_space<vmem>>, vector<1x16xf32>,
      %swap3A_1328 = vector.shape_cast %swap3A_1327 : vector<1x16xf32> to vector<16xf32>
      %swap3A_1329 = vector.shape_cast %add3A_1289 : vector<16xf32> to vector<1x16xf32>
      tpu.vector_store %arg21[%swap3A_1325, %swap3A_1326], %swap3A_1329 {strides = array<i32>} : memref<5x16xf32, #tpu.memory_space<vmem>>, vector<1x16xf32>,
      %swap3A_1330 = arith.constant 4 : i32
      %swap3A_1331 = arith.index_cast %swap3A_1330 : i32 to index
      %swap3A_1332 = arith.constant 0 : index
      %swap3A_1333 = tpu.vector_load %arg21[%swap3A_1331, %swap3A_1332] {strides = array<i32>} : memref<5x16xf32, #tpu.memory_space<vmem>>, vector<1x16xf32>,
      %swap3A_1334 = vector.shape_cast %swap3A_1333 : vector<1x16xf32> to vector<16xf32>
      %swap3A_1335 = vector.shape_cast %add3A_1290 : vector<16xf32> to vector<1x16xf32>
      tpu.vector_store %arg21[%swap3A_1331, %swap3A_1332], %swap3A_1335 {strides = array<i32>} : memref<5x16xf32, #tpu.memory_space<vmem>>, vector<1x16xf32>,
      %mul3A_1336 = arith.constant 5 : i32
      %mul3A_1337 = arith.muli %arg1, %mul3A_1336 : i32
      "tpu.region"() ({
        %run_scoped3A = tpu.sem_alloc : memref<!tpu.dma_semaphore, #tpu.memory_space<semaphore_mem>>
        %dma_start3A_1338 = arith.constant 0 : i32
        %dma_start3A_1339 = tpu.memref_slice %arg23[%mul3A_1337, %dma_start3A_1338] : memref<80x16xf32, #tpu.memory_space<vmem_shared>> -> memref<5x16xf32, #tpu.memory_space<vmem_shared>>
        %dma_start3A_1340 = arith.constant 0 : i32
        %dma_start3A_1341 = tpu.memref_slice %arg23[%mul3A_1337, %dma_start3A_1340] : memref<80x16xf32, #tpu.memory_space<vmem_shared>> -> memref<5x16xf32, #tpu.memory_space<vmem_shared>>
        tpu.enqueue_dma source(%arg21 : memref<5x16xf32, #tpu.memory_space<vmem>>) target(%dma_start3A_1341 : memref<5x16xf32, #tpu.memory_space<vmem_shared>>) target_semaphore(%run_scoped3A : memref<!tpu.dma_semaphore, #tpu.memory_space<semaphore_mem>>)
        %dma_wait3A_1342 = arith.constant 0 : i32
        %dma_wait3A_1343 = tpu.memref_slice %arg23[%mul3A_1337, %dma_wait3A_1342] : memref<80x16xf32, #tpu.memory_space<vmem_shared>> -> memref<5x16xf32, #tpu.memory_space<vmem_shared>>
        %dma_wait3A_1344 = arith.constant 0 : i32
        %dma_wait3A_1345 = tpu.memref_slice %arg23[%mul3A_1337, %dma_wait3A_1344] : memref<80x16xf32, #tpu.memory_space<vmem_shared>> -> memref<5x16xf32, #tpu.memory_space<vmem_shared>>
        tpu.wait_dma2 semaphore(%run_scoped3A : memref<!tpu.dma_semaphore, #tpu.memory_space<semaphore_mem>>) src(%arg21 : memref<5x16xf32, #tpu.memory_space<vmem>>) dst(%dma_wait3A_1345 : memref<5x16xf32, #tpu.memory_space<vmem_shared>>)
        tpu.yield
      }) : () -> ()
    } else {
    }
    %barrier3A = arith.constant 0 : index
    tpu.barrier barrier_id(%barrier3A)
    %eq3A_2 = arith.constant 0 : i32
    %eq3A_3 = arith.cmpi eq, %arg0, %eq3A_2 : i32
    %eq3A_4 = arith.constant 0 : i32
    %eq3A_5 = arith.cmpi eq, %arg1, %eq3A_4 : i32
    %and3A = arith.andi %eq3A_3, %eq3A_5 : i1
    %convert_element_type3A_6 = arith.extui %and3A : i1 to i32
    %cond3A_7 = arith.constant 0 : i32
    %cond3A_8 = arith.cmpi ne, %convert_element_type3A_6, %cond3A_7 : i32
    scf.if %cond3A_8 {
      "tpu.region"() ({
        %run_scoped3A = tpu.sem_alloc : memref<!tpu.dma_semaphore, #tpu.memory_space<semaphore_mem>>
        tpu.enqueue_dma source(%arg23 : memref<80x16xf32, #tpu.memory_space<vmem_shared>>) target(%arg22 : memref<80x16xf32, #tpu.memory_space<vmem>>) target_semaphore(%run_scoped3A : memref<!tpu.dma_semaphore, #tpu.memory_space<semaphore_mem>>)
        tpu.wait_dma2 semaphore(%run_scoped3A : memref<!tpu.dma_semaphore, #tpu.memory_space<semaphore_mem>>) src(%arg23 : memref<80x16xf32, #tpu.memory_space<vmem_shared>>) dst(%arg22 : memref<80x16xf32, #tpu.memory_space<vmem>>)
        tpu.yield
      }) : () -> ()
      %get3A = arith.constant 0 : i32
      %get3A_9 = arith.index_cast %get3A : i32 to index
      %get3A_10 = arith.constant 0 : index
      %get3A_11 = tpu.vector_load %arg22[%get3A_9, %get3A_10] {strides = array<i32>} : memref<80x16xf32, #tpu.memory_space<vmem>>, vector<1x16xf32>,
      %get3A_12 = vector.shape_cast %get3A_11 : vector<1x16xf32> to vector<16xf32>
      %get3A_13 = arith.constant 5 : i32
      %get3A_14 = arith.index_cast %get3A_13 : i32 to index
      %get3A_15 = arith.constant 0 : index
      %get3A_16 = tpu.vector_load %arg22[%get3A_14, %get3A_15] {strides = array<i32>} : memref<80x16xf32, #tpu.memory_space<vmem>>, vector<1x16xf32>,
      %get3A_17 = vector.shape_cast %get3A_16 : vector<1x16xf32> to vector<16xf32>
      %add3A = arith.addf %get3A_12, %get3A_17 : vector<16xf32>
      %get3A_18 = arith.constant 10 : i32
      %get3A_19 = arith.index_cast %get3A_18 : i32 to index
      %get3A_20 = arith.constant 0 : index
      %get3A_21 = tpu.vector_load %arg22[%get3A_19, %get3A_20] {strides = array<i32>} : memref<80x16xf32, #tpu.memory_space<vmem>>, vector<1x16xf32>,
      %get3A_22 = vector.shape_cast %get3A_21 : vector<1x16xf32> to vector<16xf32>
      %add3A_23 = arith.addf %add3A, %get3A_22 : vector<16xf32>
      %get3A_24 = arith.constant 15 : i32
      %get3A_25 = arith.index_cast %get3A_24 : i32 to index
      %get3A_26 = arith.constant 0 : index
      %get3A_27 = tpu.vector_load %arg22[%get3A_25, %get3A_26] {strides = array<i32>} : memref<80x16xf32, #tpu.memory_space<vmem>>, vector<1x16xf32>,
      %get3A_28 = vector.shape_cast %get3A_27 : vector<1x16xf32> to vector<16xf32>
      %add3A_29 = arith.addf %add3A_23, %get3A_28 : vector<16xf32>
      %get3A_30 = arith.constant 20 : i32
      %get3A_31 = arith.index_cast %get3A_30 : i32 to index
      %get3A_32 = arith.constant 0 : index
      %get3A_33 = tpu.vector_load %arg22[%get3A_31, %get3A_32] {strides = array<i32>} : memref<80x16xf32, #tpu.memory_space<vmem>>, vector<1x16xf32>,
      %get3A_34 = vector.shape_cast %get3A_33 : vector<1x16xf32> to vector<16xf32>
      %add3A_35 = arith.addf %add3A_29, %get3A_34 : vector<16xf32>
      %get3A_36 = arith.constant 25 : i32
      %get3A_37 = arith.index_cast %get3A_36 : i32 to index
      %get3A_38 = arith.constant 0 : index
      %get3A_39 = tpu.vector_load %arg22[%get3A_37, %get3A_38] {strides = array<i32>} : memref<80x16xf32, #tpu.memory_space<vmem>>, vector<1x16xf32>,
      %get3A_40 = vector.shape_cast %get3A_39 : vector<1x16xf32> to vector<16xf32>
      %add3A_41 = arith.addf %add3A_35, %get3A_40 : vector<16xf32>
      %get3A_42 = arith.constant 30 : i32
      %get3A_43 = arith.index_cast %get3A_42 : i32 to index
      %get3A_44 = arith.constant 0 : index
      %get3A_45 = tpu.vector_load %arg22[%get3A_43, %get3A_44] {strides = array<i32>} : memref<80x16xf32, #tpu.memory_space<vmem>>, vector<1x16xf32>,
      %get3A_46 = vector.shape_cast %get3A_45 : vector<1x16xf32> to vector<16xf32>
      %add3A_47 = arith.addf %add3A_41, %get3A_46 : vector<16xf32>
      %get3A_48 = arith.constant 35 : i32
      %get3A_49 = arith.index_cast %get3A_48 : i32 to index
      %get3A_50 = arith.constant 0 : index
      %get3A_51 = tpu.vector_load %arg22[%get3A_49, %get3A_50] {strides = array<i32>} : memref<80x16xf32, #tpu.memory_space<vmem>>, vector<1x16xf32>,
      %get3A_52 = vector.shape_cast %get3A_51 : vector<1x16xf32> to vector<16xf32>
      %add3A_53 = arith.addf %add3A_47, %get3A_52 : vector<16xf32>
      %get3A_54 = arith.constant 40 : i32
      %get3A_55 = arith.index_cast %get3A_54 : i32 to index
      %get3A_56 = arith.constant 0 : index
      %get3A_57 = tpu.vector_load %arg22[%get3A_55, %get3A_56] {strides = array<i32>} : memref<80x16xf32, #tpu.memory_space<vmem>>, vector<1x16xf32>,
      %get3A_58 = vector.shape_cast %get3A_57 : vector<1x16xf32> to vector<16xf32>
      %add3A_59 = arith.addf %add3A_53, %get3A_58 : vector<16xf32>
      %get3A_60 = arith.constant 45 : i32
      %get3A_61 = arith.index_cast %get3A_60 : i32 to index
      %get3A_62 = arith.constant 0 : index
      %get3A_63 = tpu.vector_load %arg22[%get3A_61, %get3A_62] {strides = array<i32>} : memref<80x16xf32, #tpu.memory_space<vmem>>, vector<1x16xf32>,
      %get3A_64 = vector.shape_cast %get3A_63 : vector<1x16xf32> to vector<16xf32>
      %add3A_65 = arith.addf %add3A_59, %get3A_64 : vector<16xf32>
      %get3A_66 = arith.constant 50 : i32
      %get3A_67 = arith.index_cast %get3A_66 : i32 to index
      %get3A_68 = arith.constant 0 : index
      %get3A_69 = tpu.vector_load %arg22[%get3A_67, %get3A_68] {strides = array<i32>} : memref<80x16xf32, #tpu.memory_space<vmem>>, vector<1x16xf32>,
      %get3A_70 = vector.shape_cast %get3A_69 : vector<1x16xf32> to vector<16xf32>
      %add3A_71 = arith.addf %add3A_65, %get3A_70 : vector<16xf32>
      %get3A_72 = arith.constant 55 : i32
      %get3A_73 = arith.index_cast %get3A_72 : i32 to index
      %get3A_74 = arith.constant 0 : index
      %get3A_75 = tpu.vector_load %arg22[%get3A_73, %get3A_74] {strides = array<i32>} : memref<80x16xf32, #tpu.memory_space<vmem>>, vector<1x16xf32>,
      %get3A_76 = vector.shape_cast %get3A_75 : vector<1x16xf32> to vector<16xf32>
      %add3A_77 = arith.addf %add3A_71, %get3A_76 : vector<16xf32>
      %get3A_78 = arith.constant 60 : i32
      %get3A_79 = arith.index_cast %get3A_78 : i32 to index
      %get3A_80 = arith.constant 0 : index
      %get3A_81 = tpu.vector_load %arg22[%get3A_79, %get3A_80] {strides = array<i32>} : memref<80x16xf32, #tpu.memory_space<vmem>>, vector<1x16xf32>,
      %get3A_82 = vector.shape_cast %get3A_81 : vector<1x16xf32> to vector<16xf32>
      %add3A_83 = arith.addf %add3A_77, %get3A_82 : vector<16xf32>
      %get3A_84 = arith.constant 65 : i32
      %get3A_85 = arith.index_cast %get3A_84 : i32 to index
      %get3A_86 = arith.constant 0 : index
      %get3A_87 = tpu.vector_load %arg22[%get3A_85, %get3A_86] {strides = array<i32>} : memref<80x16xf32, #tpu.memory_space<vmem>>, vector<1x16xf32>,
      %get3A_88 = vector.shape_cast %get3A_87 : vector<1x16xf32> to vector<16xf32>
      %add3A_89 = arith.addf %add3A_83, %get3A_88 : vector<16xf32>
      %get3A_90 = arith.constant 70 : i32
      %get3A_91 = arith.index_cast %get3A_90 : i32 to index
      %get3A_92 = arith.constant 0 : index
      %get3A_93 = tpu.vector_load %arg22[%get3A_91, %get3A_92] {strides = array<i32>} : memref<80x16xf32, #tpu.memory_space<vmem>>, vector<1x16xf32>,
      %get3A_94 = vector.shape_cast %get3A_93 : vector<1x16xf32> to vector<16xf32>
      %add3A_95 = arith.addf %add3A_89, %get3A_94 : vector<16xf32>
      %get3A_96 = arith.constant 75 : i32
      %get3A_97 = arith.index_cast %get3A_96 : i32 to index
      %get3A_98 = arith.constant 0 : index
      %get3A_99 = tpu.vector_load %arg22[%get3A_97, %get3A_98] {strides = array<i32>} : memref<80x16xf32, #tpu.memory_space<vmem>>, vector<1x16xf32>,
      %get3A_100 = vector.shape_cast %get3A_99 : vector<1x16xf32> to vector<16xf32>
      %add3A_101 = arith.addf %add3A_95, %get3A_100 : vector<16xf32>
      %slice3A = vector.extract_strided_slice %add3A_101 {offsets = [0], sizes = [1], strides = [1]} : vector<16xf32> to vector<1xf32>
      %squeeze3A = vector.extract %slice3A[0] : f32 from vector<1xf32>
      %slice3A_102 = vector.extract_strided_slice %add3A_101 {offsets = [1], sizes = [1], strides = [1]} : vector<16xf32> to vector<1xf32>
      %squeeze3A_103 = vector.extract %slice3A_102[0] : f32 from vector<1xf32>
      %add3A_104 = arith.addf %squeeze3A, %squeeze3A_103 : f32
      %slice3A_105 = vector.extract_strided_slice %add3A_101 {offsets = [2], sizes = [1], strides = [1]} : vector<16xf32> to vector<1xf32>
      %squeeze3A_106 = vector.extract %slice3A_105[0] : f32 from vector<1xf32>
      %add3A_107 = arith.addf %add3A_104, %squeeze3A_106 : f32
      %slice3A_108 = vector.extract_strided_slice %add3A_101 {offsets = [3], sizes = [1], strides = [1]} : vector<16xf32> to vector<1xf32>
      %squeeze3A_109 = vector.extract %slice3A_108[0] : f32 from vector<1xf32>
      %add3A_110 = arith.addf %add3A_107, %squeeze3A_109 : f32
      %slice3A_111 = vector.extract_strided_slice %add3A_101 {offsets = [4], sizes = [1], strides = [1]} : vector<16xf32> to vector<1xf32>
      %squeeze3A_112 = vector.extract %slice3A_111[0] : f32 from vector<1xf32>
      %add3A_113 = arith.addf %add3A_110, %squeeze3A_112 : f32
      %slice3A_114 = vector.extract_strided_slice %add3A_101 {offsets = [5], sizes = [1], strides = [1]} : vector<16xf32> to vector<1xf32>
      %squeeze3A_115 = vector.extract %slice3A_114[0] : f32 from vector<1xf32>
      %add3A_116 = arith.addf %add3A_113, %squeeze3A_115 : f32
      %slice3A_117 = vector.extract_strided_slice %add3A_101 {offsets = [6], sizes = [1], strides = [1]} : vector<16xf32> to vector<1xf32>
      %squeeze3A_118 = vector.extract %slice3A_117[0] : f32 from vector<1xf32>
      %add3A_119 = arith.addf %add3A_116, %squeeze3A_118 : f32
      %slice3A_120 = vector.extract_strided_slice %add3A_101 {offsets = [7], sizes = [1], strides = [1]} : vector<16xf32> to vector<1xf32>
      %squeeze3A_121 = vector.extract %slice3A_120[0] : f32 from vector<1xf32>
      %add3A_122 = arith.addf %add3A_119, %squeeze3A_121 : f32
      %slice3A_123 = vector.extract_strided_slice %add3A_101 {offsets = [8], sizes = [1], strides = [1]} : vector<16xf32> to vector<1xf32>
      %squeeze3A_124 = vector.extract %slice3A_123[0] : f32 from vector<1xf32>
      %add3A_125 = arith.addf %add3A_122, %squeeze3A_124 : f32
      %slice3A_126 = vector.extract_strided_slice %add3A_101 {offsets = [9], sizes = [1], strides = [1]} : vector<16xf32> to vector<1xf32>
      %squeeze3A_127 = vector.extract %slice3A_126[0] : f32 from vector<1xf32>
      %add3A_128 = arith.addf %add3A_125, %squeeze3A_127 : f32
      %slice3A_129 = vector.extract_strided_slice %add3A_101 {offsets = [10], sizes = [1], strides = [1]} : vector<16xf32> to vector<1xf32>
      %squeeze3A_130 = vector.extract %slice3A_129[0] : f32 from vector<1xf32>
      %add3A_131 = arith.addf %add3A_128, %squeeze3A_130 : f32
      %slice3A_132 = vector.extract_strided_slice %add3A_101 {offsets = [11], sizes = [1], strides = [1]} : vector<16xf32> to vector<1xf32>
      %squeeze3A_133 = vector.extract %slice3A_132[0] : f32 from vector<1xf32>
      %add3A_134 = arith.addf %add3A_131, %squeeze3A_133 : f32
      %slice3A_135 = vector.extract_strided_slice %add3A_101 {offsets = [12], sizes = [1], strides = [1]} : vector<16xf32> to vector<1xf32>
      %squeeze3A_136 = vector.extract %slice3A_135[0] : f32 from vector<1xf32>
      %add3A_137 = arith.addf %add3A_134, %squeeze3A_136 : f32
      %slice3A_138 = vector.extract_strided_slice %add3A_101 {offsets = [13], sizes = [1], strides = [1]} : vector<16xf32> to vector<1xf32>
      %squeeze3A_139 = vector.extract %slice3A_138[0] : f32 from vector<1xf32>
      %add3A_140 = arith.addf %add3A_137, %squeeze3A_139 : f32
      %slice3A_141 = vector.extract_strided_slice %add3A_101 {offsets = [14], sizes = [1], strides = [1]} : vector<16xf32> to vector<1xf32>
      %squeeze3A_142 = vector.extract %slice3A_141[0] : f32 from vector<1xf32>
      %add3A_143 = arith.addf %add3A_140, %squeeze3A_142 : f32
      %slice3A_144 = vector.extract_strided_slice %add3A_101 {offsets = [15], sizes = [1], strides = [1]} : vector<16xf32> to vector<1xf32>
      %squeeze3A_145 = vector.extract %slice3A_144[0] : f32 from vector<1xf32>
      %add3A_146 = arith.addf %add3A_143, %squeeze3A_145 : f32
      %get3A_147 = arith.constant 1 : i32
      %get3A_148 = arith.index_cast %get3A_147 : i32 to index
      %get3A_149 = arith.constant 0 : index
      %get3A_150 = tpu.vector_load %arg22[%get3A_148, %get3A_149] {strides = array<i32>} : memref<80x16xf32, #tpu.memory_space<vmem>>, vector<1x16xf32>,
      %get3A_151 = vector.shape_cast %get3A_150 : vector<1x16xf32> to vector<16xf32>
      %get3A_152 = arith.constant 6 : i32
      %get3A_153 = arith.index_cast %get3A_152 : i32 to index
      %get3A_154 = arith.constant 0 : index
      %get3A_155 = tpu.vector_load %arg22[%get3A_153, %get3A_154] {strides = array<i32>} : memref<80x16xf32, #tpu.memory_space<vmem>>, vector<1x16xf32>,
      %get3A_156 = vector.shape_cast %get3A_155 : vector<1x16xf32> to vector<16xf32>
      %add3A_157 = arith.addf %get3A_151, %get3A_156 : vector<16xf32>
      %get3A_158 = arith.constant 11 : i32
      %get3A_159 = arith.index_cast %get3A_158 : i32 to index
      %get3A_160 = arith.constant 0 : index
      %get3A_161 = tpu.vector_load %arg22[%get3A_159, %get3A_160] {strides = array<i32>} : memref<80x16xf32, #tpu.memory_space<vmem>>, vector<1x16xf32>,
      %get3A_162 = vector.shape_cast %get3A_161 : vector<1x16xf32> to vector<16xf32>
      %add3A_163 = arith.addf %add3A_157, %get3A_162 : vector<16xf32>
      %get3A_164 = arith.constant 16 : i32
      %get3A_165 = arith.index_cast %get3A_164 : i32 to index
      %get3A_166 = arith.constant 0 : index
      %get3A_167 = tpu.vector_load %arg22[%get3A_165, %get3A_166] {strides = array<i32>} : memref<80x16xf32, #tpu.memory_space<vmem>>, vector<1x16xf32>,
      %get3A_168 = vector.shape_cast %get3A_167 : vector<1x16xf32> to vector<16xf32>
      %add3A_169 = arith.addf %add3A_163, %get3A_168 : vector<16xf32>
      %get3A_170 = arith.constant 21 : i32
      %get3A_171 = arith.index_cast %get3A_170 : i32 to index
      %get3A_172 = arith.constant 0 : index
      %get3A_173 = tpu.vector_load %arg22[%get3A_171, %get3A_172] {strides = array<i32>} : memref<80x16xf32, #tpu.memory_space<vmem>>, vector<1x16xf32>,
      %get3A_174 = vector.shape_cast %get3A_173 : vector<1x16xf32> to vector<16xf32>
      %add3A_175 = arith.addf %add3A_169, %get3A_174 : vector<16xf32>
      %get3A_176 = arith.constant 26 : i32
      %get3A_177 = arith.index_cast %get3A_176 : i32 to index
      %get3A_178 = arith.constant 0 : index
      %get3A_179 = tpu.vector_load %arg22[%get3A_177, %get3A_178] {strides = array<i32>} : memref<80x16xf32, #tpu.memory_space<vmem>>, vector<1x16xf32>,
      %get3A_180 = vector.shape_cast %get3A_179 : vector<1x16xf32> to vector<16xf32>
      %add3A_181 = arith.addf %add3A_175, %get3A_180 : vector<16xf32>
      %get3A_182 = arith.constant 31 : i32
      %get3A_183 = arith.index_cast %get3A_182 : i32 to index
      %get3A_184 = arith.constant 0 : index
      %get3A_185 = tpu.vector_load %arg22[%get3A_183, %get3A_184] {strides = array<i32>} : memref<80x16xf32, #tpu.memory_space<vmem>>, vector<1x16xf32>,
      %get3A_186 = vector.shape_cast %get3A_185 : vector<1x16xf32> to vector<16xf32>
      %add3A_187 = arith.addf %add3A_181, %get3A_186 : vector<16xf32>
      %get3A_188 = arith.constant 36 : i32
      %get3A_189 = arith.index_cast %get3A_188 : i32 to index
      %get3A_190 = arith.constant 0 : index
      %get3A_191 = tpu.vector_load %arg22[%get3A_189, %get3A_190] {strides = array<i32>} : memref<80x16xf32, #tpu.memory_space<vmem>>, vector<1x16xf32>,
      %get3A_192 = vector.shape_cast %get3A_191 : vector<1x16xf32> to vector<16xf32>
      %add3A_193 = arith.addf %add3A_187, %get3A_192 : vector<16xf32>
      %get3A_194 = arith.constant 41 : i32
      %get3A_195 = arith.index_cast %get3A_194 : i32 to index
      %get3A_196 = arith.constant 0 : index
      %get3A_197 = tpu.vector_load %arg22[%get3A_195, %get3A_196] {strides = array<i32>} : memref<80x16xf32, #tpu.memory_space<vmem>>, vector<1x16xf32>,
      %get3A_198 = vector.shape_cast %get3A_197 : vector<1x16xf32> to vector<16xf32>
      %add3A_199 = arith.addf %add3A_193, %get3A_198 : vector<16xf32>
      %get3A_200 = arith.constant 46 : i32
      %get3A_201 = arith.index_cast %get3A_200 : i32 to index
      %get3A_202 = arith.constant 0 : index
      %get3A_203 = tpu.vector_load %arg22[%get3A_201, %get3A_202] {strides = array<i32>} : memref<80x16xf32, #tpu.memory_space<vmem>>, vector<1x16xf32>,
      %get3A_204 = vector.shape_cast %get3A_203 : vector<1x16xf32> to vector<16xf32>
      %add3A_205 = arith.addf %add3A_199, %get3A_204 : vector<16xf32>
      %get3A_206 = arith.constant 51 : i32
      %get3A_207 = arith.index_cast %get3A_206 : i32 to index
      %get3A_208 = arith.constant 0 : index
      %get3A_209 = tpu.vector_load %arg22[%get3A_207, %get3A_208] {strides = array<i32>} : memref<80x16xf32, #tpu.memory_space<vmem>>, vector<1x16xf32>,
      %get3A_210 = vector.shape_cast %get3A_209 : vector<1x16xf32> to vector<16xf32>
      %add3A_211 = arith.addf %add3A_205, %get3A_210 : vector<16xf32>
      %get3A_212 = arith.constant 56 : i32
      %get3A_213 = arith.index_cast %get3A_212 : i32 to index
      %get3A_214 = arith.constant 0 : index
      %get3A_215 = tpu.vector_load %arg22[%get3A_213, %get3A_214] {strides = array<i32>} : memref<80x16xf32, #tpu.memory_space<vmem>>, vector<1x16xf32>,
      %get3A_216 = vector.shape_cast %get3A_215 : vector<1x16xf32> to vector<16xf32>
      %add3A_217 = arith.addf %add3A_211, %get3A_216 : vector<16xf32>
      %get3A_218 = arith.constant 61 : i32
      %get3A_219 = arith.index_cast %get3A_218 : i32 to index
      %get3A_220 = arith.constant 0 : index
      %get3A_221 = tpu.vector_load %arg22[%get3A_219, %get3A_220] {strides = array<i32>} : memref<80x16xf32, #tpu.memory_space<vmem>>, vector<1x16xf32>,
      %get3A_222 = vector.shape_cast %get3A_221 : vector<1x16xf32> to vector<16xf32>
      %add3A_223 = arith.addf %add3A_217, %get3A_222 : vector<16xf32>
      %get3A_224 = arith.constant 66 : i32
      %get3A_225 = arith.index_cast %get3A_224 : i32 to index
      %get3A_226 = arith.constant 0 : index
      %get3A_227 = tpu.vector_load %arg22[%get3A_225, %get3A_226] {strides = array<i32>} : memref<80x16xf32, #tpu.memory_space<vmem>>, vector<1x16xf32>,
      %get3A_228 = vector.shape_cast %get3A_227 : vector<1x16xf32> to vector<16xf32>
      %add3A_229 = arith.addf %add3A_223, %get3A_228 : vector<16xf32>
      %get3A_230 = arith.constant 71 : i32
      %get3A_231 = arith.index_cast %get3A_230 : i32 to index
      %get3A_232 = arith.constant 0 : index
      %get3A_233 = tpu.vector_load %arg22[%get3A_231, %get3A_232] {strides = array<i32>} : memref<80x16xf32, #tpu.memory_space<vmem>>, vector<1x16xf32>,
      %get3A_234 = vector.shape_cast %get3A_233 : vector<1x16xf32> to vector<16xf32>
      %add3A_235 = arith.addf %add3A_229, %get3A_234 : vector<16xf32>
      %get3A_236 = arith.constant 76 : i32
      %get3A_237 = arith.index_cast %get3A_236 : i32 to index
      %get3A_238 = arith.constant 0 : index
      %get3A_239 = tpu.vector_load %arg22[%get3A_237, %get3A_238] {strides = array<i32>} : memref<80x16xf32, #tpu.memory_space<vmem>>, vector<1x16xf32>,
      %get3A_240 = vector.shape_cast %get3A_239 : vector<1x16xf32> to vector<16xf32>
      %add3A_241 = arith.addf %add3A_235, %get3A_240 : vector<16xf32>
      %slice3A_242 = vector.extract_strided_slice %add3A_241 {offsets = [0], sizes = [1], strides = [1]} : vector<16xf32> to vector<1xf32>
      %squeeze3A_243 = vector.extract %slice3A_242[0] : f32 from vector<1xf32>
      %slice3A_244 = vector.extract_strided_slice %add3A_241 {offsets = [1], sizes = [1], strides = [1]} : vector<16xf32> to vector<1xf32>
      %squeeze3A_245 = vector.extract %slice3A_244[0] : f32 from vector<1xf32>
      %add3A_246 = arith.addf %squeeze3A_243, %squeeze3A_245 : f32
      %slice3A_247 = vector.extract_strided_slice %add3A_241 {offsets = [2], sizes = [1], strides = [1]} : vector<16xf32> to vector<1xf32>
      %squeeze3A_248 = vector.extract %slice3A_247[0] : f32 from vector<1xf32>
      %add3A_249 = arith.addf %add3A_246, %squeeze3A_248 : f32
      %slice3A_250 = vector.extract_strided_slice %add3A_241 {offsets = [3], sizes = [1], strides = [1]} : vector<16xf32> to vector<1xf32>
      %squeeze3A_251 = vector.extract %slice3A_250[0] : f32 from vector<1xf32>
      %add3A_252 = arith.addf %add3A_249, %squeeze3A_251 : f32
      %slice3A_253 = vector.extract_strided_slice %add3A_241 {offsets = [4], sizes = [1], strides = [1]} : vector<16xf32> to vector<1xf32>
      %squeeze3A_254 = vector.extract %slice3A_253[0] : f32 from vector<1xf32>
      %add3A_255 = arith.addf %add3A_252, %squeeze3A_254 : f32
      %slice3A_256 = vector.extract_strided_slice %add3A_241 {offsets = [5], sizes = [1], strides = [1]} : vector<16xf32> to vector<1xf32>
      %squeeze3A_257 = vector.extract %slice3A_256[0] : f32 from vector<1xf32>
      %add3A_258 = arith.addf %add3A_255, %squeeze3A_257 : f32
      %slice3A_259 = vector.extract_strided_slice %add3A_241 {offsets = [6], sizes = [1], strides = [1]} : vector<16xf32> to vector<1xf32>
      %squeeze3A_260 = vector.extract %slice3A_259[0] : f32 from vector<1xf32>
      %add3A_261 = arith.addf %add3A_258, %squeeze3A_260 : f32
      %slice3A_262 = vector.extract_strided_slice %add3A_241 {offsets = [7], sizes = [1], strides = [1]} : vector<16xf32> to vector<1xf32>
      %squeeze3A_263 = vector.extract %slice3A_262[0] : f32 from vector<1xf32>
      %add3A_264 = arith.addf %add3A_261, %squeeze3A_263 : f32
      %slice3A_265 = vector.extract_strided_slice %add3A_241 {offsets = [8], sizes = [1], strides = [1]} : vector<16xf32> to vector<1xf32>
      %squeeze3A_266 = vector.extract %slice3A_265[0] : f32 from vector<1xf32>
      %add3A_267 = arith.addf %add3A_264, %squeeze3A_266 : f32
      %slice3A_268 = vector.extract_strided_slice %add3A_241 {offsets = [9], sizes = [1], strides = [1]} : vector<16xf32> to vector<1xf32>
      %squeeze3A_269 = vector.extract %slice3A_268[0] : f32 from vector<1xf32>
      %add3A_270 = arith.addf %add3A_267, %squeeze3A_269 : f32
      %slice3A_271 = vector.extract_strided_slice %add3A_241 {offsets = [10], sizes = [1], strides = [1]} : vector<16xf32> to vector<1xf32>
      %squeeze3A_272 = vector.extract %slice3A_271[0] : f32 from vector<1xf32>
      %add3A_273 = arith.addf %add3A_270, %squeeze3A_272 : f32
      %slice3A_274 = vector.extract_strided_slice %add3A_241 {offsets = [11], sizes = [1], strides = [1]} : vector<16xf32> to vector<1xf32>
      %squeeze3A_275 = vector.extract %slice3A_274[0] : f32 from vector<1xf32>
      %add3A_276 = arith.addf %add3A_273, %squeeze3A_275 : f32
      %slice3A_277 = vector.extract_strided_slice %add3A_241 {offsets = [12], sizes = [1], strides = [1]} : vector<16xf32> to vector<1xf32>
      %squeeze3A_278 = vector.extract %slice3A_277[0] : f32 from vector<1xf32>
      %add3A_279 = arith.addf %add3A_276, %squeeze3A_278 : f32
      %slice3A_280 = vector.extract_strided_slice %add3A_241 {offsets = [13], sizes = [1], strides = [1]} : vector<16xf32> to vector<1xf32>
      %squeeze3A_281 = vector.extract %slice3A_280[0] : f32 from vector<1xf32>
      %add3A_282 = arith.addf %add3A_279, %squeeze3A_281 : f32
      %slice3A_283 = vector.extract_strided_slice %add3A_241 {offsets = [14], sizes = [1], strides = [1]} : vector<16xf32> to vector<1xf32>
      %squeeze3A_284 = vector.extract %slice3A_283[0] : f32 from vector<1xf32>
      %add3A_285 = arith.addf %add3A_282, %squeeze3A_284 : f32
      %slice3A_286 = vector.extract_strided_slice %add3A_241 {offsets = [15], sizes = [1], strides = [1]} : vector<16xf32> to vector<1xf32>
      %squeeze3A_287 = vector.extract %slice3A_286[0] : f32 from vector<1xf32>
      %add3A_288 = arith.addf %add3A_285, %squeeze3A_287 : f32
      %get3A_289 = arith.constant 2 : i32
      %get3A_290 = arith.index_cast %get3A_289 : i32 to index
      %get3A_291 = arith.constant 0 : index
      %get3A_292 = tpu.vector_load %arg22[%get3A_290, %get3A_291] {strides = array<i32>} : memref<80x16xf32, #tpu.memory_space<vmem>>, vector<1x16xf32>,
      %get3A_293 = vector.shape_cast %get3A_292 : vector<1x16xf32> to vector<16xf32>
      %get3A_294 = arith.constant 7 : i32
      %get3A_295 = arith.index_cast %get3A_294 : i32 to index
      %get3A_296 = arith.constant 0 : index
      %get3A_297 = tpu.vector_load %arg22[%get3A_295, %get3A_296] {strides = array<i32>} : memref<80x16xf32, #tpu.memory_space<vmem>>, vector<1x16xf32>,
      %get3A_298 = vector.shape_cast %get3A_297 : vector<1x16xf32> to vector<16xf32>
      %add3A_299 = arith.addf %get3A_293, %get3A_298 : vector<16xf32>
      %get3A_300 = arith.constant 12 : i32
      %get3A_301 = arith.index_cast %get3A_300 : i32 to index
      %get3A_302 = arith.constant 0 : index
      %get3A_303 = tpu.vector_load %arg22[%get3A_301, %get3A_302] {strides = array<i32>} : memref<80x16xf32, #tpu.memory_space<vmem>>, vector<1x16xf32>,
      %get3A_304 = vector.shape_cast %get3A_303 : vector<1x16xf32> to vector<16xf32>
      %add3A_305 = arith.addf %add3A_299, %get3A_304 : vector<16xf32>
      %get3A_306 = arith.constant 17 : i32
      %get3A_307 = arith.index_cast %get3A_306 : i32 to index
      %get3A_308 = arith.constant 0 : index
      %get3A_309 = tpu.vector_load %arg22[%get3A_307, %get3A_308] {strides = array<i32>} : memref<80x16xf32, #tpu.memory_space<vmem>>, vector<1x16xf32>,
      %get3A_310 = vector.shape_cast %get3A_309 : vector<1x16xf32> to vector<16xf32>
      %add3A_311 = arith.addf %add3A_305, %get3A_310 : vector<16xf32>
      %get3A_312 = arith.constant 22 : i32
      %get3A_313 = arith.index_cast %get3A_312 : i32 to index
      %get3A_314 = arith.constant 0 : index
      %get3A_315 = tpu.vector_load %arg22[%get3A_313, %get3A_314] {strides = array<i32>} : memref<80x16xf32, #tpu.memory_space<vmem>>, vector<1x16xf32>,
      %get3A_316 = vector.shape_cast %get3A_315 : vector<1x16xf32> to vector<16xf32>
      %add3A_317 = arith.addf %add3A_311, %get3A_316 : vector<16xf32>
      %get3A_318 = arith.constant 27 : i32
      %get3A_319 = arith.index_cast %get3A_318 : i32 to index
      %get3A_320 = arith.constant 0 : index
      %get3A_321 = tpu.vector_load %arg22[%get3A_319, %get3A_320] {strides = array<i32>} : memref<80x16xf32, #tpu.memory_space<vmem>>, vector<1x16xf32>,
      %get3A_322 = vector.shape_cast %get3A_321 : vector<1x16xf32> to vector<16xf32>
      %add3A_323 = arith.addf %add3A_317, %get3A_322 : vector<16xf32>
      %get3A_324 = arith.constant 32 : i32
      %get3A_325 = arith.index_cast %get3A_324 : i32 to index
      %get3A_326 = arith.constant 0 : index
      %get3A_327 = tpu.vector_load %arg22[%get3A_325, %get3A_326] {strides = array<i32>} : memref<80x16xf32, #tpu.memory_space<vmem>>, vector<1x16xf32>,
      %get3A_328 = vector.shape_cast %get3A_327 : vector<1x16xf32> to vector<16xf32>
      %add3A_329 = arith.addf %add3A_323, %get3A_328 : vector<16xf32>
      %get3A_330 = arith.constant 37 : i32
      %get3A_331 = arith.index_cast %get3A_330 : i32 to index
      %get3A_332 = arith.constant 0 : index
      %get3A_333 = tpu.vector_load %arg22[%get3A_331, %get3A_332] {strides = array<i32>} : memref<80x16xf32, #tpu.memory_space<vmem>>, vector<1x16xf32>,
      %get3A_334 = vector.shape_cast %get3A_333 : vector<1x16xf32> to vector<16xf32>
      %add3A_335 = arith.addf %add3A_329, %get3A_334 : vector<16xf32>
      %get3A_336 = arith.constant 42 : i32
      %get3A_337 = arith.index_cast %get3A_336 : i32 to index
      %get3A_338 = arith.constant 0 : index
      %get3A_339 = tpu.vector_load %arg22[%get3A_337, %get3A_338] {strides = array<i32>} : memref<80x16xf32, #tpu.memory_space<vmem>>, vector<1x16xf32>,
      %get3A_340 = vector.shape_cast %get3A_339 : vector<1x16xf32> to vector<16xf32>
      %add3A_341 = arith.addf %add3A_335, %get3A_340 : vector<16xf32>
      %get3A_342 = arith.constant 47 : i32
      %get3A_343 = arith.index_cast %get3A_342 : i32 to index
      %get3A_344 = arith.constant 0 : index
      %get3A_345 = tpu.vector_load %arg22[%get3A_343, %get3A_344] {strides = array<i32>} : memref<80x16xf32, #tpu.memory_space<vmem>>, vector<1x16xf32>,
      %get3A_346 = vector.shape_cast %get3A_345 : vector<1x16xf32> to vector<16xf32>
      %add3A_347 = arith.addf %add3A_341, %get3A_346 : vector<16xf32>
      %get3A_348 = arith.constant 52 : i32
      %get3A_349 = arith.index_cast %get3A_348 : i32 to index
      %get3A_350 = arith.constant 0 : index
      %get3A_351 = tpu.vector_load %arg22[%get3A_349, %get3A_350] {strides = array<i32>} : memref<80x16xf32, #tpu.memory_space<vmem>>, vector<1x16xf32>,
      %get3A_352 = vector.shape_cast %get3A_351 : vector<1x16xf32> to vector<16xf32>
      %add3A_353 = arith.addf %add3A_347, %get3A_352 : vector<16xf32>
      %get3A_354 = arith.constant 57 : i32
      %get3A_355 = arith.index_cast %get3A_354 : i32 to index
      %get3A_356 = arith.constant 0 : index
      %get3A_357 = tpu.vector_load %arg22[%get3A_355, %get3A_356] {strides = array<i32>} : memref<80x16xf32, #tpu.memory_space<vmem>>, vector<1x16xf32>,
      %get3A_358 = vector.shape_cast %get3A_357 : vector<1x16xf32> to vector<16xf32>
      %add3A_359 = arith.addf %add3A_353, %get3A_358 : vector<16xf32>
      %get3A_360 = arith.constant 62 : i32
      %get3A_361 = arith.index_cast %get3A_360 : i32 to index
      %get3A_362 = arith.constant 0 : index
      %get3A_363 = tpu.vector_load %arg22[%get3A_361, %get3A_362] {strides = array<i32>} : memref<80x16xf32, #tpu.memory_space<vmem>>, vector<1x16xf32>,
      %get3A_364 = vector.shape_cast %get3A_363 : vector<1x16xf32> to vector<16xf32>
      %add3A_365 = arith.addf %add3A_359, %get3A_364 : vector<16xf32>
      %get3A_366 = arith.constant 67 : i32
      %get3A_367 = arith.index_cast %get3A_366 : i32 to index
      %get3A_368 = arith.constant 0 : index
      %get3A_369 = tpu.vector_load %arg22[%get3A_367, %get3A_368] {strides = array<i32>} : memref<80x16xf32, #tpu.memory_space<vmem>>, vector<1x16xf32>,
      %get3A_370 = vector.shape_cast %get3A_369 : vector<1x16xf32> to vector<16xf32>
      %add3A_371 = arith.addf %add3A_365, %get3A_370 : vector<16xf32>
      %get3A_372 = arith.constant 72 : i32
      %get3A_373 = arith.index_cast %get3A_372 : i32 to index
      %get3A_374 = arith.constant 0 : index
      %get3A_375 = tpu.vector_load %arg22[%get3A_373, %get3A_374] {strides = array<i32>} : memref<80x16xf32, #tpu.memory_space<vmem>>, vector<1x16xf32>,
      %get3A_376 = vector.shape_cast %get3A_375 : vector<1x16xf32> to vector<16xf32>
      %add3A_377 = arith.addf %add3A_371, %get3A_376 : vector<16xf32>
      %get3A_378 = arith.constant 77 : i32
      %get3A_379 = arith.index_cast %get3A_378 : i32 to index
      %get3A_380 = arith.constant 0 : index
      %get3A_381 = tpu.vector_load %arg22[%get3A_379, %get3A_380] {strides = array<i32>} : memref<80x16xf32, #tpu.memory_space<vmem>>, vector<1x16xf32>,
      %get3A_382 = vector.shape_cast %get3A_381 : vector<1x16xf32> to vector<16xf32>
      %add3A_383 = arith.addf %add3A_377, %get3A_382 : vector<16xf32>
      %slice3A_384 = vector.extract_strided_slice %add3A_383 {offsets = [0], sizes = [1], strides = [1]} : vector<16xf32> to vector<1xf32>
      %squeeze3A_385 = vector.extract %slice3A_384[0] : f32 from vector<1xf32>
      %slice3A_386 = vector.extract_strided_slice %add3A_383 {offsets = [1], sizes = [1], strides = [1]} : vector<16xf32> to vector<1xf32>
      %squeeze3A_387 = vector.extract %slice3A_386[0] : f32 from vector<1xf32>
      %add3A_388 = arith.addf %squeeze3A_385, %squeeze3A_387 : f32
      %slice3A_389 = vector.extract_strided_slice %add3A_383 {offsets = [2], sizes = [1], strides = [1]} : vector<16xf32> to vector<1xf32>
      %squeeze3A_390 = vector.extract %slice3A_389[0] : f32 from vector<1xf32>
      %add3A_391 = arith.addf %add3A_388, %squeeze3A_390 : f32
      %slice3A_392 = vector.extract_strided_slice %add3A_383 {offsets = [3], sizes = [1], strides = [1]} : vector<16xf32> to vector<1xf32>
      %squeeze3A_393 = vector.extract %slice3A_392[0] : f32 from vector<1xf32>
      %add3A_394 = arith.addf %add3A_391, %squeeze3A_393 : f32
      %slice3A_395 = vector.extract_strided_slice %add3A_383 {offsets = [4], sizes = [1], strides = [1]} : vector<16xf32> to vector<1xf32>
      %squeeze3A_396 = vector.extract %slice3A_395[0] : f32 from vector<1xf32>
      %add3A_397 = arith.addf %add3A_394, %squeeze3A_396 : f32
      %slice3A_398 = vector.extract_strided_slice %add3A_383 {offsets = [5], sizes = [1], strides = [1]} : vector<16xf32> to vector<1xf32>
      %squeeze3A_399 = vector.extract %slice3A_398[0] : f32 from vector<1xf32>
      %add3A_400 = arith.addf %add3A_397, %squeeze3A_399 : f32
      %slice3A_401 = vector.extract_strided_slice %add3A_383 {offsets = [6], sizes = [1], strides = [1]} : vector<16xf32> to vector<1xf32>
      %squeeze3A_402 = vector.extract %slice3A_401[0] : f32 from vector<1xf32>
      %add3A_403 = arith.addf %add3A_400, %squeeze3A_402 : f32
      %slice3A_404 = vector.extract_strided_slice %add3A_383 {offsets = [7], sizes = [1], strides = [1]} : vector<16xf32> to vector<1xf32>
      %squeeze3A_405 = vector.extract %slice3A_404[0] : f32 from vector<1xf32>
      %add3A_406 = arith.addf %add3A_403, %squeeze3A_405 : f32
      %slice3A_407 = vector.extract_strided_slice %add3A_383 {offsets = [8], sizes = [1], strides = [1]} : vector<16xf32> to vector<1xf32>
      %squeeze3A_408 = vector.extract %slice3A_407[0] : f32 from vector<1xf32>
      %add3A_409 = arith.addf %add3A_406, %squeeze3A_408 : f32
      %slice3A_410 = vector.extract_strided_slice %add3A_383 {offsets = [9], sizes = [1], strides = [1]} : vector<16xf32> to vector<1xf32>
      %squeeze3A_411 = vector.extract %slice3A_410[0] : f32 from vector<1xf32>
      %add3A_412 = arith.addf %add3A_409, %squeeze3A_411 : f32
      %slice3A_413 = vector.extract_strided_slice %add3A_383 {offsets = [10], sizes = [1], strides = [1]} : vector<16xf32> to vector<1xf32>
      %squeeze3A_414 = vector.extract %slice3A_413[0] : f32 from vector<1xf32>
      %add3A_415 = arith.addf %add3A_412, %squeeze3A_414 : f32
      %slice3A_416 = vector.extract_strided_slice %add3A_383 {offsets = [11], sizes = [1], strides = [1]} : vector<16xf32> to vector<1xf32>
      %squeeze3A_417 = vector.extract %slice3A_416[0] : f32 from vector<1xf32>
      %add3A_418 = arith.addf %add3A_415, %squeeze3A_417 : f32
      %slice3A_419 = vector.extract_strided_slice %add3A_383 {offsets = [12], sizes = [1], strides = [1]} : vector<16xf32> to vector<1xf32>
      %squeeze3A_420 = vector.extract %slice3A_419[0] : f32 from vector<1xf32>
      %add3A_421 = arith.addf %add3A_418, %squeeze3A_420 : f32
      %slice3A_422 = vector.extract_strided_slice %add3A_383 {offsets = [13], sizes = [1], strides = [1]} : vector<16xf32> to vector<1xf32>
      %squeeze3A_423 = vector.extract %slice3A_422[0] : f32 from vector<1xf32>
      %add3A_424 = arith.addf %add3A_421, %squeeze3A_423 : f32
      %slice3A_425 = vector.extract_strided_slice %add3A_383 {offsets = [14], sizes = [1], strides = [1]} : vector<16xf32> to vector<1xf32>
      %squeeze3A_426 = vector.extract %slice3A_425[0] : f32 from vector<1xf32>
      %add3A_427 = arith.addf %add3A_424, %squeeze3A_426 : f32
      %slice3A_428 = vector.extract_strided_slice %add3A_383 {offsets = [15], sizes = [1], strides = [1]} : vector<16xf32> to vector<1xf32>
      %squeeze3A_429 = vector.extract %slice3A_428[0] : f32 from vector<1xf32>
      %add3A_430 = arith.addf %add3A_427, %squeeze3A_429 : f32
      %get3A_431 = arith.constant 3 : i32
      %get3A_432 = arith.index_cast %get3A_431 : i32 to index
      %get3A_433 = arith.constant 0 : index
      %get3A_434 = tpu.vector_load %arg22[%get3A_432, %get3A_433] {strides = array<i32>} : memref<80x16xf32, #tpu.memory_space<vmem>>, vector<1x16xf32>,
      %get3A_435 = vector.shape_cast %get3A_434 : vector<1x16xf32> to vector<16xf32>
      %get3A_436 = arith.constant 8 : i32
      %get3A_437 = arith.index_cast %get3A_436 : i32 to index
      %get3A_438 = arith.constant 0 : index
      %get3A_439 = tpu.vector_load %arg22[%get3A_437, %get3A_438] {strides = array<i32>} : memref<80x16xf32, #tpu.memory_space<vmem>>, vector<1x16xf32>,
      %get3A_440 = vector.shape_cast %get3A_439 : vector<1x16xf32> to vector<16xf32>
      %add3A_441 = arith.addf %get3A_435, %get3A_440 : vector<16xf32>
      %get3A_442 = arith.constant 13 : i32
      %get3A_443 = arith.index_cast %get3A_442 : i32 to index
      %get3A_444 = arith.constant 0 : index
      %get3A_445 = tpu.vector_load %arg22[%get3A_443, %get3A_444] {strides = array<i32>} : memref<80x16xf32, #tpu.memory_space<vmem>>, vector<1x16xf32>,
      %get3A_446 = vector.shape_cast %get3A_445 : vector<1x16xf32> to vector<16xf32>
      %add3A_447 = arith.addf %add3A_441, %get3A_446 : vector<16xf32>
      %get3A_448 = arith.constant 18 : i32
      %get3A_449 = arith.index_cast %get3A_448 : i32 to index
      %get3A_450 = arith.constant 0 : index
      %get3A_451 = tpu.vector_load %arg22[%get3A_449, %get3A_450] {strides = array<i32>} : memref<80x16xf32, #tpu.memory_space<vmem>>, vector<1x16xf32>,
      %get3A_452 = vector.shape_cast %get3A_451 : vector<1x16xf32> to vector<16xf32>
      %add3A_453 = arith.addf %add3A_447, %get3A_452 : vector<16xf32>
      %get3A_454 = arith.constant 23 : i32
      %get3A_455 = arith.index_cast %get3A_454 : i32 to index
      %get3A_456 = arith.constant 0 : index
      %get3A_457 = tpu.vector_load %arg22[%get3A_455, %get3A_456] {strides = array<i32>} : memref<80x16xf32, #tpu.memory_space<vmem>>, vector<1x16xf32>,
      %get3A_458 = vector.shape_cast %get3A_457 : vector<1x16xf32> to vector<16xf32>
      %add3A_459 = arith.addf %add3A_453, %get3A_458 : vector<16xf32>
      %get3A_460 = arith.constant 28 : i32
      %get3A_461 = arith.index_cast %get3A_460 : i32 to index
      %get3A_462 = arith.constant 0 : index
      %get3A_463 = tpu.vector_load %arg22[%get3A_461, %get3A_462] {strides = array<i32>} : memref<80x16xf32, #tpu.memory_space<vmem>>, vector<1x16xf32>,
      %get3A_464 = vector.shape_cast %get3A_463 : vector<1x16xf32> to vector<16xf32>
      %add3A_465 = arith.addf %add3A_459, %get3A_464 : vector<16xf32>
      %get3A_466 = arith.constant 33 : i32
      %get3A_467 = arith.index_cast %get3A_466 : i32 to index
      %get3A_468 = arith.constant 0 : index
      %get3A_469 = tpu.vector_load %arg22[%get3A_467, %get3A_468] {strides = array<i32>} : memref<80x16xf32, #tpu.memory_space<vmem>>, vector<1x16xf32>,
      %get3A_470 = vector.shape_cast %get3A_469 : vector<1x16xf32> to vector<16xf32>
      %add3A_471 = arith.addf %add3A_465, %get3A_470 : vector<16xf32>
      %get3A_472 = arith.constant 38 : i32
      %get3A_473 = arith.index_cast %get3A_472 : i32 to index
      %get3A_474 = arith.constant 0 : index
      %get3A_475 = tpu.vector_load %arg22[%get3A_473, %get3A_474] {strides = array<i32>} : memref<80x16xf32, #tpu.memory_space<vmem>>, vector<1x16xf32>,
      %get3A_476 = vector.shape_cast %get3A_475 : vector<1x16xf32> to vector<16xf32>
      %add3A_477 = arith.addf %add3A_471, %get3A_476 : vector<16xf32>
      %get3A_478 = arith.constant 43 : i32
      %get3A_479 = arith.index_cast %get3A_478 : i32 to index
      %get3A_480 = arith.constant 0 : index
      %get3A_481 = tpu.vector_load %arg22[%get3A_479, %get3A_480] {strides = array<i32>} : memref<80x16xf32, #tpu.memory_space<vmem>>, vector<1x16xf32>,
      %get3A_482 = vector.shape_cast %get3A_481 : vector<1x16xf32> to vector<16xf32>
      %add3A_483 = arith.addf %add3A_477, %get3A_482 : vector<16xf32>
      %get3A_484 = arith.constant 48 : i32
      %get3A_485 = arith.index_cast %get3A_484 : i32 to index
      %get3A_486 = arith.constant 0 : index
      %get3A_487 = tpu.vector_load %arg22[%get3A_485, %get3A_486] {strides = array<i32>} : memref<80x16xf32, #tpu.memory_space<vmem>>, vector<1x16xf32>,
      %get3A_488 = vector.shape_cast %get3A_487 : vector<1x16xf32> to vector<16xf32>
      %add3A_489 = arith.addf %add3A_483, %get3A_488 : vector<16xf32>
      %get3A_490 = arith.constant 53 : i32
      %get3A_491 = arith.index_cast %get3A_490 : i32 to index
      %get3A_492 = arith.constant 0 : index
      %get3A_493 = tpu.vector_load %arg22[%get3A_491, %get3A_492] {strides = array<i32>} : memref<80x16xf32, #tpu.memory_space<vmem>>, vector<1x16xf32>,
      %get3A_494 = vector.shape_cast %get3A_493 : vector<1x16xf32> to vector<16xf32>
      %add3A_495 = arith.addf %add3A_489, %get3A_494 : vector<16xf32>
      %get3A_496 = arith.constant 58 : i32
      %get3A_497 = arith.index_cast %get3A_496 : i32 to index
      %get3A_498 = arith.constant 0 : index
      %get3A_499 = tpu.vector_load %arg22[%get3A_497, %get3A_498] {strides = array<i32>} : memref<80x16xf32, #tpu.memory_space<vmem>>, vector<1x16xf32>,
      %get3A_500 = vector.shape_cast %get3A_499 : vector<1x16xf32> to vector<16xf32>
      %add3A_501 = arith.addf %add3A_495, %get3A_500 : vector<16xf32>
      %get3A_502 = arith.constant 63 : i32
      %get3A_503 = arith.index_cast %get3A_502 : i32 to index
      %get3A_504 = arith.constant 0 : index
      %get3A_505 = tpu.vector_load %arg22[%get3A_503, %get3A_504] {strides = array<i32>} : memref<80x16xf32, #tpu.memory_space<vmem>>, vector<1x16xf32>,
      %get3A_506 = vector.shape_cast %get3A_505 : vector<1x16xf32> to vector<16xf32>
      %add3A_507 = arith.addf %add3A_501, %get3A_506 : vector<16xf32>
      %get3A_508 = arith.constant 68 : i32
      %get3A_509 = arith.index_cast %get3A_508 : i32 to index
      %get3A_510 = arith.constant 0 : index
      %get3A_511 = tpu.vector_load %arg22[%get3A_509, %get3A_510] {strides = array<i32>} : memref<80x16xf32, #tpu.memory_space<vmem>>, vector<1x16xf32>,
      %get3A_512 = vector.shape_cast %get3A_511 : vector<1x16xf32> to vector<16xf32>
      %add3A_513 = arith.addf %add3A_507, %get3A_512 : vector<16xf32>
      %get3A_514 = arith.constant 73 : i32
      %get3A_515 = arith.index_cast %get3A_514 : i32 to index
      %get3A_516 = arith.constant 0 : index
      %get3A_517 = tpu.vector_load %arg22[%get3A_515, %get3A_516] {strides = array<i32>} : memref<80x16xf32, #tpu.memory_space<vmem>>, vector<1x16xf32>,
      %get3A_518 = vector.shape_cast %get3A_517 : vector<1x16xf32> to vector<16xf32>
      %add3A_519 = arith.addf %add3A_513, %get3A_518 : vector<16xf32>
      %get3A_520 = arith.constant 78 : i32
      %get3A_521 = arith.index_cast %get3A_520 : i32 to index
      %get3A_522 = arith.constant 0 : index
      %get3A_523 = tpu.vector_load %arg22[%get3A_521, %get3A_522] {strides = array<i32>} : memref<80x16xf32, #tpu.memory_space<vmem>>, vector<1x16xf32>,
      %get3A_524 = vector.shape_cast %get3A_523 : vector<1x16xf32> to vector<16xf32>
      %add3A_525 = arith.addf %add3A_519, %get3A_524 : vector<16xf32>
      %slice3A_526 = vector.extract_strided_slice %add3A_525 {offsets = [0], sizes = [1], strides = [1]} : vector<16xf32> to vector<1xf32>
      %squeeze3A_527 = vector.extract %slice3A_526[0] : f32 from vector<1xf32>
      %slice3A_528 = vector.extract_strided_slice %add3A_525 {offsets = [1], sizes = [1], strides = [1]} : vector<16xf32> to vector<1xf32>
      %squeeze3A_529 = vector.extract %slice3A_528[0] : f32 from vector<1xf32>
      %add3A_530 = arith.addf %squeeze3A_527, %squeeze3A_529 : f32
      %slice3A_531 = vector.extract_strided_slice %add3A_525 {offsets = [2], sizes = [1], strides = [1]} : vector<16xf32> to vector<1xf32>
      %squeeze3A_532 = vector.extract %slice3A_531[0] : f32 from vector<1xf32>
      %add3A_533 = arith.addf %add3A_530, %squeeze3A_532 : f32
      %slice3A_534 = vector.extract_strided_slice %add3A_525 {offsets = [3], sizes = [1], strides = [1]} : vector<16xf32> to vector<1xf32>
      %squeeze3A_535 = vector.extract %slice3A_534[0] : f32 from vector<1xf32>
      %add3A_536 = arith.addf %add3A_533, %squeeze3A_535 : f32
      %slice3A_537 = vector.extract_strided_slice %add3A_525 {offsets = [4], sizes = [1], strides = [1]} : vector<16xf32> to vector<1xf32>
      %squeeze3A_538 = vector.extract %slice3A_537[0] : f32 from vector<1xf32>
      %add3A_539 = arith.addf %add3A_536, %squeeze3A_538 : f32
      %slice3A_540 = vector.extract_strided_slice %add3A_525 {offsets = [5], sizes = [1], strides = [1]} : vector<16xf32> to vector<1xf32>
      %squeeze3A_541 = vector.extract %slice3A_540[0] : f32 from vector<1xf32>
      %add3A_542 = arith.addf %add3A_539, %squeeze3A_541 : f32
      %slice3A_543 = vector.extract_strided_slice %add3A_525 {offsets = [6], sizes = [1], strides = [1]} : vector<16xf32> to vector<1xf32>
      %squeeze3A_544 = vector.extract %slice3A_543[0] : f32 from vector<1xf32>
      %add3A_545 = arith.addf %add3A_542, %squeeze3A_544 : f32
      %slice3A_546 = vector.extract_strided_slice %add3A_525 {offsets = [7], sizes = [1], strides = [1]} : vector<16xf32> to vector<1xf32>
      %squeeze3A_547 = vector.extract %slice3A_546[0] : f32 from vector<1xf32>
      %add3A_548 = arith.addf %add3A_545, %squeeze3A_547 : f32
      %slice3A_549 = vector.extract_strided_slice %add3A_525 {offsets = [8], sizes = [1], strides = [1]} : vector<16xf32> to vector<1xf32>
      %squeeze3A_550 = vector.extract %slice3A_549[0] : f32 from vector<1xf32>
      %add3A_551 = arith.addf %add3A_548, %squeeze3A_550 : f32
      %slice3A_552 = vector.extract_strided_slice %add3A_525 {offsets = [9], sizes = [1], strides = [1]} : vector<16xf32> to vector<1xf32>
      %squeeze3A_553 = vector.extract %slice3A_552[0] : f32 from vector<1xf32>
      %add3A_554 = arith.addf %add3A_551, %squeeze3A_553 : f32
      %slice3A_555 = vector.extract_strided_slice %add3A_525 {offsets = [10], sizes = [1], strides = [1]} : vector<16xf32> to vector<1xf32>
      %squeeze3A_556 = vector.extract %slice3A_555[0] : f32 from vector<1xf32>
      %add3A_557 = arith.addf %add3A_554, %squeeze3A_556 : f32
      %slice3A_558 = vector.extract_strided_slice %add3A_525 {offsets = [11], sizes = [1], strides = [1]} : vector<16xf32> to vector<1xf32>
      %squeeze3A_559 = vector.extract %slice3A_558[0] : f32 from vector<1xf32>
      %add3A_560 = arith.addf %add3A_557, %squeeze3A_559 : f32
      %slice3A_561 = vector.extract_strided_slice %add3A_525 {offsets = [12], sizes = [1], strides = [1]} : vector<16xf32> to vector<1xf32>
      %squeeze3A_562 = vector.extract %slice3A_561[0] : f32 from vector<1xf32>
      %add3A_563 = arith.addf %add3A_560, %squeeze3A_562 : f32
      %slice3A_564 = vector.extract_strided_slice %add3A_525 {offsets = [13], sizes = [1], strides = [1]} : vector<16xf32> to vector<1xf32>
      %squeeze3A_565 = vector.extract %slice3A_564[0] : f32 from vector<1xf32>
      %add3A_566 = arith.addf %add3A_563, %squeeze3A_565 : f32
      %slice3A_567 = vector.extract_strided_slice %add3A_525 {offsets = [14], sizes = [1], strides = [1]} : vector<16xf32> to vector<1xf32>
      %squeeze3A_568 = vector.extract %slice3A_567[0] : f32 from vector<1xf32>
      %add3A_569 = arith.addf %add3A_566, %squeeze3A_568 : f32
      %slice3A_570 = vector.extract_strided_slice %add3A_525 {offsets = [15], sizes = [1], strides = [1]} : vector<16xf32> to vector<1xf32>
      %squeeze3A_571 = vector.extract %slice3A_570[0] : f32 from vector<1xf32>
      %add3A_572 = arith.addf %add3A_569, %squeeze3A_571 : f32
      %get3A_573 = arith.constant 4 : i32
      %get3A_574 = arith.index_cast %get3A_573 : i32 to index
      %get3A_575 = arith.constant 0 : index
      %get3A_576 = tpu.vector_load %arg22[%get3A_574, %get3A_575] {strides = array<i32>} : memref<80x16xf32, #tpu.memory_space<vmem>>, vector<1x16xf32>,
      %get3A_577 = vector.shape_cast %get3A_576 : vector<1x16xf32> to vector<16xf32>
      %get3A_578 = arith.constant 9 : i32
      %get3A_579 = arith.index_cast %get3A_578 : i32 to index
      %get3A_580 = arith.constant 0 : index
      %get3A_581 = tpu.vector_load %arg22[%get3A_579, %get3A_580] {strides = array<i32>} : memref<80x16xf32, #tpu.memory_space<vmem>>, vector<1x16xf32>,
      %get3A_582 = vector.shape_cast %get3A_581 : vector<1x16xf32> to vector<16xf32>
      %add3A_583 = arith.addf %get3A_577, %get3A_582 : vector<16xf32>
      %get3A_584 = arith.constant 14 : i32
      %get3A_585 = arith.index_cast %get3A_584 : i32 to index
      %get3A_586 = arith.constant 0 : index
      %get3A_587 = tpu.vector_load %arg22[%get3A_585, %get3A_586] {strides = array<i32>} : memref<80x16xf32, #tpu.memory_space<vmem>>, vector<1x16xf32>,
      %get3A_588 = vector.shape_cast %get3A_587 : vector<1x16xf32> to vector<16xf32>
      %add3A_589 = arith.addf %add3A_583, %get3A_588 : vector<16xf32>
      %get3A_590 = arith.constant 19 : i32
      %get3A_591 = arith.index_cast %get3A_590 : i32 to index
      %get3A_592 = arith.constant 0 : index
      %get3A_593 = tpu.vector_load %arg22[%get3A_591, %get3A_592] {strides = array<i32>} : memref<80x16xf32, #tpu.memory_space<vmem>>, vector<1x16xf32>,
      %get3A_594 = vector.shape_cast %get3A_593 : vector<1x16xf32> to vector<16xf32>
      %add3A_595 = arith.addf %add3A_589, %get3A_594 : vector<16xf32>
      %get3A_596 = arith.constant 24 : i32
      %get3A_597 = arith.index_cast %get3A_596 : i32 to index
      %get3A_598 = arith.constant 0 : index
      %get3A_599 = tpu.vector_load %arg22[%get3A_597, %get3A_598] {strides = array<i32>} : memref<80x16xf32, #tpu.memory_space<vmem>>, vector<1x16xf32>,
      %get3A_600 = vector.shape_cast %get3A_599 : vector<1x16xf32> to vector<16xf32>
      %add3A_601 = arith.addf %add3A_595, %get3A_600 : vector<16xf32>
      %get3A_602 = arith.constant 29 : i32
      %get3A_603 = arith.index_cast %get3A_602 : i32 to index
      %get3A_604 = arith.constant 0 : index
      %get3A_605 = tpu.vector_load %arg22[%get3A_603, %get3A_604] {strides = array<i32>} : memref<80x16xf32, #tpu.memory_space<vmem>>, vector<1x16xf32>,
      %get3A_606 = vector.shape_cast %get3A_605 : vector<1x16xf32> to vector<16xf32>
      %add3A_607 = arith.addf %add3A_601, %get3A_606 : vector<16xf32>
      %get3A_608 = arith.constant 34 : i32
      %get3A_609 = arith.index_cast %get3A_608 : i32 to index
      %get3A_610 = arith.constant 0 : index
      %get3A_611 = tpu.vector_load %arg22[%get3A_609, %get3A_610] {strides = array<i32>} : memref<80x16xf32, #tpu.memory_space<vmem>>, vector<1x16xf32>,
      %get3A_612 = vector.shape_cast %get3A_611 : vector<1x16xf32> to vector<16xf32>
      %add3A_613 = arith.addf %add3A_607, %get3A_612 : vector<16xf32>
      %get3A_614 = arith.constant 39 : i32
      %get3A_615 = arith.index_cast %get3A_614 : i32 to index
      %get3A_616 = arith.constant 0 : index
      %get3A_617 = tpu.vector_load %arg22[%get3A_615, %get3A_616] {strides = array<i32>} : memref<80x16xf32, #tpu.memory_space<vmem>>, vector<1x16xf32>,
      %get3A_618 = vector.shape_cast %get3A_617 : vector<1x16xf32> to vector<16xf32>
      %add3A_619 = arith.addf %add3A_613, %get3A_618 : vector<16xf32>
      %get3A_620 = arith.constant 44 : i32
      %get3A_621 = arith.index_cast %get3A_620 : i32 to index
      %get3A_622 = arith.constant 0 : index
      %get3A_623 = tpu.vector_load %arg22[%get3A_621, %get3A_622] {strides = array<i32>} : memref<80x16xf32, #tpu.memory_space<vmem>>, vector<1x16xf32>,
      %get3A_624 = vector.shape_cast %get3A_623 : vector<1x16xf32> to vector<16xf32>
      %add3A_625 = arith.addf %add3A_619, %get3A_624 : vector<16xf32>
      %get3A_626 = arith.constant 49 : i32
      %get3A_627 = arith.index_cast %get3A_626 : i32 to index
      %get3A_628 = arith.constant 0 : index
      %get3A_629 = tpu.vector_load %arg22[%get3A_627, %get3A_628] {strides = array<i32>} : memref<80x16xf32, #tpu.memory_space<vmem>>, vector<1x16xf32>,
      %get3A_630 = vector.shape_cast %get3A_629 : vector<1x16xf32> to vector<16xf32>
      %add3A_631 = arith.addf %add3A_625, %get3A_630 : vector<16xf32>
      %get3A_632 = arith.constant 54 : i32
      %get3A_633 = arith.index_cast %get3A_632 : i32 to index
      %get3A_634 = arith.constant 0 : index
      %get3A_635 = tpu.vector_load %arg22[%get3A_633, %get3A_634] {strides = array<i32>} : memref<80x16xf32, #tpu.memory_space<vmem>>, vector<1x16xf32>,
      %get3A_636 = vector.shape_cast %get3A_635 : vector<1x16xf32> to vector<16xf32>
      %add3A_637 = arith.addf %add3A_631, %get3A_636 : vector<16xf32>
      %get3A_638 = arith.constant 59 : i32
      %get3A_639 = arith.index_cast %get3A_638 : i32 to index
      %get3A_640 = arith.constant 0 : index
      %get3A_641 = tpu.vector_load %arg22[%get3A_639, %get3A_640] {strides = array<i32>} : memref<80x16xf32, #tpu.memory_space<vmem>>, vector<1x16xf32>,
      %get3A_642 = vector.shape_cast %get3A_641 : vector<1x16xf32> to vector<16xf32>
      %add3A_643 = arith.addf %add3A_637, %get3A_642 : vector<16xf32>
      %get3A_644 = arith.constant 64 : i32
      %get3A_645 = arith.index_cast %get3A_644 : i32 to index
      %get3A_646 = arith.constant 0 : index
      %get3A_647 = tpu.vector_load %arg22[%get3A_645, %get3A_646] {strides = array<i32>} : memref<80x16xf32, #tpu.memory_space<vmem>>, vector<1x16xf32>,
      %get3A_648 = vector.shape_cast %get3A_647 : vector<1x16xf32> to vector<16xf32>
      %add3A_649 = arith.addf %add3A_643, %get3A_648 : vector<16xf32>
      %get3A_650 = arith.constant 69 : i32
      %get3A_651 = arith.index_cast %get3A_650 : i32 to index
      %get3A_652 = arith.constant 0 : index
      %get3A_653 = tpu.vector_load %arg22[%get3A_651, %get3A_652] {strides = array<i32>} : memref<80x16xf32, #tpu.memory_space<vmem>>, vector<1x16xf32>,
      %get3A_654 = vector.shape_cast %get3A_653 : vector<1x16xf32> to vector<16xf32>
      %add3A_655 = arith.addf %add3A_649, %get3A_654 : vector<16xf32>
      %get3A_656 = arith.constant 74 : i32
      %get3A_657 = arith.index_cast %get3A_656 : i32 to index
      %get3A_658 = arith.constant 0 : index
      %get3A_659 = tpu.vector_load %arg22[%get3A_657, %get3A_658] {strides = array<i32>} : memref<80x16xf32, #tpu.memory_space<vmem>>, vector<1x16xf32>,
      %get3A_660 = vector.shape_cast %get3A_659 : vector<1x16xf32> to vector<16xf32>
      %add3A_661 = arith.addf %add3A_655, %get3A_660 : vector<16xf32>
      %get3A_662 = arith.constant 79 : i32
      %get3A_663 = arith.index_cast %get3A_662 : i32 to index
      %get3A_664 = arith.constant 0 : index
      %get3A_665 = tpu.vector_load %arg22[%get3A_663, %get3A_664] {strides = array<i32>} : memref<80x16xf32, #tpu.memory_space<vmem>>, vector<1x16xf32>,
      %get3A_666 = vector.shape_cast %get3A_665 : vector<1x16xf32> to vector<16xf32>
      %add3A_667 = arith.addf %add3A_661, %get3A_666 : vector<16xf32>
      %slice3A_668 = vector.extract_strided_slice %add3A_667 {offsets = [0], sizes = [1], strides = [1]} : vector<16xf32> to vector<1xf32>
      %squeeze3A_669 = vector.extract %slice3A_668[0] : f32 from vector<1xf32>
      %slice3A_670 = vector.extract_strided_slice %add3A_667 {offsets = [1], sizes = [1], strides = [1]} : vector<16xf32> to vector<1xf32>
      %squeeze3A_671 = vector.extract %slice3A_670[0] : f32 from vector<1xf32>
      %add3A_672 = arith.addf %squeeze3A_669, %squeeze3A_671 : f32
      %slice3A_673 = vector.extract_strided_slice %add3A_667 {offsets = [2], sizes = [1], strides = [1]} : vector<16xf32> to vector<1xf32>
      %squeeze3A_674 = vector.extract %slice3A_673[0] : f32 from vector<1xf32>
      %add3A_675 = arith.addf %add3A_672, %squeeze3A_674 : f32
      %slice3A_676 = vector.extract_strided_slice %add3A_667 {offsets = [3], sizes = [1], strides = [1]} : vector<16xf32> to vector<1xf32>
      %squeeze3A_677 = vector.extract %slice3A_676[0] : f32 from vector<1xf32>
      %add3A_678 = arith.addf %add3A_675, %squeeze3A_677 : f32
      %slice3A_679 = vector.extract_strided_slice %add3A_667 {offsets = [4], sizes = [1], strides = [1]} : vector<16xf32> to vector<1xf32>
      %squeeze3A_680 = vector.extract %slice3A_679[0] : f32 from vector<1xf32>
      %add3A_681 = arith.addf %add3A_678, %squeeze3A_680 : f32
      %slice3A_682 = vector.extract_strided_slice %add3A_667 {offsets = [5], sizes = [1], strides = [1]} : vector<16xf32> to vector<1xf32>
      %squeeze3A_683 = vector.extract %slice3A_682[0] : f32 from vector<1xf32>
      %add3A_684 = arith.addf %add3A_681, %squeeze3A_683 : f32
      %slice3A_685 = vector.extract_strided_slice %add3A_667 {offsets = [6], sizes = [1], strides = [1]} : vector<16xf32> to vector<1xf32>
      %squeeze3A_686 = vector.extract %slice3A_685[0] : f32 from vector<1xf32>
      %add3A_687 = arith.addf %add3A_684, %squeeze3A_686 : f32
      %slice3A_688 = vector.extract_strided_slice %add3A_667 {offsets = [7], sizes = [1], strides = [1]} : vector<16xf32> to vector<1xf32>
      %squeeze3A_689 = vector.extract %slice3A_688[0] : f32 from vector<1xf32>
      %add3A_690 = arith.addf %add3A_687, %squeeze3A_689 : f32
      %slice3A_691 = vector.extract_strided_slice %add3A_667 {offsets = [8], sizes = [1], strides = [1]} : vector<16xf32> to vector<1xf32>
      %squeeze3A_692 = vector.extract %slice3A_691[0] : f32 from vector<1xf32>
      %add3A_693 = arith.addf %add3A_690, %squeeze3A_692 : f32
      %slice3A_694 = vector.extract_strided_slice %add3A_667 {offsets = [9], sizes = [1], strides = [1]} : vector<16xf32> to vector<1xf32>
      %squeeze3A_695 = vector.extract %slice3A_694[0] : f32 from vector<1xf32>
      %add3A_696 = arith.addf %add3A_693, %squeeze3A_695 : f32
      %slice3A_697 = vector.extract_strided_slice %add3A_667 {offsets = [10], sizes = [1], strides = [1]} : vector<16xf32> to vector<1xf32>
      %squeeze3A_698 = vector.extract %slice3A_697[0] : f32 from vector<1xf32>
      %add3A_699 = arith.addf %add3A_696, %squeeze3A_698 : f32
      %slice3A_700 = vector.extract_strided_slice %add3A_667 {offsets = [11], sizes = [1], strides = [1]} : vector<16xf32> to vector<1xf32>
      %squeeze3A_701 = vector.extract %slice3A_700[0] : f32 from vector<1xf32>
      %add3A_702 = arith.addf %add3A_699, %squeeze3A_701 : f32
      %slice3A_703 = vector.extract_strided_slice %add3A_667 {offsets = [12], sizes = [1], strides = [1]} : vector<16xf32> to vector<1xf32>
      %squeeze3A_704 = vector.extract %slice3A_703[0] : f32 from vector<1xf32>
      %add3A_705 = arith.addf %add3A_702, %squeeze3A_704 : f32
      %slice3A_706 = vector.extract_strided_slice %add3A_667 {offsets = [13], sizes = [1], strides = [1]} : vector<16xf32> to vector<1xf32>
      %squeeze3A_707 = vector.extract %slice3A_706[0] : f32 from vector<1xf32>
      %add3A_708 = arith.addf %add3A_705, %squeeze3A_707 : f32
      %slice3A_709 = vector.extract_strided_slice %add3A_667 {offsets = [14], sizes = [1], strides = [1]} : vector<16xf32> to vector<1xf32>
      %squeeze3A_710 = vector.extract %slice3A_709[0] : f32 from vector<1xf32>
      %add3A_711 = arith.addf %add3A_708, %squeeze3A_710 : f32
      %slice3A_712 = vector.extract_strided_slice %add3A_667 {offsets = [15], sizes = [1], strides = [1]} : vector<16xf32> to vector<1xf32>
      %squeeze3A_713 = vector.extract %slice3A_712[0] : f32 from vector<1xf32>
      %add3A_714 = arith.addf %add3A_711, %squeeze3A_713 : f32
      %broadcast_in_dim3A = vector.broadcast %add3A_146 : f32 to vector<16xf32>
      %broadcast_in_dim3A_715 = vector.broadcast %add3A_288 : f32 to vector<16xf32>
      %broadcast_in_dim3A_716 = vector.broadcast %add3A_430 : f32 to vector<16xf32>
      %mul3A = arith.constant 5.000000e+00 : f32
      %mul3A_717 = vector.broadcast %mul3A : f32 to vector<16xf32>
      %mul3A_718 = arith.mulf %mul3A_717, %broadcast_in_dim3A_716 : vector<16xf32>
      %div3A = arith.divf %broadcast_in_dim3A_715, %mul3A_718 : vector<16xf32>
      %sub3A = arith.subf %broadcast_in_dim3A, %div3A : vector<16xf32>
      %broadcast_in_dim3A_719 = vector.broadcast %add3A_572 : f32 to vector<16xf32>
      %broadcast_in_dim3A_720 = vector.broadcast %add3A_714 : f32 to vector<16xf32>
      %mul3A_721 = arith.constant 5.000000e+00 : f32
      %mul3A_722 = vector.broadcast %mul3A_721 : f32 to vector<16xf32>
      %mul3A_723 = arith.mulf %mul3A_722, %broadcast_in_dim3A_720 : vector<16xf32>
      %div3A_724 = arith.divf %broadcast_in_dim3A_719, %mul3A_723 : vector<16xf32>
      %sub3A_725 = arith.subf %sub3A, %div3A_724 : vector<16xf32>
      %swap3A = arith.constant 0 : index
      %swap3A_726 = tpu.vector_load %arg24[%swap3A] {strides = array<i32>} : memref<16xf32, #tpu.memory_space<vmem>>, vector<16xf32>,
      %swap3A_727 = vector.shape_cast %swap3A_726 : vector<16xf32> to vector<16xf32>
      %swap3A_728 = vector.shape_cast %sub3A_725 : vector<16xf32> to vector<16xf32>
      tpu.vector_store %arg24[%swap3A], %swap3A_728 {strides = array<i32>} : memref<16xf32, #tpu.memory_space<vmem>>, vector<16xf32>,
      "tpu.region"() ({
        %run_scoped3A = tpu.sem_alloc : memref<!tpu.dma_semaphore, #tpu.memory_space<semaphore_mem>>
        tpu.enqueue_dma source(%arg24 : memref<16xf32, #tpu.memory_space<vmem>>) target(%arg11 : memref<16xf32, #tpu.memory_space<hbm>>) target_semaphore(%run_scoped3A : memref<!tpu.dma_semaphore, #tpu.memory_space<semaphore_mem>>)
        tpu.wait_dma2 semaphore(%run_scoped3A : memref<!tpu.dma_semaphore, #tpu.memory_space<semaphore_mem>>) src(%arg24 : memref<16xf32, #tpu.memory_space<vmem>>) dst(%arg11 : memref<16xf32, #tpu.memory_space<hbm>>)
        tpu.yield
      }) : () -> ()
    } else {
    }
    return
  }
}

</mosaic_0001>

<sc_bundles>
// kernel: kernel.3.cloned.1.call-start
scs
__scs_entry_jumppad:
0x0: {  	(pc) =	sbr.rel $0x88, $3  }
0x1: {  	(tag) =	ssettag $0x0;
	lr =	simm.s32 $0x1  }
0x2: {  	[smem:$0x3F9B] =	sst lr;
	_ =	strace $0xD0000000  }
0x3: {  	_ = 	snop  }
0x4: {  	_ = 	snop  }
0x5: {  	_ = 	snop  }
0x6: {  	_ = 	snop  }
0x7: {  	_ = 	snop  }
__scs_overlays_trampoline_lowered:
0x8: {  	[smem:$0x3FAA] =	sst s0  }
0x9: {  	[smem:$0x3FAB] =	sst s1  }
0xa: {  	[smem:$0x3FAC] =	sst s2  }
0xb: {  	[smem:$0x3FAD] =	sst s3  }
0xc: {  	[smem:$0x3FAE] =	sst s4  }
0xd: {  	[smem:$0x3FAF] =	sst s5  }
0xe: {  	[smem:$0x3FB0] =	sst s6  }
0xf: {  	[smem:$0x3FB1] =	sst s7  }
0x10: {  	[smem:$0x3FB2] =	sst s8  }
0x11: {  	[smem:$0x3FB3] =	sst s9;
	s0 =	simm.s32 @!p0 $0x0  }
0x12: {  	s1 =	sld [smem:$0x3F99];
	s0 =	simm.s32 @p0 $0x1  }
0x13: {  	[smem:$0x3FB4] =	sst s0;
	s0 =	simm.s32 @!p1 $0x0  }
0x14: {  	s2 =	sld [smem:$0x3F98];
	s0 =	simm.s32 @p1 $0x1  }
0x15: {  	[smem:$0x3FB5] =	sst s0;
	s0 =	simm.s32 @!p2 $0x0  }
0x16: {  	s3 =	sld [smem:$0x3FDB];
	s0 =	simm.s32 @p2 $0x1  }
0x17: {  	s4 =	simm.s32 $0x1BF5;
	[smem:$0x3FB7] =	sst s0  }
0x18: {  	s0 =	sld [smem:$0x3F9A];
	_ =	swait.ge [sflag:s4], $0x0  }
0x19: {  	s7 =	sld [smem:$0x3F9B]  }
0x1a: {  	s8 =	sadd.s32 $0xFFFFE003, lr  }
0x1b: {  	s9 =	sadd.s32 $0xFFFFFEF7, lr;
	s5 =	simm.s32 $0xFFFFFFFF;
	p2 =	slt.u32 s8, $0xFFFFF086  }
0x1c: {  	p1 =	slt.u32 s9, $0xF7A;
	s5 =	simm.s32 @!p2 $0x0  }
0x1d: {  	s5 =	simm.s32 @p1 $0x1;
	p0 =	seq.s32 s7, s2  }
0x1e: {  	s7 =	smul.u32 @!p0 $0xF7A, s2;
	p2 =	seq.s32 @!p0 s5, $0x0  }
0x1f: {  	s9 =	smul.u32 $0xF7A, s1;
	s8 =	simm.s32 @!p0 $0x1BF5;
	p2 =	por !p2, p0  }
0x20: {  	[sflag:s8] =	ssyncset.s32 @!p0 $0xFFFFF086;
	s6 =	sadd.s32 @!p0 s3, s7;
	s7 =	simm.s32 @!p0 $0x108  }
0x21: {  	s3 =	sadd.s32 s3, s9;
	s6 =	sadd.s32 @!p0 $0x88, s6;
	s7 =	simm.s32 @p2 $0x1082  }
0x22: {  	[simem:s7], [sflag:s8] =	dma.local @!p0 [hbm:s6], $0xF7A  }
0x23: {  	s9 =	sor.u32 $0xD0000000, s2;
	s6 =	simm.s32 $0x108;
	_ =	swait.ge @!p0 [sflag:s8], $0x0  }
0x24: {  	s3 =	sadd.s32 $0x88, s3;
	s6 =	simm.s32 @!p1 $0x1082;
	[sflag:s4] =	ssyncset.s32 $0xFFFFF086  }
0x25: {  	[simem:s6], [sflag:s4] =	dma.local [hbm:s3], $0xF7A  }
0x26: {  	[smem:$0x3F9B] =	sst s1;
	(tag) =	ssettag s2;
	_ =	strace s9  }
0x27: {  	s1 =	sld [smem:$0x3FAB]  }
0x28: {  	s2 =	sld [smem:$0x3FAC]  }
0x29: {  	s4 =	sld [smem:$0x3FAE]  }
0x2a: {  	p0 =	seq.s32 s5, $0x0;
	s5 =	sld [smem:$0x3FAF]  }
0x2b: {  	s6 =	sld [smem:$0x3FB0]  }
0x2c: {  	s7 =	sld [smem:$0x3FB1]  }
0x2d: {  	s3 =	simm.s32 $0x108;
	s8 =	sld [smem:$0x3FB2]  }
0x2e: {  	s3 =	simm.s32 @!p0 $0x1082;
	s9 =	sld [smem:$0x3FB3]  }
0x2f: {  	lr =	sadd.s32 s0, s3;
	s0 =	sld [smem:$0x3FAA]  }
0x30: {  	s3 =	sld [smem:$0x3FAD]  }
0x31: {  	[smem:$0x3FB6] =	sst s10  }
0x32: {  	s10 =	sld [smem:$0x3FB4];
	_ =	sdelay $0x3  }
0x33: {  	p0 =	seq.s32 s10, $0x1;
	s10 =	sld [smem:$0x3FB6];
	_ =	sdelay $0x3  }
0x34: {  	[smem:$0x3FB6] =	sst s10  }
0x35: {  	s10 =	sld [smem:$0x3FB5];
	_ =	sdelay $0x3  }
0x36: {  	p1 =	seq.s32 s10, $0x1;
	s10 =	sld [smem:$0x3FB6];
	_ =	sdelay $0x3  }
0x37: {  	[smem:$0x3FB6] =	sst s10  }
0x38: {  	s10 =	sld [smem:$0x3FB7]  }
0x39: {  	_ = 	snop;
	(pc) =	sbr.ind lr, $3  }
0x3a: {  	_ = 	snop  }
0x3b: {  	_ = 	snop  }
0x3c: {  	p2 =	seq.s32 s10, $0x1;
	s10 =	sld [smem:$0x3FB6]  }
0x3d: {  	_ =	shalt  }
0x3e: {  	_ =	shalt  }
0x3f: {  	_ =	shalt  }
0x40: {  	_ =	shalt  }
0x41: {  	_ =	shalt  }
0x42: {  	_ =	shalt  }
0x43: {  	_ =	shalt  }
0x44: {  	_ =	shalt  }
0x45: {  	_ =	shalt  }
0x46: {  	_ =	shalt  }
0x47: {  	_ =	shalt  }
0x48: {  	_ =	shalt  }
0x49: {  	_ =	shalt  }
0x4a: {  	_ =	shalt  }
0x4b: {  	_ =	shalt  }
0x4c: {  	_ =	shalt  }
0x4d: {  	_ =	shalt  }
0x4e: {  	_ =	shalt  }
0x4f: {  	_ =	shalt  }
0x50: {  	_ =	shalt  }
0x51: {  	_ =	shalt  }
0x52: {  	_ =	shalt  }
0x53: {  	_ =	shalt  }
0x54: {  	_ =	shalt  }
0x55: {  	_ =	shalt  }
0x56: {  	_ =	shalt  }
0x57: {  	_ =	shalt  }
0x58: {  	_ =	shalt  }
0x59: {  	_ =	shalt  }
0x5a: {  	_ =	shalt  }
0x5b: {  	_ =	shalt  }
0x5c: {  	_ =	shalt  }
0x5d: {  	_ =	shalt  }
0x5e: {  	_ =	shalt  }
0x5f: {  	_ =	shalt  }
0x60: {  	_ =	shalt  }
0x61: {  	_ =	shalt  }
0x62: {  	_ =	shalt  }
0x63: {  	_ =	shalt  }
0x64: {  	_ =	shalt  }
0x65: {  	_ =	shalt  }
0x66: {  	_ =	shalt  }
0x67: {  	_ =	shalt  }
0x68: {  	_ =	shalt  }
0x69: {  	_ =	shalt  }
0x6a: {  	_ =	shalt  }
0x6b: {  	_ =	shalt  }
0x6c: {  	_ =	shalt  }
0x6d: {  	_ =	shalt  }
0x6e: {  	_ =	shalt  }
0x6f: {  	_ =	shalt  }
0x70: {  	_ =	shalt  }
0x71: {  	_ =	shalt  }
0x72: {  	_ =	shalt  }
0x73: {  	_ =	shalt  }
0x74: {  	_ =	shalt  }
0x75: {  	_ =	shalt  }
0x76: {  	_ =	shalt  }
0x77: {  	_ =	shalt  }
0x78: {  	_ =	shalt  }
0x79: {  	_ =	shalt  }
0x7a: {  	_ =	shalt  }
0x7b: {  	_ =	shalt  }
0x7c: {  	_ =	shalt  }
0x7d: {  	_ =	shalt  }
0x7e: {  	_ =	shalt  }
0x7f: {  	_ =	shalt  }
0x80: {  	_ =	shalt  }
0x81: {  	_ =	shalt  }
0x82: {  	_ =	shalt  }
0x83: {  	_ =	shalt  }
0x84: {  	_ =	shalt  }
0x85: {  	_ =	shalt  }
0x86: {  	_ =	shalt  }
0x87: {  	_ =	shalt  }
.Lfunc_end0:
.L_simem_size_0:
called_computation_lowered:
.L_overlay_start_0:
0x88: {  	s0 =	sld [smem:$0x3FD9]  }
0x89: {  	s1 =	sld [smem:$0x3FFE];
	_ =	sdelay $0x3  }
0x8a: {  	s0 =	sadd.s32 s1, s0  }
0x8b: {  	[smem:$0x3FC2] =	sst s0  }
0x8c: {  	_ = 	snop  }
0x8d: {  	s0 =	sld [smem:$0x3FC9]  }
0x8e: {  	s16 =	sld [smem:$0x3FC8]  }
0x8f: {  	s2 =	sld [smem:$0x3FC7]  }
0x90: {  	s3 =	sld [smem:$0x3FD0];
	(tm) =	ssettm $0x1  }
0x91: {  	s4 =	sld [smem:$0x3FFB];
	_ =	sdelay $0x3  }
0x92: {  	_ =	strace s4  }
0x93: {  	s4 =	sld [smem:$0x3FFC];
	_ =	sdelay $0x3  }
0x94: {  	_ =	strace s4  }
0x95: {  	s4 =	sld [smem:$0x3FFD];
	_ =	sdelay $0x3  }
0x96: {  	_ =	strace s4  }
0x97: {  	_ =	strace $0x8FFFFFFF  }
0x98: {  	s17 =	sld [smem:$0x3FDB];
	_ =	sdelay $0x1  }
0x99: {  	s5 =	simm.s32 $_scs_section_size  }
0x9a: {  	s6 =	simm.s32 $_size__tile_overlayer_lowered;
	s7 =	simm.s32 $_tile_overlayer_lowered  }
0x9b: {  	s20 =	simm.s32 $0x1BFF;
	s19 =	sshll.u32 s7, $0x1;
	s4 =	sadd.s32 s5, s17  }
0x9c: {  	s8 =	simm.s32 $0x0;
	s18 =	sshll.u32 s6, $0x1;
	s6 =	sadd.s32 s19, s4  }
0x9d: {  	[timem:s8], [sflag:s20] =	dma.local [hbm:s6], s18  }
0x9e: {  	_ =	swait.ge [sflag:s20], s18  }
0x9f: {  	s5 =	ssub.s32 $0x0, s18;
	[sflag:s20] =	ssyncset.done $0x0  }
0xa0: {  	[sflag:s20] =	ssyncadd.s32 s5;
	_ =	sdelay $0x1  }
0xa1: {  	s21 =	simm.s32 $0x1B8B  }
0xa2: {  	_ =	swait.ge [sflag:s21], $0x1  }
0xa3: {  	[sflag:s21] =	ssyncset.done $0x0  }
0xa4: {  	s23 =	simm.s32 $0x1B8E;
	s22 =	sld [smem:$0x3FFE];
	[sflag:s21] =	ssyncadd.s32 $0xFFFFFFFF  }
0xa5: {  	s24 =	simm.s32 $execute0_lowered;
	[smem:$0x3FD2] =	sst s23  }
0xa6: {  	s6 =	sshll.u32 s24, $0x1;
	_ =	strace $0x80000046;
	[dreg:$0x1] =	wrdreg $0xFFFFFFFF  }
0xa7: {  	s25 =	simm.s32 $_size_execute0_lowered;
	s4 =	sadd.s32 s4, s6;
	[dreg:$0x0] =	wrdreg $0x0  }
0xa8: {  	s6 =	sshll.u32 s25, $0x1;
	[dreg:$0x2] =	wrdreg s4  }
0xa9: {  	[dreg:$0x3] =	wrdreg s6  }
0xaa: {  	[dreg:$0x4] =	wrdreg $0xC0  }
0xab: {  	_ =	task [dreg:s8], $0x5FFFF  }
0xac: {  	[dreg:$0x1] =	wrdreg $0xFFFFFFFF  }
0xad: {  	[dreg:$0x0] =	wrdreg $0x60  }
0xae: {  	[dreg:$0x2] =	wrdreg s0  }
0xaf: {  	[dreg:$0x3] =	wrdreg s16  }
0xb0: {  	[dreg:$0x4] =	wrdreg s2  }
0xb1: {  	[dreg:$0x5] =	wrdreg s22  }
0xb2: {  	[dreg:$0x6] =	wrdreg s3  }
0xb3: {  	[dreg:$0x7] =	wrdreg $0x32800  }
0xb4: {  	[dreg:$0x8] =	wrdreg $0x9  }
0xb5: {  	_ =	task.clear_ibuf [dreg:s8], $0x9FFFF;
	_ =	strace $0x90000046  }
0xb6: {  	s26 =	simm.s32 $0x9;
	_ =	strace $0x80000048  }
0xb7: {  	_ =	swait.ge [sflag:s26], $0x1  }
0xb8: {  	[sflag:s26] =	ssyncadd.s32 $0xFFFFFFFF  }
0xb9: {  	_ =	strace $0x90000048  }
0xba: {  	_ =	sfence  }
0xbb: {  	s28 =	sld [smem:$0x0];
	_ =	sdelay $0x1  }
0xbc: {  	s29 =	srdreg.scid  }
0xbd: {  	s30 =	sshll.u32 s29, $0xD;
	s31 =	sshrl.u32 s29, $0x2  }
0xbe: {  	s1 =	sand.u32 $0x1, s29;
	s2 =	sand.u32 $0x4000, s30;
	s0 =	sadd.s32 s31, s28  }
0xbf: {  	s1 =	sor.u32 s2, s1;
	s0 =	sshll.u32 s0, $0x11  }
0xc0: {  	s0 =	sor.u32 s0, s1  }
0xc1: {  	s0 =	sadd.s32 $0x8F2B, s0  }
0xc2: {  	[sflag:s0] =	ssyncadd.remote.s32 $0x1  }
0xc3: {  	_ =	sfence.sel $0xFFFF  }
0xc4: {  	[dreg:$0x0] =	wrdreg $0xFFFFFFFF;
	(pc) =	sbr.abs _section_cstart, $3  }
0xc5: {  	[dreg:$0x1] =	wrdreg $0xFFFFFFFF  }
0xc6: {  	_ =	task.clear_ibuf [dreg:s8], $0x2FFFF;
	_ =	strace $0x9FFFFFFF  }
0xc7: {  	(tm) =	ssettm $0x7FFFFFFF  }
tec
execute0_lowered:
.L_overlay_start_1:
0x0: {  	(tag) =	ssettag $0x1  }
0x1: {  	s5 =	rddreg [dreg:$0x0]  }
0x2: {  	s9 =	rddreg [dreg:$0x1]  }
0x3: {  	s8 =	rddreg [dreg:$0x2];
	s4 =	stileid.u32  }
0x4: {  	s1 =	rddreg [dreg:$0x3];
	s6 =	simm.s32 $0x0;
	s2 =	sshll.u32 s4, $0x2  }
0x5: {  	[smem:$0x7FF] =	sst s6;
	s1 =	sadd.s32 s2, s1  }
0x6: {  	s0 =	rddreg [dreg:$0x5];
	_ =	strace $0x80000047;
	s2 =	sadd.s32 $0xC00, s1  }
0x7: {  	[tilespmem:s6], [sflag:$0x1] =	stream.linear.gather [hbm4b:s2+s6], $0x30, $0x38;
	[tilespmem:$0x3350] =	vst v63  }
0x8: {  	s7 =	simm.s32 $0x80;
	s10 =	sadd.s32 $0xE00, s1  }
0x9: {  	[tilespmem:s7], [sflag:$0x1] =	stream.linear.gather [hbm4b:s10+s6], $0x30, $0x38;
	[tilespmem:$0x3350] =	vst v63  }
0xa: {  	s3 =	simm.s32 $0x100;
	s11 =	sadd.s32 $0x1000, s1  }
0xb: {  	[tilespmem:s3], [sflag:$0x1] =	stream.linear.gather [hbm4b:s11+s6], $0x30, $0x38;
	[tilespmem:$0x3350] =	vst v63  }
0xc: {  	s13 =	simm.s32 $0x180;
	s12 =	sadd.s32 $0x1200, s1  }
0xd: {  	[tilespmem:s13], [sflag:$0x1] =	stream.linear.gather [hbm4b:s12+s6], $0x30, $0x38;
	[tilespmem:$0x3350] =	vst v63  }
0xe: {  	s15 =	simm.s32 $0x200;
	s14 =	sadd.s32 $0x1400, s1  }
0xf: {  	[tilespmem:s15], [sflag:$0x1] =	stream.linear.gather [hbm4b:s14+s6], $0x30, $0x38;
	[tilespmem:$0x3350] =	vst v63  }
0x10: {  	s16 =	simm.s32 $0x280;
	s17 =	simm.s32 $0x1;
	s1 =	sadd.s32 $0x1600, s1  }
0x11: {  	[tilespmem:s16], [sflag:$0x1] =	stream.linear.gather [hbm4b:s1+s6], $0x30, $0x38;
	[tilespmem:$0x3350] =	vst v63  }
0x12: {  	_ =	swait.ge [sflag:s17], $0x30  }
0x13: {  	[sflag:s17] =	ssyncset.done $0x0  }
0x14: {  	[sflag:s17] =	ssyncadd.s32 $0xFFFFFFD0  }
0x15: {  	_ =	swait.ge [sflag:s17], $0x30  }
0x16: {  	[sflag:s17] =	ssyncset.done $0x0  }
0x17: {  	[sflag:s17] =	ssyncadd.s32 $0xFFFFFFD0  }
0x18: {  	_ =	swait.ge [sflag:s17], $0x30  }
0x19: {  	[sflag:s17] =	ssyncset.done $0x0  }
0x1a: {  	[sflag:s17] =	ssyncadd.s32 $0xFFFFFFD0  }
0x1b: {  	_ =	swait.ge [sflag:s17], $0x30  }
0x1c: {  	[sflag:s17] =	ssyncset.done $0x0  }
0x1d: {  	[sflag:s17] =	ssyncadd.s32 $0xFFFFFFD0  }
0x1e: {  	_ =	swait.ge [sflag:s17], $0x30  }
0x1f: {  	[sflag:s17] =	ssyncset.done $0x0  }
0x20: {  	[sflag:s17] =	ssyncadd.s32 $0xFFFFFFD0  }
0x21: {  	_ =	swait.ge [sflag:s17], $0x30  }
0x22: {  	[sflag:s17] =	ssyncset.done $0x0  }
0x23: {  	[sflag:s17] =	ssyncadd.s32 $0xFFFFFFD0  }
0x24: {  	v10 =	vld [tilespmem:$0x0]  }
0x25: {  	v11 =	vld [tilespmem:$0x80]  }
0x26: {  	v3 =	vld [tilespmem:$0x100]  }
0x27: {  	v4 =	vld [tilespmem:$0x180]  }
0x28: {  	v0 =	vld [tilespmem:$0x200];
	_ =	sdelay $0x2  }
0x29: {  	v1 =	vshll.u32 v10, $0xC;
	v2 =	vshll.u32 v11, $0x3  }
0x2a: {  	v6 =	vshll.u32 v10, $0x7;
	v7 =	vand.u32 $0x7F, v11;
	v53 =	vshll.u32 v3, $0xC  }
0x2b: {  	v8 =	vshll.u32 v4, $0x3;
	v12 =	vshll.u32 v3, $0x7;
	v56 =	vshll.u32 v0, $0xC  }
0x2c: {  	v59 =	vshll.u32 v0, $0x7;
	v13 =	vand.u32 $0x7F, v4;
	vm0 =	vne.s32 v3, v10  }
0x2d: {  	v21 =	vsub.s32 v4, v11;
	vm1 =	vne.s32 v4, v11;
	v5 =	vand.u32 $0xFFFFFC00, v2;
	v2 =	vld [tilespmem:$0x280]  }
0x2e: {  	vm11 =	vne.s32 v0, v10;
	v1 =	vand.u32 $0xFFFF8000, v1;
	v52 =	vand.u32 $0x380, v6;
	v6 =	vld [tilespmem:$0x90]  }
0x2f: {  	v9 =	vand.u32 $0xFFFF8000, v53;
	v8 =	vand.u32 $0xFFFFFC00, v8;
	v1 =	vadd.s32 v1, v5  }
0x30: {  	v55 =	vand.u32 $0x380, v12;
	v54 =	vadd.s32 v9, v8;
	v1 =	vor.u32 v52, v1  }
0x31: {  	v58 =	vand.u32 $0xFFFF8000, v56;
	v5 =	vld [tilespmem:$0x10];
	v16 =	vor.u32 v7, v1;
	v1 =	vor.u32 v55, v54  }
0x32: {  	v12 =	vand.u32 $0x380, v59;
	v21 =	vshra.s32 v21, $0x1F;
	v18 =	vor.u32 v13, v1  }
0x33: {  	v7 =	vld [tilespmem:$0x110];
	v13 =	vsub.s32 v3, v10;
	v57 =	vshll.u32 v2, $0x3;
	v14 =	vshll.u32 v6, $0x3  }
0x34: {  	v19 =	vand.u32 $0x7F, v2;
	v63 =	vand.u32 $0x7F, v6;
	v31 =	vshra.s32 v13, $0x1F  }
0x35: {  	v56 =	vsub.s32 v2, v11;
	vm12 =	vne.s32 v2, v11;
	v8 =	vand.u32 $0xFFFFFC00, v57  }
0x36: {  	v1 =	vld [tilespmem:$0x290];
	v60 =	vshll.u32 v5, $0xC;
	v14 =	vand.u32 $0xFFFFFC00, v14;
	v17 =	vshll.u32 v5, $0x7  }
0x37: {  	v9 =	vadd.s32 v58, v8;
	v8 =	vld [tilespmem:$0x190];
	v15 =	vand.u32 $0xFFFF8000, v60;
	v61 =	vand.u32 $0x380, v17  }
0x38: {  	v12 =	vor.u32 v12, v9;
	v9 =	vld [tilespmem:$0x210];
	v14 =	vadd.s32 v15, v14;
	v23 =	vshll.u32 v7, $0xC  }
0x39: {  	v20 =	vshll.u32 v7, $0x7;
	vm13 =	vne.s32 v7, v5;
	v17 =	vor.u32 v19, v12  }
0x3a: {  	v62 =	vor.u32 v61, v14;
	v14 =	vand.u32 $0xFFFF8000, v23;
	v26 =	vand.u32 $0x380, v20  }
0x3b: {  	v30 =	vshll.u32 v1, $0x3;
	v36 =	vand.u32 $0x7F, v1;
	vm4 =	vne.s32 v1, v6  }
0x3c: {  	v19 =	vor.u32 v63, v62;
	v24 =	vshll.u32 v8, $0x3;
	v27 =	vand.u32 $0x7F, v8  }
0x3d: {  	vm14 =	vne.s32 v8, v6;
	v15 =	vand.u32 $0xFFFFFC00, v24;
	v28 =	vshll.u32 v9, $0xC  }
0x3e: {  	v24 =	vimm.s32 $0x0;
	v33 =	vshll.u32 v9, $0x7;
	vm15 =	vne.s32 v9, v5  }
0x3f: {  	v25 =	vadd.s32 v14, v15;
	v29 =	vand.u32 $0xFFFF8000, v28;
	v22 =	vsel vm0, $0x1, v24  }
0x40: {  	v23 =	vsel vm1, $0x1, v24;
	v14 =	vand.u32 $0xFFFFFC00, v30;
	v55 =	vsel vm11, $0x1, v24  }
0x41: {  	v57 =	vsel vm12, $0x1, v24;
	v12 =	vor.u32 v26, v25;
	v15 =	vor.u32 v22, v31  }
0x42: {  	v21 =	vor.u32 v23, v21;
	v22 =	vand.u32 $0x380, v33;
	v33 =	vsel vm13, $0x1, v24  }
0x43: {  	v20 =	vor.u32 v27, v12;
	v12 =	vadd.s32 v29, v14;
	v32 =	vadd.s32 v3, v15  }
0x44: {  	v23 =	vadd.s32 v4, v21;
	v38 =	vshll.u32 v15, $0x1;
	v39 =	vshll.u32 v21, $0x1  }
0x45: {  	v15 =	vmul.u32 $0x3, v15;
	v43 =	vmul.u32 $0x3, v21;
	v25 =	vshrl.u32 v32, $0x13  }
0x46: {  	v26 =	vshrl.u32 v23, $0x13;
	v12 =	vor.u32 v22, v12;
	v14 =	vshll.u32 v32, $0x7  }
0x47: {  	v25 =	vand.u32 $0x1000, v25;
	v26 =	vand.u32 $0x1000, v26;
	v22 =	vor.u32 v36, v12  }
0x48: {  	v14 =	vand.u32 $0x380, v14;
	v45 =	vadd.s32 v3, v15;
	v47 =	vadd.s32 v4, v43  }
0x49: {  	v34 =	vadd.s32 v32, v25;
	v35 =	vadd.s32 v23, v26;
	v26 =	vadd.s32 v4, v39  }
0x4a: {  	v23 =	vand.u32 $0x7F, v23;
	v48 =	vshrl.u32 v45, $0x13;
	v49 =	vshrl.u32 v47, $0x13  }
0x4b: {  	v27 =	vshll.u32 v34, $0xC;
	v25 =	vshll.u32 v35, $0x3;
	v28 =	vshrl.u32 v26, $0x13  }
0x4c: {  	v51 =	vand.u32 $0x1000, v49;
	v37 =	vand.u32 $0xFFFF8000, v27;
	v25 =	vand.u32 $0xFFFFFC00, v25  }
0x4d: {  	v42 =	vand.u32 $0x1000, v28;
	v12 =	vadd.s32 v37, v25;
	v25 =	vadd.s32 v3, v38  }
0x4e: {  	v34 =	vsel vm14, $0x1, v24;
	v27 =	vadd.s32 v26, v42;
	v40 =	vshrl.u32 v25, $0x13  }
0x4f: {  	v26 =	vand.u32 $0x7F, v26;
	v12 =	vor.u32 v14, v12;
	v41 =	vand.u32 $0x1000, v40  }
0x50: {  	v27 =	vshll.u32 v27, $0x3;
	v46 =	vshll.u32 v25, $0x7;
	v14 =	vadd.s32 v25, v41  }
0x51: {  	v27 =	vand.u32 $0xFFFFFC00, v27;
	v21 =	vor.u32 v23, v12;
	v14 =	vshll.u32 v14, $0xC  }
0x52: {  	v15 =	vand.u32 $0x380, v46;
	v23 =	vand.u32 $0x1000, v48;
	v14 =	vand.u32 $0xFFFF8000, v14  }
0x53: {  	v50 =	vadd.s32 v45, v23;
	v25 =	vand.u32 $0x7F, v47;
	v44 =	vadd.s32 v14, v27  }
0x54: {  	v27 =	vadd.s32 v47, v51;
	v14 =	vshll.u32 v45, $0x7;
	v12 =	vor.u32 v15, v44  }
0x55: {  	v15 =	vshll.u32 v50, $0xC;
	v52 =	vshll.u32 v27, $0x3;
	v27 =	vshra.s32 v56, $0x1F  }
0x56: {  	v14 =	vand.u32 $0x380, v14;
	v44 =	vsub.s32 v8, v6;
	v23 =	vor.u32 v26, v12  }
0x57: {  	v15 =	vand.u32 $0xFFFF8000, v15;
	v53 =	vand.u32 $0xFFFFFC00, v52;
	v12 =	vsub.s32 v0, v10  }
0x58: {  	v27 =	vor.u32 v57, v27;
	v15 =	vadd.s32 v15, v53;
	v54 =	vshra.s32 v12, $0x1F  }
0x59: {  	v30 =	vadd.s32 v2, v27;
	v31 =	vshll.u32 v27, $0x1;
	v27 =	vmul.u32 $0x3, v27  }
0x5a: {  	v26 =	vor.u32 v55, v54;
	v14 =	vor.u32 v14, v15;
	v60 =	vshrl.u32 v30, $0x13  }
0x5b: {  	v31 =	vadd.s32 v2, v31;
	v29 =	vadd.s32 v0, v26;
	v25 =	vor.u32 v25, v14  }
0x5c: {  	v62 =	vshll.u32 v26, $0x1;
	v32 =	vshrl.u32 v31, $0x13;
	v26 =	vmul.u32 $0x3, v26  }
0x5d: {  	v39 =	vand.u32 $0x7F, v31;
	v27 =	vadd.s32 v2, v27;
	v58 =	vshrl.u32 v29, $0x13  }
0x5e: {  	v32 =	vand.u32 $0x1000, v32;
	v41 =	vshrl.u32 v27, $0x13;
	v28 =	vand.u32 $0x1000, v58  }
0x5f: {  	v32 =	vadd.s32 v31, v32;
	v26 =	vadd.s32 v0, v26;
	v31 =	vshra.s32 v44, $0x1F  }
0x60: {  	v59 =	vadd.s32 v29, v28;
	v28 =	vand.u32 $0x1000, v60;
	v29 =	vshll.u32 v29, $0x7  }
0x61: {  	v35 =	vshll.u32 v32, $0x3;
	v38 =	vshrl.u32 v26, $0x13;
	v31 =	vor.u32 v34, v31  }
0x62: {  	v15 =	vshll.u32 v59, $0xC;
	v61 =	vadd.s32 v30, v28;
	v28 =	vadd.s32 v0, v62  }
0x63: {  	v29 =	vand.u32 $0x380, v29;
	v30 =	vand.u32 $0x7F, v30;
	v14 =	vshll.u32 v61, $0x3  }
0x64: {  	v15 =	vand.u32 $0xFFFF8000, v15;
	v63 =	vshrl.u32 v28, $0x13;
	v14 =	vand.u32 $0xFFFFFC00, v14  }
0x65: {  	v34 =	vadd.s32 v8, v31;
	v14 =	vadd.s32 v15, v14;
	v15 =	vand.u32 $0x1000, v63  }
0x66: {  	v51 =	vshll.u32 v31, $0x1;
	v31 =	vmul.u32 $0x3, v31;
	v15 =	vadd.s32 v28, v15  }
0x67: {  	v14 =	vor.u32 v29, v14;
	v29 =	vand.u32 $0xFFFFFC00, v35;
	v28 =	vshll.u32 v28, $0x7  }
0x68: {  	v35 =	vshrl.u32 v34, $0x13;
	v15 =	vshll.u32 v15, $0xC;
	v36 =	vand.u32 $0x380, v28  }
0x69: {  	v28 =	vor.u32 v30, v14;
	v14 =	vsub.s32 v7, v5;
	v35 =	vand.u32 $0x1000, v35  }
0x6a: {  	v15 =	vand.u32 $0xFFFF8000, v15;
	v43 =	vshra.s32 v14, $0x1F;
	v35 =	vadd.s32 v34, v35  }
0x6b: {  	v34 =	vand.u32 $0x7F, v34;
	v15 =	vadd.s32 v15, v29;
	v30 =	vor.u32 v33, v43  }
0x6c: {  	v47 =	vshll.u32 v35, $0x3;
	v43 =	vsel vm4, $0x1, v24;
	v37 =	vor.u32 v36, v15  }
0x6d: {  	v15 =	vand.u32 $0x1000, v38;
	v33 =	vadd.s32 v7, v30;
	v49 =	vshll.u32 v30, $0x1  }
0x6e: {  	v30 =	vmul.u32 $0x3, v30;
	v38 =	vadd.s32 v8, v31;
	v32 =	vor.u32 v39, v37  }
0x6f: {  	v40 =	vadd.s32 v26, v15;
	v15 =	vand.u32 $0x1000, v41;
	v45 =	vshrl.u32 v33, $0x13  }
0x70: {  	v26 =	vshll.u32 v26, $0x7;
	v50 =	vshll.u32 v33, $0x7;
	v58 =	vshrl.u32 v38, $0x13  }
0x71: {  	v41 =	vsub.s32 v1, v6;
	v42 =	vshll.u32 v40, $0xC;
	v15 =	vadd.s32 v27, v15  }
0x72: {  	v26 =	vand.u32 $0x380, v26;
	v27 =	vand.u32 $0x7F, v27;
	v37 =	vadd.s32 v7, v30  }
0x73: {  	v60 =	vand.u32 $0x1000, v58;
	v41 =	vshra.s32 v41, $0x1F;
	v15 =	vshll.u32 v15, $0x3  }
0x74: {  	v29 =	vand.u32 $0xFFFF8000, v42;
	v56 =	vshrl.u32 v37, $0x13;
	v15 =	vand.u32 $0xFFFFFC00, v15  }
0x75: {  	v61 =	vadd.s32 v38, v60;
	v15 =	vadd.s32 v29, v15;
	v29 =	vand.u32 $0x1000, v45  }
0x76: {  	v42 =	vsel vm15, $0x1, v24;
	v41 =	vor.u32 v43, v41;
	v29 =	vadd.s32 v33, v29  }
0x77: {  	v43 =	vadd.s32 v1, v41;
	v15 =	vor.u32 v26, v15;
	v46 =	vshll.u32 v29, $0xC  }
0x78: {  	v35 =	vor.u32 v27, v15;
	v27 =	vand.u32 $0x380, v50;
	v50 =	vshll.u32 v37, $0x7  }
0x79: {  	[tilespmem:$0x320] =	vst v18;
	v29 =	vand.u32 $0xFFFFFC00, v47;
	v26 =	vand.u32 $0xFFFF8000, v46;
	v18 =	vand.u32 $0x380, v50  }
0x7a: {  	v48 =	vadd.s32 v26, v29;
	v26 =	vadd.s32 v7, v49;
	v29 =	vadd.s32 v8, v51  }
0x7b: {  	v52 =	vshrl.u32 v26, $0x13;
	v15 =	vor.u32 v27, v48;
	v54 =	vshrl.u32 v29, $0x13  }
0x7c: {  	v57 =	vand.u32 $0x7F, v29;
	v53 =	vand.u32 $0x1000, v52;
	v33 =	vand.u32 $0x1000, v54  }
0x7d: {  	v48 =	vshll.u32 v61, $0x3;
	v27 =	vadd.s32 v26, v53;
	v55 =	vadd.s32 v29, v33  }
0x7e: {  	[tilespmem:$0x300] =	vst v16;
	v16 =	vld [tilespmem:$0x291];
	v36 =	vor.u32 v34, v15;
	v27 =	vshll.u32 v27, $0xC;
	v15 =	vshll.u32 v55, $0x3  }
0x7f: {  	[tilespmem:$0x340] =	vst v17;
	v17 =	vld [tilespmem:$0x111];
	v26 =	vshll.u32 v26, $0x7;
	v27 =	vand.u32 $0xFFFF8000, v27;
	v15 =	vand.u32 $0xFFFFFC00, v15  }
0x80: {  	[tilespmem:$0x310] =	vst v19;
	v19 =	vld [tilespmem:$0x191];
	v44 =	vand.u32 $0xFFFFFC00, v48;
	v26 =	vand.u32 $0x380, v26;
	v15 =	vadd.s32 v27, v15  }
0x81: {  	v31 =	vld [tilespmem:$0x91];
	v52 =	vshrl.u32 v43, $0x13;
	v15 =	vor.u32 v26, v15;
	v26 =	vand.u32 $0x1000, v56  }
0x82: {  	v30 =	vld [tilespmem:$0x11];
	v39 =	vor.u32 v57, v15;
	v59 =	vadd.s32 v37, v26;
	v15 =	vsub.s32 v9, v5  }
0x83: {  	v24 =	vld [tilespmem:$0x281];
	v55 =	vand.u32 $0x7F, v38;
	v62 =	vshll.u32 v59, $0xC;
	v40 =	vshra.s32 v15, $0x1F  }
0x84: {  	v34 =	vld [tilespmem:$0x81];
	v59 =	vshll.u32 v41, $0x1;
	v41 =	vmul.u32 $0x3, v41;
	v63 =	vand.u32 $0xFFFF8000, v62  }
0x85: {  	v33 =	vld [tilespmem:$0x1];
	v40 =	vor.u32 v42, v40;
	v38 =	vadd.s32 v1, v59;
	v49 =	vadd.s32 v63, v44  }
0x86: {  	v29 =	vld [tilespmem:$0x181];
	v42 =	vadd.s32 v9, v40;
	v44 =	vand.u32 $0x1000, v52;
	v58 =	vshll.u32 v40, $0x1  }
0x87: {  	[tilespmem:$0x330] =	vst v20;
	v27 =	vld [tilespmem:$0x201];
	v61 =	vshrl.u32 v38, $0x13;
	v40 =	vmul.u32 $0x3, v40;
	v51 =	vshrl.u32 v42, $0x13  }
0x88: {  	s18 =	simm.s32 $0x60;
	s19 =	simm.s32 $0x300;
	s20 =	simm.s32 $0x480;
	[tilespmem:$0x350] =	vst v22;
	v26 =	vld [tilespmem:$0x101];
	v45 =	vor.u32 v18, v49;
	v54 =	vadd.s32 v43, v44;
	v37 =	vand.u32 $0x1000, v51  }
0x89: {  	v18 =	vld [tilespmem:$0x211];
	[tilespmem:s20], [sflag:$0x1] =	stream.indirect.gather [hbm4b:s5+s18], $0x1, s19, s18, $0xb8;
	v63 =	vand.u32 $0x1000, v61;
	v43 =	vand.u32 $0x7F, v43;
	v53 =	vadd.s32 v42, v37  }
0x8a: {  	s21 =	simm.s32 $0x40;
	s22 =	simm.s32 $0x320;
	s23 =	simm.s32 $0x600;
	v20 =	vor.u32 v55, v45;
	v37 =	vshll.u32 v54, $0x3;
	v56 =	vshll.u32 v53, $0xC  }
0x8b: {  	v44 =	vadd.s32 v38, v63;
	[tilespmem:s23], [sflag:$0x1] =	stream.indirect.gather [hbm4b:s9+s21], $0x1, s22, s21, $0xb8;
	v37 =	vand.u32 $0xFFFFFC00, v37;
	v57 =	vand.u32 $0xFFFF8000, v56;
	[tilespmem:$0x3350] =	vst v63  }
0x8c: {  	s24 =	simm.s32 $0x640;
	v50 =	vadd.s32 v9, v40;
	v22 =	vadd.s32 v57, v37;
	v37 =	vadd.s32 v9, v58  }
0x8d: {  	v51 =	vadd.s32 v1, v41;
	v42 =	vshll.u32 v42, $0x7;
	[tilespmem:s24], [sflag:$0x1] =	stream.indirect.gather [hbm4b:s8+s21], $0x1, s22, s21, $0xb8;
	v60 =	vshrl.u32 v37, $0x13;
	[tilespmem:$0x3350] =	vst v63  }
0x8e: {  	v49 =	vshll.u32 v44, $0x3;
	v42 =	vand.u32 $0x380, v42;
	[tilespmem:$0x360] =	vst v21;
	v62 =	vand.u32 $0x1000, v60  }
0x8f: {  	v52 =	vshrl.u32 v50, $0x13;
	[tilespmem:$0x380] =	vst v23;
	v22 =	vor.u32 v42, v22;
	v42 =	vadd.s32 v37, v62  }
0x90: {  	v53 =	vshrl.u32 v51, $0x13;
	v56 =	vand.u32 $0x7F, v38;
	[tilespmem:$0x3A0] =	vst v25;
	v48 =	vshll.u32 v42, $0xC  }
0x91: {  	v23 =	vand.u32 $0xFFFFFC00, v49;
	[tilespmem:$0x3C0] =	vst v28;
	v28 =	vand.u32 $0x1000, v53;
	v21 =	vand.u32 $0xFFFF8000, v48  }
0x92: {  	[tilespmem:$0x3E0] =	vst v32;
	v25 =	vshll.u32 v50, $0x7;
	v21 =	vadd.s32 v21, v23;
	v23 =	vand.u32 $0x1000, v52  }
0x93: {  	[tilespmem:$0x400] =	vst v35;
	v54 =	vshll.u32 v37, $0x7;
	v28 =	vadd.s32 v51, v28;
	v23 =	vadd.s32 v50, v23  }
0x94: {  	[tilespmem:$0x370] =	vst v36;
	v25 =	vand.u32 $0x380, v25;
	v28 =	vshll.u32 v28, $0x3;
	v23 =	vshll.u32 v23, $0xC  }
0x95: {  	[tilespmem:$0x390] =	vst v39;
	v32 =	vand.u32 $0x380, v54;
	v28 =	vand.u32 $0xFFFFFC00, v28;
	v23 =	vand.u32 $0xFFFF8000, v23  }
0x96: {  	[tilespmem:$0x3B0] =	vst v20;
	v22 =	vor.u32 v43, v22;
	v21 =	vor.u32 v32, v21;
	v55 =	vadd.s32 v23, v28  }
0x97: {  	v57 =	vand.u32 $0x7F, v51;
	[tilespmem:$0x3D0] =	vst v22;
	v21 =	vor.u32 v56, v21;
	v20 =	vor.u32 v25, v55  }
0x98: {  	[tilespmem:$0x3F0] =	vst v21;
	v20 =	vor.u32 v57, v20  }
0x99: {  	s25 =	simm.s32 $0x360;
	s26 =	simm.s32 $0x4E0;
	[tilespmem:$0x410] =	vst v20  }
0x9a: {  	[tilespmem:s26], [sflag:$0x1] =	stream.indirect.gather [hbm4b:s5+s7], $0x1, s25, s7, $0xb8;
	[tilespmem:$0x3350] =	vst v63  }
0x9b: {  	s28 =	simm.s32 $0x3E0;
	s29 =	simm.s32 $0x560  }
0x9c: {  	[tilespmem:s29], [sflag:$0x1] =	stream.indirect.gather [hbm4b:s5+s21], $0x1, s28, s21, $0xb8;
	[tilespmem:$0x3350] =	vst v63  }
0x9d: {  	_ =	swait.ge [sflag:s17], $0x60  }
0x9e: {  	[sflag:s17] =	ssyncset.done $0x0  }
0x9f: {  	[sflag:s17] =	ssyncadd.s32 $0xFFFFFFA0  }
0xa0: {  	_ =	swait.ge [sflag:s17], $0x40  }
0xa1: {  	[sflag:s17] =	ssyncset.done $0x0  }
0xa2: {  	[sflag:s17] =	ssyncadd.s32 $0xFFFFFFC0  }
0xa3: {  	_ =	swait.ge [sflag:s17], $0x40  }
0xa4: {  	[sflag:s17] =	ssyncset.done $0x0  }
0xa5: {  	v6 =	vsub.s32 v31, v6;
	v2 =	vsub.s32 v24, v2;
	v4 =	vsub.s32 v29, v4;
	[sflag:s17] =	ssyncadd.s32 $0xFFFFFFC0  }
0xa6: {  	v5 =	vsub.s32 v30, v5;
	v0 =	vsub.s32 v27, v0;
	v3 =	vsub.s32 v26, v3;
	_ =	swait.ge [sflag:s17], $0x80  }
0xa7: {  	v46 =	vsub.s32 $0x0, v4;
	v47 =	vsub.s32 $0x0, v0;
	v45 =	vsub.s32 $0x0, v3;
	[sflag:s17] =	ssyncset.done $0x0  }
0xa8: {  	v4 =	vmin.u32 v4, v46;
	v0 =	vmin.u32 v0, v47;
	v3 =	vmin.u32 v3, v45;
	[sflag:s17] =	ssyncadd.s32 $0xFFFFFF80  }
0xa9: {  	v1 =	vsub.s32 v16, v1;
	v3 =	vadd.s32 v3, v4;
	v36 =	vsub.s32 v33, v10;
	_ =	swait.ge [sflag:s17], $0x40  }
0xaa: {  	v39 =	vsub.s32 $0x0, v13;
	v10 =	vimm.f32 $0.0e+00;
	v49 =	vsub.s32 $0x0, v2;
	[sflag:s17] =	ssyncset.done $0x0  }
0xab: {  	v9 =	vsub.s32 v18, v9;
	v13 =	vmin.u32 v13, v39;
	v2 =	vmin.u32 v2, v49;
	[sflag:s17] =	ssyncadd.s32 $0xFFFFFFC0  }
0xac: {  	v51 =	vsub.s32 $0x0, v5;
	v26 =	vsub.s32 $0x0, v9;
	vm8 =	vgt.s32 v13, $0x1;
	v58 =	vld [tilespmem:$0x600]  }
0xad: {  	v43 =	vsub.s32 $0x0, v36;
	v0 =	vadd.s32 v0, v2;
	v53 =	vmin.u32 v5, v51;
	v59 =	vld [tilespmem:$0x620]  }
0xae: {  	v54 =	vsub.s32 $0x0, v6;
	v30 =	vmin.u32 v9, v26;
	v37 =	vsub.s32 v34, v11;
	v60 =	vld [tilespmem:$0x640]  }
0xaf: {  	v11 =	vsel vm8, $0x3F800000, v10;
	v4 =	vmin.u32 v6, v54;
	v34 =	vsub.s32 $0x0, v1;
	v61 =	vld [tilespmem:$0x660]  }
0xb0: {  	v0 =	vadd.s32 v30, v0;
	v44 =	vsub.s32 $0x0, v37;
	v1 =	vmin.u32 v1, v34;
	v62 =	vld [tilespmem:$0x610]  }
0xb1: {  	v22 =	vmin.u32 v37, v44;
	v44 =	vsub.s32 $0x0, v12;
	v20 =	vmin.u32 v36, v43;
	v63 =	vld [tilespmem:$0x630]  }
0xb2: {  	v0 =	vadd.s32 v1, v0;
	v12 =	vmin.u32 v12, v44;
	v20 =	vadd.s32 v20, v22;
	v38 =	vld [tilespmem:$0x650]  }
0xb3: {  	v0 =	vcvt.s32.f32 v0;
	vm13 =	vgt.s32 v12, $0x1;
	v2 =	vadd.s32 v53, v20;
	v40 =	vld [tilespmem:$0x670]  }
0xb4: {  	v12 =	vsel vm13, $0x3F800000, v10;
	v55 =	vsub.s32 v17, v7;
	v2 =	vadd.s32 v4, v2;
	v48 =	vld [tilespmem:$0x480]  }
0xb5: {  	v0 =	vmul.f32 $-1.999999960e-02, v0;
	v56 =	vsub.s32 $0x0, v55;
	v2 =	vcvt.s32.f32 v2;
	v50 =	vld [tilespmem:$0x4A0]  }
0xb6: {  	v57 =	vsub.s32 v19, v8;
	v4 =	vmin.u32 v55, v56;
	v56 =	vsub.s32 $0x0, v15;
	v52 =	vld [tilespmem:$0x4C0]  }
0xb7: {  	v3 =	vadd.s32 v4, v3;
	v2 =	vmul.f32 $2.999999930e-02, v2;
	v29 =	vld [tilespmem:$0x490];
	vm5 =	veq.s32 v58, $0x1  }
0xb8: {  	v32 =	vld [tilespmem:$0x4B0];
	vm6 =	veq.s32 v60, $0x1;
	vm2 =	veq.s32 v59, $0x1;
	vm7 =	veq.s32 v61, $0x1  }
0xb9: {  	v33 =	vld [tilespmem:$0x4D0];
	vm9 =	veq.s32 v62, $0x1;
	vm10 =	veq.s32 v38, $0x1;
	vm11 =	veq.s32 v63, $0x1  }
0xba: {  	vm12 =	veq.s32 v40, $0x1;
	v59 =	vsub.s32 $0x0, v57;
	v60 =	vmul.f32 $5.859375000e-03, v48  }
0xbb: {  	v27 =	vld [tilespmem:$0x540];
	v28 =	vmul.f32 $1.953125000e-03, v52;
	vm0 =	vmand vm5, vm6;
	vm1 =	vmand vm2, vm7  }
0xbc: {  	v36 =	vld [tilespmem:$0x560];
	v31 =	vadd.f32 v50, v50;
	v41 =	vsel vm0, $0x3F800000, v10;
	v42 =	vsel vm1, $0x3F800000, v10  }
0xbd: {  	v58 =	vld [tilespmem:$0x4E0];
	v35 =	vadd.f32 v52, v52;
	v13 =	vmul.f32 v41, v50;
	v62 =	vmul.f32 v42, v52  }
0xbe: {  	v61 =	vld [tilespmem:$0x500];
	v43 =	vmul.f32 $5.859375000e-03, v29;
	v45 =	vmul.f32 $1.953125000e-03, v33;
	v9 =	vadd.f32 v32, v32  }
0xbf: {  	v48 =	vld [tilespmem:$0x550];
	v25 =	vmin.u32 v57, v59;
	v8 =	vadd.f32 $0.0e+00, v60;
	v13 =	vadd.f32 v62, v13  }
0xc0: {  	v46 =	vld [tilespmem:$0x4F0];
	vm0 =	vmand vm9, vm10;
	vm1 =	vmand vm11, vm12;
	v39 =	vadd.f32 v27, v35  }
0xc1: {  	v47 =	vld [tilespmem:$0x510];
	v41 =	vsel vm0, $0x3F800000, v10;
	v8 =	vsub.f32 v8, v28;
	v13 =	vmul.f32 $1.953125000e-03, v13  }
0xc2: {  	v63 =	vld [tilespmem:$0x520];
	v42 =	vsel vm1, $0x3F800000, v10;
	v52 =	vadd.f32 v33, v33;
	v5 =	vadd.f32 v58, v31  }
0xc3: {  	v40 =	vld [tilespmem:$0x580];
	v7 =	vmul.f32 v41, v32;
	v37 =	vsub.f32 v8, v13;
	v8 =	vmul.f32 v42, v33  }
0xc4: {  	v3 =	vadd.s32 v25, v3;
	v55 =	vadd.f32 v48, v52;
	v38 =	vadd.f32 v61, v5  }
0xc5: {  	v49 =	vld [tilespmem:$0x530];
	v50 =	vsub.s32 $0x0, v14;
	v4 =	vadd.f32 v43, v37;
	v7 =	vadd.f32 v8, v7  }
0xc6: {  	v51 =	vld [tilespmem:$0x570];
	v3 =	vcvt.s32.f32 v3;
	v5 =	vadd.f32 v36, v39;
	v8 =	vadd.f32 v46, v9  }
0xc7: {  	v1 =	vadd.f32 v63, v38;
	v4 =	vsub.f32 v4, v45;
	v7 =	vmul.f32 $1.953125000e-03, v7  }
0xc8: {  	v53 =	vld [tilespmem:$0x590];
	v3 =	vmul.f32 $-9.999999770e-03, v3;
	v5 =	vadd.f32 v40, v5;
	v6 =	vadd.f32 v47, v8  }
0xc9: {  	v1 =	vmul.f32 v1, v11;
	v4 =	vsub.f32 v4, v7;
	v7 =	vmin.u32 v14, v50  }
0xca: {  	v5 =	vmul.f32 v5, v12;
	v6 =	vadd.f32 v49, v6;
	vm14 =	vgt.s32 v7, $0x1  }
0xcb: {  	v1 =	vadd.f32 $0.0e+00, v1;
	v8 =	vadd.f32 v51, v55;
	v54 =	vsel vm14, $0x3F800000, v10  }
0xcc: {  	v2 =	vadd.f32 v4, v2;
	v4 =	vmin.u32 v15, v56;
	v58 =	vmul.f32 v6, v54  }
0xcd: {  	v57 =	vadd.f32 v53, v8;
	vm15 =	vgt.s32 v4, $0x1;
	v61 =	vadd.f32 v54, v11  }
0xce: {  	v2 =	vadd.f32 v3, v2;
	v59 =	vsel vm15, $0x3F800000, v10;
	v1 =	vadd.f32 v58, v1  }
0xcf: {  	v60 =	vadd.f32 $0.0e+00, v5;
	v3 =	vmul.f32 v57, v59;
	v63 =	vadd.f32 v59, v12;
	[tilespmem:$0x780] =	vst v61  }
0xd0: {  	s30 =	smul.u32 $0xA00, s4;
	v0 =	vadd.f32 v0, v2;
	[tilespmem:$0x700] =	vst v1  }
0xd1: {  	v62 =	vadd.f32 v3, v60;
	[tilespmem:$0x880] =	vst v63  }
0xd2: {  	s1 =	sshrl.u32 s30, $0x2;
	[tilespmem:$0x680] =	vst v0  }
0xd3: {  	s31 =	simm.s32 $0x680;
	s1 =	sadd.s32 s1, s0;
	s7 =	simm.s32 $0x2;
	[tilespmem:$0x800] =	vst v62  }
0xd4: {  	[spmem:s1] =	stream.linear.scatter [tilespmem:s31], [sflag:$0x2], $0x280, $0x38;
	[tilespmem:$0x3350] =	vst v63  }
0xd5: {  	_ =	swait.ge [sflag:s7], $0x280  }
0xd6: {  	[sflag:s7] =	ssyncset.done $0x0  }
0xd7: {  	[sflag:s7] =	ssyncadd.s32 $0xFFFFFD80  }
0xd8: {  	p0 =	sne.s32 s4, $0x0;
	[bflag:$0x0] =	sbarrier.arrive $0xFFFF  }
0xd9: {  	_ =	sfence.sel @p0 $0x180000  }
0xda: {  	[bflag:$0x0] =	sbarrier.arrive @p0 $0xFFFF  }
0xdb: {  	_ =	strace @p0 $0x90000047  }
0xdc: {  	[bflag:$0x2] =	sbarrier.arrive @p0 $0xFFFF  }
0xdd: {  	_ =	shalt @p0  }
.LBB2_1:
0xde: {  	s1 =	simm.s32 $0xA80  }
0xdf: {  	[tilespmem:s1], [sflag:$0x2] =	stream.linear.gather [spmem:s0], $0x2800, $0x38;
	[tilespmem:$0x3350] =	vst v63  }
0xe0: {  	_ =	swait.ge [sflag:s7], $0x2800  }
0xe1: {  	[sflag:s7] =	ssyncset.done $0x0  }
0xe2: {  	[sflag:s7] =	ssyncadd.s32 $0xFFFFD800  }
0xe3: {  	v0 =	vld [tilespmem:$0xA80]  }
0xe4: {  	v1 =	vld [tilespmem:$0xD00];
	_ =	sdelay $0x1  }
0xe5: {  	v2 =	vld [tilespmem:$0xF80];
	_ =	sdelay $0x1  }
0xe6: {  	v3 =	vld [tilespmem:$0x1200]  }
0xe7: {  	v0 =	vadd.f32 v1, v0  }
0xe8: {  	v41 =	vld [tilespmem:$0x1480]  }
0xe9: {  	v0 =	vadd.f32 v2, v0  }
0xea: {  	v42 =	vld [tilespmem:$0x1700]  }
0xeb: {  	v0 =	vadd.f32 v3, v0  }
0xec: {  	v43 =	vld [tilespmem:$0x1980]  }
0xed: {  	v0 =	vadd.f32 v41, v0  }
0xee: {  	v44 =	vld [tilespmem:$0x1C00]  }
0xef: {  	v45 =	vld [tilespmem:$0x1E80];
	v0 =	vadd.f32 v42, v0  }
0xf0: {  	v4 =	vld [tilespmem:$0xB00]  }
0xf1: {  	v46 =	vld [tilespmem:$0xD80];
	v0 =	vadd.f32 v43, v0  }
0xf2: {  	v5 =	vld [tilespmem:$0x2100]  }
0xf3: {  	v47 =	vld [tilespmem:$0x1000];
	v0 =	vadd.f32 v44, v0  }
0xf4: {  	v6 =	vld [tilespmem:$0x2380]  }
0xf5: {  	v48 =	vld [tilespmem:$0x1280];
	v0 =	vadd.f32 v45, v0  }
0xf6: {  	v7 =	vld [tilespmem:$0x2600]  }
0xf7: {  	v49 =	vld [tilespmem:$0x1500];
	v3 =	vadd.f32 v46, v4;
	v0 =	vadd.f32 v5, v0  }
0xf8: {  	v50 =	vld [tilespmem:$0x2880]  }
0xf9: {  	v51 =	vld [tilespmem:$0x1780];
	v1 =	vadd.f32 v47, v3;
	v0 =	vadd.f32 v6, v0  }
0xfa: {  	v52 =	vld [tilespmem:$0x2B00]  }
0xfb: {  	v53 =	vld [tilespmem:$0x1A00];
	v1 =	vadd.f32 v48, v1;
	v0 =	vadd.f32 v7, v0  }
0xfc: {  	v54 =	vld [tilespmem:$0x2D80]  }
0xfd: {  	v55 =	vld [tilespmem:$0x1C80];
	v1 =	vadd.f32 v49, v1;
	v0 =	vadd.f32 v50, v0  }
0xfe: {  	v56 =	vld [tilespmem:$0x3000]  }
0xff: {  	v57 =	vld [tilespmem:$0x1F00];
	v1 =	vadd.f32 v51, v1;
	v0 =	vadd.f32 v52, v0  }
0x100: {  	v59 =	vld [tilespmem:$0xB80]  }
0x101: {  	v60 =	vld [tilespmem:$0xE00];
	v1 =	vadd.f32 v53, v1;
	v0 =	vadd.f32 v54, v0  }
0x102: {  	v58 =	vld [tilespmem:$0x2180]  }
0x103: {  	v62 =	vld [tilespmem:$0x1080];
	v1 =	vadd.f32 v55, v1;
	v0 =	vadd.f32 v56, v0  }
0x104: {  	v61 =	vld [tilespmem:$0x2400]  }
0x105: {  	v9 =	vld [tilespmem:$0x1300];
	v1 =	vadd.f32 v57, v1;
	(v2sf) =	vpush v0, $0x0  }
0x106: {  	v63 =	vld [tilespmem:$0x2680];
	v4 =	vadd.f32 v60, v59;
	(v2sf) =	vpush v0, $0x1  }
0x107: {  	v11 =	vld [tilespmem:$0x1580];
	v1 =	vadd.f32 v58, v1;
	(v2sf) =	vpush v0, $0x2  }
0x108: {  	v10 =	vld [tilespmem:$0x2900];
	v3 =	vadd.f32 v62, v4;
	(v2sf) =	vpush v0, $0x3  }
0x109: {  	v13 =	vld [tilespmem:$0x1800];
	v1 =	vadd.f32 v61, v1;
	(v2sf) =	vpush v0, $0x4  }
0x10a: {  	v12 =	vld [tilespmem:$0x2B80];
	v2 =	vadd.f32 v9, v3;
	(v2sf) =	vpush v0, $0x5  }
0x10b: {  	v15 =	vld [tilespmem:$0x1A80];
	v1 =	vadd.f32 v63, v1;
	(v2sf) =	vpush v0, $0x6  }
0x10c: {  	v14 =	vld [tilespmem:$0x2E00];
	v2 =	vadd.f32 v11, v2;
	(v2sf) =	vpush v0, $0x7  }
0x10d: {  	v17 =	vld [tilespmem:$0x1D00];
	v1 =	vadd.f32 v10, v1;
	(v2sf) =	vpush v0, $0x8  }
0x10e: {  	v16 =	vld [tilespmem:$0x3080];
	v2 =	vadd.f32 v13, v2;
	(v2sf) =	vpush v0, $0x9  }
0x10f: {  	v18 =	vld [tilespmem:$0x1F80];
	v1 =	vadd.f32 v12, v1;
	(v2sf) =	vpush v0, $0xA  }
0x110: {  	v19 =	vld [tilespmem:$0xC00];
	v2 =	vadd.f32 v15, v2;
	(v2sf) =	vpush v0, $0xB  }
0x111: {  	v20 =	vld [tilespmem:$0xE80];
	v1 =	vadd.f32 v14, v1;
	(v2sf) =	vpush v0, $0xC  }
0x112: {  	v21 =	vld [tilespmem:$0x2200];
	v2 =	vadd.f32 v17, v2;
	(v2sf) =	vpush v0, $0xD  }
0x113: {  	v22 =	vld [tilespmem:$0x1100];
	v1 =	vadd.f32 v16, v1;
	(v2sf) =	vpush v0, $0xE  }
0x114: {  	v23 =	vld [tilespmem:$0x2480];
	s6 =	spop (v2sf);
	(v2sf) =	vpush v0, $0xF  }
0x115: {  	v24 =	vld [tilespmem:$0x1380];
	v2 =	vadd.f32 v18, v2;
	s9 =	spop (v2sf);
	(v2sf) =	vpush v1, $0x0  }
0x116: {  	v25 =	vld [tilespmem:$0x2700];
	v3 =	vadd.f32 v20, v19;
	s8 =	spop (v2sf);
	(v2sf) =	vpush v1, $0x1  }
0x117: {  	v26 =	vld [tilespmem:$0x1600];
	v2 =	vadd.f32 v21, v2;
	s4 =	spop (v2sf);
	(v2sf) =	vpush v1, $0x2  }
0x118: {  	v27 =	vld [tilespmem:$0x2980];
	v3 =	vadd.f32 v22, v3;
	s10 =	spop (v2sf);
	(v2sf) =	vpush v1, $0x3  }
0x119: {  	v28 =	vld [tilespmem:$0x1880];
	v0 =	vadd.f32 v23, v2;
	s3 =	spop (v2sf);
	(v2sf) =	vpush v1, $0x4  }
0x11a: {  	v29 =	vld [tilespmem:$0x2C00];
	v3 =	vadd.f32 v24, v3;
	s30 =	spop (v2sf);
	(v2sf) =	vpush v1, $0x5  }
0x11b: {  	v30 =	vld [tilespmem:$0x1B00];
	v0 =	vadd.f32 v25, v0;
	s11 =	spop (v2sf);
	(v2sf) =	vpush v1, $0x6  }
0x11c: {  	v31 =	vld [tilespmem:$0x2E80];
	v3 =	vadd.f32 v26, v3;
	s28 =	spop (v2sf);
	(v2sf) =	vpush v1, $0x7  }
0x11d: {  	v32 =	vld [tilespmem:$0x1D80];
	v0 =	vadd.f32 v27, v0;
	s25 =	spop (v2sf);
	(v2sf) =	vpush v1, $0x8  }
0x11e: {  	v33 =	vld [tilespmem:$0x3100];
	v2 =	vadd.f32 v28, v3;
	s18 =	spop (v2sf);
	(v2sf) =	vpush v1, $0x9  }
0x11f: {  	v34 =	vld [tilespmem:$0x2000];
	s9 =	sadd.f32 s9, s6;
	v0 =	vadd.f32 v29, v0;
	s5 =	spop (v2sf);
	(v2sf) =	vpush v1, $0xA  }
0x120: {  	v36 =	vld [tilespmem:$0xC80];
	v2 =	vadd.f32 v30, v2;
	s0 =	spop (v2sf);
	(v2sf) =	vpush v1, $0xB  }
0x121: {  	v37 =	vld [tilespmem:$0xF00];
	s9 =	sadd.f32 s9, s8;
	v0 =	vadd.f32 v31, v0;
	s1 =	spop (v2sf);
	(v2sf) =	vpush v1, $0xC  }
0x122: {  	v35 =	vld [tilespmem:$0x2280];
	v2 =	vadd.f32 v32, v2;
	s2 =	spop (v2sf);
	(v2sf) =	vpush v1, $0xD  }
0x123: {  	v40 =	vld [tilespmem:$0x1180];
	s4 =	sadd.f32 s9, s4;
	v0 =	vadd.f32 v33, v0;
	s12 =	spop (v2sf);
	(v2sf) =	vpush v1, $0xE  }
0x124: {  	v38 =	vld [tilespmem:$0x2500];
	s20 =	spop (v2sf);
	(v2sf) =	vpush v1, $0xF  }
0x125: {  	v42 =	vld [tilespmem:$0x1400];
	v39 =	vadd.f32 v34, v2;
	s4 =	sadd.f32 s4, s10;
	s26 =	spop (v2sf);
	(v2sf) =	vpush v0, $0x0  }
0x126: {  	v41 =	vld [tilespmem:$0x2780];
	v4 =	vadd.f32 v37, v36;
	s24 =	spop (v2sf);
	(v2sf) =	vpush v0, $0x1  }
0x127: {  	v44 =	vld [tilespmem:$0x1680];
	s3 =	sadd.f32 s4, s3;
	v1 =	vadd.f32 v35, v39;
	s21 =	spop (v2sf);
	(v2sf) =	vpush v0, $0x2  }
0x128: {  	v43 =	vld [tilespmem:$0x2A00];
	v2 =	vadd.f32 v40, v4;
	s17 =	spop (v2sf);
	(v2sf) =	vpush v0, $0x3  }
0x129: {  	v46 =	vld [tilespmem:$0x1900];
	s3 =	sadd.f32 s3, s30;
	v1 =	vadd.f32 v38, v1;
	s29 =	spop (v2sf);
	(v2sf) =	vpush v0, $0x4  }
0x12a: {  	v45 =	vld [tilespmem:$0x2C80];
	v2 =	vadd.f32 v42, v2;
	[dreg:$0x7] =	wrdreg s12;
	(v2sf) =	vpush v0, $0x5;
	s12 =	spop (v2sf)  }
0x12b: {  	v48 =	vld [tilespmem:$0x1B80];
	v1 =	vadd.f32 v41, v1;
	(v2sf) =	vpush v0, $0x6;
	s13 =	spop (v2sf)  }
0x12c: {  	v47 =	vld [tilespmem:$0x2F00];
	v2 =	vadd.f32 v44, v2;
	s3 =	sadd.f32 s3, s11;
	(v2sf) =	vpush v0, $0x7;
	s15 =	spop (v2sf)  }
0x12d: {  	v50 =	vld [tilespmem:$0x1E00];
	v1 =	vadd.f32 v43, v1;
	(v2sf) =	vpush v0, $0x8;
	s31 =	spop (v2sf)  }
0x12e: {  	v49 =	vld [tilespmem:$0x3180];
	v2 =	vadd.f32 v46, v2;
	s3 =	sadd.f32 s3, s28;
	(v2sf) =	vpush v0, $0x9;
	s8 =	spop (v2sf)  }
0x12f: {  	v1 =	vadd.f32 v45, v1;
	(v2sf) =	vpush v0, $0xA;
	s9 =	spop (v2sf)  }
0x130: {  	v51 =	vld [tilespmem:$0x2080];
	v2 =	vadd.f32 v48, v2;
	s3 =	sadd.f32 s3, s25;
	(v2sf) =	vpush v0, $0xB;
	s14 =	spop (v2sf)  }
0x131: {  	s20 =	sadd.f32 s26, s20;
	v1 =	vadd.f32 v47, v1;
	(v2sf) =	vpush v0, $0xC;
	s16 =	spop (v2sf)  }
0x132: {  	v52 =	vld [tilespmem:$0x2300];
	v2 =	vadd.f32 v50, v2;
	s3 =	sadd.f32 s3, s18;
	(v2sf) =	vpush v0, $0xD;
	s19 =	spop (v2sf)  }
0x133: {  	[dreg:$0x8] =	wrdreg s9;
	v1 =	vadd.f32 v49, v1;
	(v2sf) =	vpush v0, $0xE;
	s9 =	spop (v2sf)  }
0x134: {  	v53 =	vld [tilespmem:$0x2580];
	[dreg:$0xd] =	wrdreg s29;
	(v2sf) =	vpush v0, $0xF;
	s29 =	spop (v2sf)  }
0x135: {  	v2 =	vadd.f32 v51, v2;
	s24 =	sadd.f32 s20, s24;
	(v2sf) =	vpush v1, $0x0;
	s30 =	spop (v2sf)  }
0x136: {  	v54 =	vld [tilespmem:$0x2800];
	s3 =	sadd.f32 s3, s5;
	(v2sf) =	vpush v1, $0x1;
	s10 =	spop (v2sf)  }
0x137: {  	v2 =	vadd.f32 v52, v2;
	[dreg:$0xa] =	wrdreg s8;
	(v2sf) =	vpush v1, $0x2;
	s8 =	spop (v2sf)  }
0x138: {  	v55 =	vld [tilespmem:$0x2A80];
	s21 =	sadd.f32 s24, s21;
	(v2sf) =	vpush v1, $0x3;
	s6 =	spop (v2sf)  }
0x139: {  	[dreg:$0xb] =	wrdreg s16;
	v0 =	vadd.f32 v53, v2;
	(v2sf) =	vpush v1, $0x4;
	s16 =	spop (v2sf)  }
0x13a: {  	v56 =	vld [tilespmem:$0x2D00];
	[dreg:$0x9] =	wrdreg s14;
	(v2sf) =	vpush v1, $0x5;
	s14 =	spop (v2sf)  }
0x13b: {  	s3 =	sadd.f32 s3, s0;
	v0 =	vadd.f32 v54, v0;
	(v2sf) =	vpush v1, $0x6;
	s11 =	spop (v2sf)  }
0x13c: {  	v57 =	vld [tilespmem:$0x2F80];
	s17 =	sadd.f32 s21, s17;
	(v2sf) =	vpush v1, $0x7;
	s22 =	spop (v2sf)  }
0x13d: {  	s21 =	rddreg [dreg:$0xd];
	v0 =	vadd.f32 v55, v0;
	(v2sf) =	vpush v1, $0x8;
	s23 =	spop (v2sf)  }
0x13e: {  	v58 =	vld [tilespmem:$0x3200];
	[dreg:$0xe] =	wrdreg s31;
	(v2sf) =	vpush v1, $0x9;
	s18 =	spop (v2sf)  }
0x13f: {  	[dreg:$0xc] =	wrdreg s19;
	v0 =	vadd.f32 v56, v0;
	(v2sf) =	vpush v1, $0xA;
	s19 =	spop (v2sf)  }
0x140: {  	s30 =	sadd.f32 s30, s29;
	(v2sf) =	vpush v1, $0xB;
	s31 =	spop (v2sf)  }
0x141: {  	s1 =	sadd.f32 s3, s1;
	v0 =	vadd.f32 v57, v0;
	(v2sf) =	vpush v1, $0xC;
	s0 =	spop (v2sf)  }
0x142: {  	s10 =	sadd.f32 s30, s10;
	(v2sf) =	vpush v1, $0xD;
	s25 =	spop (v2sf)  }
0x143: {  	s4 =	sadd.f32 s1, s2;
	v0 =	vadd.f32 v58, v0;
	(v2sf) =	vpush v1, $0xE;
	s28 =	spop (v2sf)  }
0x144: {  	s8 =	sadd.f32 s10, s8;
	(v2sf) =	vpush v1, $0xF;
	s26 =	spop (v2sf)  }
0x145: {  	s10 =	sadd.f32 s17, s21;
	(v2sf) =	vpush v0, $0x0;
	s3 =	spop (v2sf)  }
0x146: {  	s6 =	sadd.f32 s8, s6;
	(v2sf) =	vpush v0, $0x1;
	s5 =	spop (v2sf)  }
0x147: {  	s10 =	sadd.f32 s10, s12;
	s1 =	spop (v2sf)  }
0x148: {  	s6 =	sadd.f32 s6, s16;
	(v2sf) =	vpush v0, $0x2;
	s2 =	spop (v2sf)  }
0x149: {  	s8 =	sadd.f32 s10, s13;
	s29 =	spop (v2sf)  }
0x14a: {  	s6 =	sadd.f32 s6, s14;
	(v2sf) =	vpush v0, $0x3;
	s30 =	spop (v2sf)  }
0x14b: {  	s8 =	sadd.f32 s8, s15;
	s24 =	spop (v2sf)  }
0x14c: {  	s6 =	sadd.f32 s6, s11;
	(v2sf) =	vpush v0, $0x4;
	s21 =	spop (v2sf)  }
0x14d: {  	s11 =	rddreg [dreg:$0xe];
	s20 =	spop (v2sf)  }
0x14e: {  	s6 =	sadd.f32 s6, s22;
	(v2sf) =	vpush v0, $0x5;
	s17 =	spop (v2sf)  }
0x14f: {  	s8 =	sadd.f32 s8, s11;
	s12 =	spop (v2sf)  }
0x150: {  	s6 =	sadd.f32 s6, s23;
	(v2sf) =	vpush v0, $0x6;
	s13 =	spop (v2sf)  }
0x151: {  	s3 =	sadd.f32 s3, s26;
	s14 =	spop (v2sf)  }
0x152: {  	s6 =	sadd.f32 s6, s18;
	(v2sf) =	vpush v0, $0x7;
	s16 =	spop (v2sf)  }
0x153: {  	s3 =	sadd.f32 s3, s5;
	s15 =	spop (v2sf)  }
0x154: {  	s6 =	sadd.f32 s6, s19;
	(v2sf) =	vpush v0, $0x8;
	s11 =	spop (v2sf)  }
0x155: {  	s1 =	sadd.f32 s3, s1;
	s22 =	spop (v2sf)  }
0x156: {  	(v2sf) =	vpush v0, $0x9;
	s10 =	sadd.f32 s22, s11  }
0x157: {  	s6 =	sadd.f32 s6, s31;
	s22 =	spop (v2sf)  }
0x158: {  	(v2sf) =	vpush v0, $0xA;
	s10 =	sadd.f32 s10, s22  }
0x159: {  	s1 =	sadd.f32 s1, s2;
	s23 =	spop (v2sf)  }
0x15a: {  	(v2sf) =	vpush v0, $0xB;
	s10 =	sadd.f32 s10, s23  }
0x15b: {  	s0 =	sadd.f32 s6, s0;
	s18 =	spop (v2sf)  }
0x15c: {  	(v2sf) =	vpush v0, $0xC;
	s10 =	sadd.f32 s10, s18  }
0x15d: {  	s1 =	sadd.f32 s1, s29;
	s19 =	spop (v2sf)  }
0x15e: {  	(v2sf) =	vpush v0, $0xD;
	s10 =	sadd.f32 s10, s19  }
0x15f: {  	s0 =	sadd.f32 s0, s25;
	s22 =	spop (v2sf)  }
0x160: {  	(v2sf) =	vpush v0, $0xE;
	s6 =	sadd.f32 s10, s22  }
0x161: {  	s1 =	sadd.f32 s1, s30;
	s23 =	spop (v2sf)  }
0x162: {  	(v2sf) =	vpush v0, $0xF;
	s6 =	sadd.f32 s6, s23  }
0x163: {  	s0 =	sadd.f32 s0, s28;
	s25 =	spop (v2sf)  }
0x164: {  	s6 =	sadd.f32 s6, s25  }
0x165: {  	s1 =	sadd.f32 s1, s24;
	s26 =	spop (v2sf)  }
0x166: {  	s6 =	sadd.f32 s6, s26  }
0x167: {  	s24 =	rddreg [dreg:$0xb];
	s28 =	spop (v2sf)  }
0x168: {  	s5 =	sadd.f32 s6, s28  }
0x169: {  	s19 =	sadd.f32 s1, s21;
	s31 =	spop (v2sf)  }
0x16a: {  	s3 =	sadd.f32 s5, s31  }
0x16b: {  	s21 =	rddreg [dreg:$0xa];
	s6 =	spop (v2sf)  }
0x16c: {  	s2 =	sadd.f32 s3, s6  }
0x16d: {  	s1 =	sadd.f32 s8, s21;
	s10 =	spop (v2sf)  }
0x16e: {  	s2 =	sadd.f32 s2, s10  }
0x16f: {  	v59 =	vmov s0;
	s0 =	sadd.f32 s19, s20;
	s11 =	spop (v2sf)  }
0x170: {  	s2 =	sadd.f32 s2, s11  }
0x171: {  	s22 =	rddreg [dreg:$0x8];
	s18 =	spop (v2sf)  }
0x172: {  	s2 =	sadd.f32 s2, s18  }
0x173: {  	v0 =	vmul.f32 $5.000000000e+00, v59;
	s1 =	sadd.f32 s1, s22  }
0x174: {  	s0 =	sadd.f32 s0, s17;
	v60 =	vmov s2  }
0x175: {  	v0 =	vbroadcast v0, $0x0;
	s23 =	rddreg [dreg:$0x9];
	v1 =	vmul.f32 $5.000000000e+00, v60  }
0x176: {  	s1 =	sadd.f32 s1, s23  }
0x177: {  	(erf) = vrcp.f32 v0;
	s0 =	sadd.f32 s0, s12;
	v61 =	vbroadcast v1, $0x0  }
0x178: {  	s25 =	rddreg [dreg:$0xc]  }
0x179: {  	s1 =	sadd.f32 s1, s24;
	(erf) = vrcp.f32 v61  }
0x17a: {  	s0 =	sadd.f32 s0, s13  }
0x17b: {  	s26 =	rddreg [dreg:$0x7]  }
0x17c: {  	s0 =	sadd.f32 s0, s14  }
0x17d: {  	s1 =	sadd.f32 s1, s25  }
0x17e: {  	s0 =	sadd.f32 s0, s16  }
0x17f: {  	s1 =	sadd.f32 s1, s9  }
0x180: {  	v62 =	vpop (erf);
	s0 =	sadd.f32 s0, s15  }
0x181: {  	v0 =	vmul.f32 s1, v62;
	s2 =	sadd.f32 s4, s26  }
0x182: {  	v63 =	vpop (erf)  }
0x183: {  	v0 =	vsub.f32 s2, v0;
	v1 =	vmul.f32 s0, v63;
	_ =	sdelay $0x1  }
0x184: {  	v0 =	vsub.f32 v0, v1;
	_ =	sdelay $0x1  }
0x185: {  	s29 =	rddreg [dreg:$0x4];
	s30 =	simm.s32 $0x0;
	s28 =	simm.s32 $0x32D0;
	[tilespmem:$0x32D0] =	vst v0  }
0x186: {  	[hbm4b:s29+s30] =	stream.linear.scatter [tilespmem:s28], [sflag:$0x2], $0x80, $0x38;
	[tilespmem:$0x3350] =	vst v63  }
0x187: {  	_ =	swait.ge [sflag:s7], $0x80  }
0x188: {  	[sflag:s7] =	ssyncset.done $0x0  }
0x189: {  	[sflag:s7] =	ssyncadd.s32 $0xFFFFFF80  }
0x18a: {  	_ =	sfence.sel $0x180000  }
0x18b: {  	[bflag:$0x0] =	sbarrier.arrive $0xFFFF  }
0x18c: {  	_ =	strace $0x90000047  }
0x18d: {  	[bflag:$0x2] =	sbarrier.arrive $0xFFFF  }
0x18e: {  	s31 =	rddreg [dreg:$0x6]  }
0x18f: {  	s0 =	sadd.s32 $0x100000, s31  }
0x190: {  	[sflag:s0] =	ssyncadd.tile.s32 $0x1;
	_ =	shalt  }
.Lfunc_end2:
_tile_overlayer_lowered:
.L_overlay_start_2:
0x191: {  	(tag) =	ssettag $0x2  }
0x192: {  	s0 =	rddreg [dreg:$0x0];
	s2 =	stileid.u32  }
0x193: {  	s1 =	rddreg [dreg:$0x1];
	p0 =	sne.s32 s2, $0x0  }
0x194: {  	s3 =	rddreg [dreg:$0x2];
	[bflag:$0x3] =	sbarrier.arrive $0xFFFF;
	s2 =	simm.s32 @!p0 $0x1C02  }
0x195: {  	[timem:s3], [sflag:s2] =	dma.local @!p0 [hbm:s0], s1  }
0x196: {  	s0 =	simm.s32 @!p0 $0x2  }
0x197: {  	_ =	swait.ge @!p0 [sflag:s0], s1  }
0x198: {  	s1 =	ssub.s32 @!p0 $0x0, s1;
	[sflag:s0] =	ssyncset.done @!p0 $0x0  }
0x199: {  	[sflag:s0] =	ssyncadd.s32 @!p0 s1  }
0x19a: {  	[bflag:$0x3] =	sbarrier.arrive $0xFFFF  }
0x19b: {  	_ =	shalt  }

</sc_bundles>
